<compile_context>
chip_gen: v7x
topology: tpu7x:2x2x1
jax: 0.10.2.dev20260603
libtpu: 0.0.44.dev20260713+nightly
codegen_flags: <defaults>
</compile_context>

<pallas_src>
import jax
import jax.numpy as jnp
from jax import lax
from jax.experimental import pallas as pl
from jax.experimental.pallas import tpu as pltpu
from jax.experimental.pallas import tpu_sc as plsc

N = 10000
E = 160000
FIN = 256
H = 256
OUTD = 128
G = 64

NP = 10240
BLK = 2048
NB = NP // BLK
PADN = NP - N
EP = 163840
PADE = EP - E
CH = 128
DEPTH = 2
NC, NS = 2, 16
RPS = NP // NS
HALF = 128
DEG_CHUNKS = EP // (NC * NS) // CH
EDGE_CHUNKS = EP // NS // CH
NPH = 2
HC = EDGE_CHUNKS // NPH


def _sc_degree_body(dst_ref, zeros_ref, ones_ref, out_ref, idx_v, ones_v, acc_sh):
    c = lax.axis_index("c")
    s = lax.axis_index("s")
    base = s * RPS
    pltpu.sync_copy(zeros_ref, acc_sh.at[pl.ds(base, RPS)])
    pltpu.sync_copy(ones_ref, ones_v)
    pltpu.sync_copy(dst_ref.at[c].at[s], idx_v)
    plsc.subcore_barrier()

    def body(j, carry):
        pltpu.sync_copy(ones_v, acc_sh.at[idx_v.at[j]], add=True)
        return carry

    lax.fori_loop(0, DEG_CHUNKS, body, 0)
    plsc.subcore_barrier()
    pltpu.sync_copy(acc_sh.at[pl.ds(base, RPS)], out_ref.at[c].at[pl.ds(base, RPS)])


def _sc_scatter_body(hsa_ref, hsb_ref, src_ref, dst_ref, zeros_ref, out_ref,
                     srcv, dstv, *rest):
    msgs, acc_sh, sem = rest[:DEPTH], rest[DEPTH], rest[DEPTH + 1]
    c = lax.axis_index("c")
    s = lax.axis_index("s")
    base = s * RPS
    pltpu.sync_copy(zeros_ref, acc_sh.at[pl.ds(base, RPS)])
    plsc.subcore_barrier()

    def run(table_ref):
        def phase(ph, carry):
            pltpu.sync_copy(src_ref.at[s].at[pl.ds(ph * HC, HC)], srcv)
            pltpu.sync_copy(dst_ref.at[s].at[pl.ds(ph * HC, HC)], dstv)
            for b in range(DEPTH - 1):
                pltpu.async_copy(table_ref.at[srcv.at[b]], msgs[b], sem)

            def body(k, carry2):
                j = DEPTH * k
                for b in range(DEPTH):
                    m = msgs[b]
                    pltpu.make_async_copy(table_ref.at[srcv.at[j + b]], m,
                                          sem).wait()
                    nxt = j + b + DEPTH - 1

                    @pl.when(nxt < HC)
                    def _():
                        pltpu.async_copy(table_ref.at[srcv.at[nxt]],
                                         msgs[(b + DEPTH - 1) % DEPTH], sem)

                    pltpu.sync_copy(m, acc_sh.at[dstv.at[j + b]], add=True)
                return carry2

            lax.fori_loop(0, HC // DEPTH, body, 0)
            return carry

        lax.fori_loop(0, NPH, phase, 0)

    @pl.when(c == 0)
    def _():
        run(hsa_ref)

    @pl.when(c == 1)
    def _():
        run(hsb_ref)

    plsc.subcore_barrier()
    pltpu.sync_copy(acc_sh.at[pl.ds(base, RPS)], out_ref.at[c].at[pl.ds(base, RPS)])


def _dinv(dega_ref, degb_ref):
    return lax.rsqrt(1.0 + dega_ref[0] + degb_ref[0])


def _tc_prep_body(x_ref, dega_ref, degb_ref, wpre_ref, bpre_ref, g_ref, beta_ref,
                  w0_ref, xs_ref, hsa_ref, hsb_ref):
    xb = x_ref[...]
    pre = jnp.dot(xb, wpre_ref[...], preferred_element_type=jnp.float32) + bpre_ref[...]
    pre = pre * (g_ref[...] * lax.rsqrt(jnp.float32(1.0 + 1e-5))) + beta_ref[...]
    xs_ref[...] = jnp.maximum(pre, 0.0)
    dinv = _dinv(dega_ref, degb_ref)
    hs = jnp.dot(xb, w0_ref[...], preferred_element_type=jnp.float32) * dinv
    hsa_ref[...] = hs[:, :HALF]
    hsb_ref[...] = hs[:, HALF:]


def _tc_layer_body(acca_ref, accb_ref, hsa_ref, hsb_ref, dega_ref, degb_ref,
                   xs_ref, b_ref, w_ref, outa_ref, outb_ref):
    dinv = _dinv(dega_ref, degb_ref)
    agg = jnp.concatenate(
        [acca_ref[0] + hsa_ref[...], accb_ref[0] + hsb_ref[...]], axis=1)
    h = jnp.maximum(agg * dinv + b_ref[...], 0.0) + xs_ref[...]
    hs = jnp.dot(h, w_ref[...], preferred_element_type=jnp.float32) * dinv
    outa_ref[...] = hs[:, :HALF]
    outb_ref[...] = hs[:, HALF:]


def _tc_final_body(acca_ref, accb_ref, hsa_ref, hsb_ref, dega_ref, degb_ref,
                   xs_ref, b_ref, batch_ref, wlin_ref, blin_ref, out_ref, pool_acc):
    i = pl.program_id(0)
    dinv = _dinv(dega_ref, degb_ref)
    agg = jnp.concatenate(
        [acca_ref[0] + hsa_ref[...], accb_ref[0] + hsb_ref[...]], axis=1)
    h = jnp.maximum(agg * dinv + b_ref[...], 0.0) + xs_ref[...]
    seg = batch_ref[...]
    iota = lax.broadcasted_iota(jnp.int32, (1, G), 1)
    p = (seg == iota).astype(jnp.float32)
    part = lax.dot_general(p, h, (((0,), (0,)), ((), ())),
                           preferred_element_type=jnp.float32)

    @pl.when(i == 0)
    def _():
        pool_acc[...] = part

    @pl.when(i > 0)
    def _():
        pool_acc[...] += part

    @pl.when(i == NB - 1)
    def _():
        out_ref[...] = (jnp.dot(pool_acc[...], wlin_ref[...],
                                preferred_element_type=jnp.float32) + blin_ref[...])


def _node_spec(width):
    return pl.BlockSpec((BLK, width), lambda i: (i, 0))


def _acc_specs():
    return [pl.BlockSpec((1, BLK, HALF), lambda i: (0, i, 0)),
            pl.BlockSpec((1, BLK, HALF), lambda i: (1, i, 0))]


def _deg_specs():
    return [pl.BlockSpec((1, BLK, 1), lambda i: (0, i, 0)),
            pl.BlockSpec((1, BLK, 1), lambda i: (1, i, 0))]


def _full_spec(shape):
    n = len(shape)
    return pl.BlockSpec(shape, lambda i: (0,) * n)


def kernel(x, edge_index, batch, W0, b0, W1, b1, W2, b2, W_pre, b_pre,
           bn_gamma, bn_beta, W_lin, b_lin):
    f32, i32 = jnp.float32, jnp.int32
    x = x.astype(f32)
    src = edge_index[0].astype(i32)
    dst = edge_index[1].astype(i32)

    pad_i = jnp.arange(PADE, dtype=i32)
    src_p = jnp.concatenate([src, pad_i & 1023])
    dst_p = jnp.concatenate([dst, N + pad_i % PADN])
    src_r = src_p.reshape(NS, EDGE_CHUNKS, CH)
    dst_m = dst_p.reshape(NS, EDGE_CHUNKS, CH)
    dst_d = dst_p.reshape(NC, NS, DEG_CHUNKS, CH)

    x_pad = jnp.concatenate([x, jnp.zeros((PADN, FIN), f32)])
    batch_pad = jnp.concatenate(
        [batch.astype(i32), jnp.full((PADN,), G, i32)]).reshape(NP, 1)
    b0r = b0.astype(f32).reshape(1, H)
    b1r = b1.astype(f32).reshape(1, H)
    b2r = b2.astype(f32).reshape(1, H)
    bprer = b_pre.astype(f32).reshape(1, H)
    gammar = bn_gamma.astype(f32).reshape(1, H)
    betar = bn_beta.astype(f32).reshape(1, H)
    blinr = b_lin.astype(f32).reshape(1, OUTD)

    zeros1 = jnp.zeros((RPS,), f32)
    ones1 = jnp.ones((CH,), f32)
    zeros2 = jnp.zeros((RPS, HALF), f32)

    mesh = plsc.VectorSubcoreMesh(core_axis_name="c", subcore_axis_name="s")

    deg_parts = pl.kernel(
        _sc_degree_body,
        out_type=jax.ShapeDtypeStruct((NC, NP), f32),
        mesh=mesh,
        scratch_types=[
            pltpu.VMEM((DEG_CHUNKS, CH), i32),
            pltpu.VMEM((CH,), f32),
            pltpu.VMEM_SHARED((NP,), f32),
        ],
    )(dst_d, zeros1, ones1)
    degp = deg_parts.reshape(NC, NP, 1)

    sc_scatter = pl.kernel(
        _sc_scatter_body,
        out_type=jax.ShapeDtypeStruct((NC, NP, HALF), f32),
        mesh=mesh,
        scratch_types=[
            pltpu.VMEM((HC, CH), i32),
            pltpu.VMEM((HC, CH), i32),
        ] + [pltpu.VMEM((CH, HALF), f32)] * DEPTH + [
            pltpu.VMEM_SHARED((NP, HALF), f32),
            pltpu.SemaphoreType.DMA,
        ],
    )

    xs, hs_a, hs_b = pl.pallas_call(
        _tc_prep_body,
        grid=(NB,),
        in_specs=[_node_spec(FIN)] + _deg_specs() + [
            _full_spec((FIN, H)), _full_spec((1, H)), _full_spec((1, H)),
            _full_spec((1, H)), _full_spec((FIN, H)),
        ],
        out_specs=[_node_spec(H), _node_spec(HALF), _node_spec(HALF)],
        out_shape=[
            jax.ShapeDtypeStruct((NP, H), f32),
            jax.ShapeDtypeStruct((NP, HALF), f32),
            jax.ShapeDtypeStruct((NP, HALF), f32),
        ],
    )(x_pad, degp, degp, W_pre.astype(f32), bprer, gammar, betar, W0.astype(f32))

    layer_call = pl.pallas_call(
        _tc_layer_body,
        grid=(NB,),
        in_specs=_acc_specs() + [_node_spec(HALF), _node_spec(HALF)] +
                 _deg_specs() + [_node_spec(H), _full_spec((1, H)),
                                 _full_spec((H, H))],
        out_specs=[_node_spec(HALF), _node_spec(HALF)],
        out_shape=[
            jax.ShapeDtypeStruct((NP, HALF), f32),
            jax.ShapeDtypeStruct((NP, HALF), f32),
        ],
    )

    for (W, br) in ((W1, b0r), (W2, b1r)):
        acc = sc_scatter(hs_a, hs_b, src_r, dst_m, zeros2)
        hs_a, hs_b = layer_call(acc, acc, hs_a, hs_b, degp, degp, xs, br,
                                W.astype(f32))

    acc = sc_scatter(hs_a, hs_b, src_r, dst_m, zeros2)

    out = pl.pallas_call(
        _tc_final_body,
        grid=(NB,),
        in_specs=_acc_specs() + [_node_spec(HALF), _node_spec(HALF)] +
                 _deg_specs() + [_node_spec(H), _full_spec((1, H)),
                                 _node_spec(1), _full_spec((H, OUTD)),
                                 _full_spec((1, OUTD))],
        out_specs=pl.BlockSpec((G, OUTD), lambda i: (0, 0)),
        out_shape=jax.ShapeDtypeStruct((G, OUTD), f32),
        scratch_shapes=[pltpu.VMEM((G, H), f32)],
    )(acc, acc, hs_a, hs_b, degp, degp, xs, b2r, batch_pad,
      W_lin.astype(f32), blinr)

    return out

# --- scband reference (transcript-rebuilt; emitter-appended) ---
"""Pipeline reference for scband-gcngpp-89859305766971 (READ-ONLY COPY).

The authoritative reference and input builder live on the scoring server;
editing this copy changes nothing except your own understanding.
"""

import jax, jax.numpy as jnp
import numpy as np

N = 10000
E = 160000
F_IN = 256
H = 256
OUT = 128
G = 64


def setup_inputs(seed: int = 0) -> dict:
    key = jax.random.key(seed)
    ks = jax.random.split(key, 16)
    x = jax.random.normal(ks[0], (N, F_IN), dtype=jnp.float32)
    edge_index = jax.random.randint(ks[1], (2, E), 0, N)
    batch = jnp.sort(jax.random.randint(ks[2], (N,), 0, G))
    W0 = jax.random.normal(ks[3], (F_IN, H), dtype=jnp.float32) * 0.05
    b0 = jnp.zeros((H,), dtype=jnp.float32)
    W1 = jax.random.normal(ks[4], (H, H), dtype=jnp.float32) * 0.05
    b1 = jnp.zeros((H,), dtype=jnp.float32)
    W2 = jax.random.normal(ks[5], (H, H), dtype=jnp.float32) * 0.05
    b2 = jnp.zeros((H,), dtype=jnp.float32)
    W_pre = jax.random.normal(ks[6], (F_IN, H), dtype=jnp.float32) * 0.05
    b_pre = jnp.zeros((H,), dtype=jnp.float32)
    bn_gamma = jnp.ones((H,), dtype=jnp.float32)
    bn_beta = jnp.zeros((H,), dtype=jnp.float32)
    W_lin = jax.random.normal(ks[7], (H, OUT), dtype=jnp.float32) * 0.05
    b_lin = jnp.zeros((OUT,), dtype=jnp.float32)
    return {"x": x, "edge_index": edge_index, "batch": batch,
            "W0": W0, "b0": b0, "W1": W1, "b1": b1, "W2": W2, "b2": b2,
            "W_pre": W_pre, "b_pre": b_pre, "bn_gamma": bn_gamma, "bn_beta": bn_beta,
            "W_lin": W_lin, "b_lin": b_lin}


def reference(x, edge_index, batch, W0, b0, W1, b1, W2, b2, W_pre, b_pre, bn_gamma, bn_beta, W_lin, b_lin):
    # PyG-style GCNConv: add self-loops, symmetric degree normalization
    self_loop = jnp.arange(N)
    src = jnp.concatenate([edge_index[0], self_loop])
    dst = jnp.concatenate([edge_index[1], self_loop])
    deg = jax.ops.segment_sum(jnp.ones_like(src, dtype=jnp.float32), dst, num_segments=N)
    dinv = jax.lax.rsqrt(jnp.clip(deg, 1.0))
    norm = dinv[src] * dinv[dst]

    def gcn_conv(h, W, b):
        hw = h @ W
        msg = hw[src] * norm[:, None]
        agg = jax.ops.segment_sum(msg, dst, num_segments=N)
        return agg + b

    # skip branch: Linear -> BatchNorm1d (eval mode, running stats mean=0, var=1) -> ReLU
    pre = x @ W_pre + b_pre
    pre = pre * (bn_gamma / jnp.sqrt(1.0 + 1e-5)) + bn_beta
    x_skip = jax.nn.relu(pre)

    h = x
    for (W, b) in ((W0, b0), (W1, b1), (W2, b2)):
        h = gcn_conv(h, W, b)
        h = jax.nn.relu(h)
        # dropout is identity in eval mode
        h = h + x_skip

    pooled = jax.ops.segment_sum(h, batch, num_segments=G)
    out = pooled @ W_lin + b_lin
    return out

if __name__ == "__main__":
    import jax
    _d = setup_inputs()
    print(jax.jit(kernel)(*tuple(_d.values())))

</pallas_src>

<mosaic_0001>
#map = affine_map<(d0, d1) -> (0, 0, 0, 0)>
#map1 = affine_map<(d0, d1) -> (0)>
#map2 = affine_map<(d0, d1) -> (0, 0)>
module attributes {stable_mosaic.version = 14 : i64} {
  func.func @_sc_degree_body(%arg0: i32, %arg1: i32, %arg2: memref<2x16x40x128xi32, #tpu.memory_space<hbm>>, %arg3: memref<640xf32, #tpu.memory_space<hbm>>, %arg4: memref<128xf32, #tpu.memory_space<hbm>>, %arg5: memref<2x10240xf32, #tpu.memory_space<hbm>>, %arg6: memref<40x128xi32, #tpu.memory_space<vmem>>, %arg7: memref<128xf32, #tpu.memory_space<vmem>>, %arg8: memref<10240xf32, #tpu.memory_space<vmem_shared>>) attributes {dimension_semantics = [#tpu.dimension_semantics<core_parallel>, #tpu.dimension_semantics<subcore_parallel>], iteration_bounds = array<i64: 2, 16>, scalar_prefetch = 0 : i64, scratch_operands = 3 : i64, tpu.core_type = #tpu.core_type<sc_vector_subcore>, window_params = [{transform_indices = #map}, {transform_indices = #map1}, {transform_indices = #map1}, {transform_indices = #map2}]} {
    %mul3A = arith.constant 640 : i32
    %mul3A_0 = arith.muli %arg1, %mul3A : i32
    "tpu.region"() ({
      %run_scoped3A = tpu.sem_alloc : memref<!tpu.dma_semaphore, #tpu.memory_space<semaphore_mem>>
      %dma_start3A = tpu.memref_slice %arg8[%mul3A_0] : memref<10240xf32, #tpu.memory_space<vmem_shared>> -> memref<640xf32, #tpu.memory_space<vmem_shared>>
      tpu.enqueue_dma source(%arg3 : memref<640xf32, #tpu.memory_space<hbm>>) target(%dma_start3A : memref<640xf32, #tpu.memory_space<vmem_shared>>) target_semaphore(%run_scoped3A : memref<!tpu.dma_semaphore, #tpu.memory_space<semaphore_mem>>)
      %dma_wait3A = tpu.memref_slice %arg8[%mul3A_0] : memref<10240xf32, #tpu.memory_space<vmem_shared>> -> memref<640xf32, #tpu.memory_space<vmem_shared>>
      tpu.wait_dma2 semaphore(%run_scoped3A : memref<!tpu.dma_semaphore, #tpu.memory_space<semaphore_mem>>) src(%arg3 : memref<640xf32, #tpu.memory_space<hbm>>) dst(%dma_wait3A : memref<640xf32, #tpu.memory_space<vmem_shared>>)
      tpu.yield
    }) : () -> ()
    "tpu.region"() ({
      %run_scoped3A = tpu.sem_alloc : memref<!tpu.dma_semaphore, #tpu.memory_space<semaphore_mem>>
      tpu.enqueue_dma source(%arg4 : memref<128xf32, #tpu.memory_space<hbm>>) target(%arg7 : memref<128xf32, #tpu.memory_space<vmem>>) target_semaphore(%run_scoped3A : memref<!tpu.dma_semaphore, #tpu.memory_space<semaphore_mem>>)
      tpu.wait_dma2 semaphore(%run_scoped3A : memref<!tpu.dma_semaphore, #tpu.memory_space<semaphore_mem>>) src(%arg4 : memref<128xf32, #tpu.memory_space<hbm>>) dst(%arg7 : memref<128xf32, #tpu.memory_space<vmem>>)
      tpu.yield
    }) : () -> ()
    "tpu.region"() ({
      %run_scoped3A = tpu.sem_alloc : memref<!tpu.dma_semaphore, #tpu.memory_space<semaphore_mem>>
      %dma_start3A = arith.constant 0 : i32
      %dma_start3A_7 = arith.constant 0 : i32
      %dma_start3A_8 = arith.constant 0 : i32
      %dma_start3A_9 = tpu.memref_slice %arg2[%arg0, %dma_start3A, %dma_start3A_7, %dma_start3A_8] : memref<2x16x40x128xi32, #tpu.memory_space<hbm>> -> memref<1x16x40x128xi32, #tpu.memory_space<hbm>>
      %dma_start3A_10 = tpu.memref_squeeze %dma_start3A_9 : memref<1x16x40x128xi32, #tpu.memory_space<hbm>> -> memref<16x40x128xi32, #tpu.memory_space<hbm>>
      %dma_start3A_11 = arith.constant 0 : i32
      %dma_start3A_12 = arith.constant 0 : i32
      %dma_start3A_13 = tpu.memref_slice %dma_start3A_10[%arg1, %dma_start3A_11, %dma_start3A_12] : memref<16x40x128xi32, #tpu.memory_space<hbm>> -> memref<1x40x128xi32, #tpu.memory_space<hbm>>
      %dma_start3A_14 = tpu.memref_squeeze %dma_start3A_13 : memref<1x40x128xi32, #tpu.memory_space<hbm>> -> memref<40x128xi32, #tpu.memory_space<hbm>>
      %dma_start3A_15 = arith.constant 0 : i32
      %dma_start3A_16 = arith.constant 0 : i32
      %dma_start3A_17 = arith.constant 0 : i32
      %dma_start3A_18 = tpu.memref_slice %arg2[%arg0, %dma_start3A_15, %dma_start3A_16, %dma_start3A_17] : memref<2x16x40x128xi32, #tpu.memory_space<hbm>> -> memref<1x16x40x128xi32, #tpu.memory_space<hbm>>
      %dma_start3A_19 = tpu.memref_squeeze %dma_start3A_18 : memref<1x16x40x128xi32, #tpu.memory_space<hbm>> -> memref<16x40x128xi32, #tpu.memory_space<hbm>>
      %dma_start3A_20 = arith.constant 0 : i32
      %dma_start3A_21 = arith.constant 0 : i32
      %dma_start3A_22 = tpu.memref_slice %dma_start3A_19[%arg1, %dma_start3A_20, %dma_start3A_21] : memref<16x40x128xi32, #tpu.memory_space<hbm>> -> memref<1x40x128xi32, #tpu.memory_space<hbm>>
      %dma_start3A_23 = tpu.memref_squeeze %dma_start3A_22 : memref<1x40x128xi32, #tpu.memory_space<hbm>> -> memref<40x128xi32, #tpu.memory_space<hbm>>
      tpu.enqueue_dma source(%dma_start3A_23 : memref<40x128xi32, #tpu.memory_space<hbm>>) target(%arg6 : memref<40x128xi32, #tpu.memory_space<vmem>>) target_semaphore(%run_scoped3A : memref<!tpu.dma_semaphore, #tpu.memory_space<semaphore_mem>>)
      %dma_wait3A = arith.constant 0 : i32
      %dma_wait3A_24 = arith.constant 0 : i32
      %dma_wait3A_25 = arith.constant 0 : i32
      %dma_wait3A_26 = tpu.memref_slice %arg2[%arg0, %dma_wait3A, %dma_wait3A_24, %dma_wait3A_25] : memref<2x16x40x128xi32, #tpu.memory_space<hbm>> -> memref<1x16x40x128xi32, #tpu.memory_space<hbm>>
      %dma_wait3A_27 = tpu.memref_squeeze %dma_wait3A_26 : memref<1x16x40x128xi32, #tpu.memory_space<hbm>> -> memref<16x40x128xi32, #tpu.memory_space<hbm>>
      %dma_wait3A_28 = arith.constant 0 : i32
      %dma_wait3A_29 = arith.constant 0 : i32
      %dma_wait3A_30 = tpu.memref_slice %dma_wait3A_27[%arg1, %dma_wait3A_28, %dma_wait3A_29] : memref<16x40x128xi32, #tpu.memory_space<hbm>> -> memref<1x40x128xi32, #tpu.memory_space<hbm>>
      %dma_wait3A_31 = tpu.memref_squeeze %dma_wait3A_30 : memref<1x40x128xi32, #tpu.memory_space<hbm>> -> memref<40x128xi32, #tpu.memory_space<hbm>>
      %dma_wait3A_32 = arith.constant 0 : i32
      %dma_wait3A_33 = arith.constant 0 : i32
      %dma_wait3A_34 = arith.constant 0 : i32
      %dma_wait3A_35 = tpu.memref_slice %arg2[%arg0, %dma_wait3A_32, %dma_wait3A_33, %dma_wait3A_34] : memref<2x16x40x128xi32, #tpu.memory_space<hbm>> -> memref<1x16x40x128xi32, #tpu.memory_space<hbm>>
      %dma_wait3A_36 = tpu.memref_squeeze %dma_wait3A_35 : memref<1x16x40x128xi32, #tpu.memory_space<hbm>> -> memref<16x40x128xi32, #tpu.memory_space<hbm>>
      %dma_wait3A_37 = arith.constant 0 : i32
      %dma_wait3A_38 = arith.constant 0 : i32
      %dma_wait3A_39 = tpu.memref_slice %dma_wait3A_36[%arg1, %dma_wait3A_37, %dma_wait3A_38] : memref<16x40x128xi32, #tpu.memory_space<hbm>> -> memref<1x40x128xi32, #tpu.memory_space<hbm>>
      %dma_wait3A_40 = tpu.memref_squeeze %dma_wait3A_39 : memref<1x40x128xi32, #tpu.memory_space<hbm>> -> memref<40x128xi32, #tpu.memory_space<hbm>>
      tpu.wait_dma2 semaphore(%run_scoped3A : memref<!tpu.dma_semaphore, #tpu.memory_space<semaphore_mem>>) src(%dma_wait3A_40 : memref<40x128xi32, #tpu.memory_space<hbm>>) dst(%arg6 : memref<40x128xi32, #tpu.memory_space<vmem>>)
      tpu.yield
    }) : () -> ()
    %barrier3A = arith.constant 0 : index
    tpu.barrier barrier_id(%barrier3A)
    %scan3A = arith.constant 0 : i32
    %scan3A_1 = arith.constant 0 : i32
    %scan3A_2 = arith.constant 40 : i32
    %scan3A_3 = arith.addi %scan3A_1, %scan3A_2 : i32
    %scan3A_4 = arith.constant 1 : i32
    scf.for %scan3A_7 = %scan3A_1 to %scan3A_3 step %scan3A_4  : i32 {
      "tpu.region"() ({
        %run_scoped3A = tpu.sem_alloc : memref<!tpu.dma_semaphore, #tpu.memory_space<semaphore_mem>>
        %dma_start3A = arith.constant 0 : i32
        %dma_start3A_8 = tpu.memref_slice %arg6[%scan3A_7, %dma_start3A] : memref<40x128xi32, #tpu.memory_space<vmem>> -> memref<1x128xi32, #tpu.memory_space<vmem>>
        %dma_start3A_9 = tpu.memref_squeeze %dma_start3A_8 : memref<1x128xi32, #tpu.memory_space<vmem>> -> memref<128xi32, #tpu.memory_space<vmem>>
        %dma_start3A_10 = arith.constant 0 : i32
        %dma_start3A_11 = tpu.memref_slice %arg8[%dma_start3A_10] : memref<10240xf32, #tpu.memory_space<vmem_shared>> -> memref<10240xf32, #tpu.memory_space<vmem_shared>>
        tpu.enqueue_indirect_dma source(%arg7 : memref<128xf32, #tpu.memory_space<vmem>>) target(%dma_start3A_11 : memref<10240xf32, #tpu.memory_space<vmem_shared>>) offsets(%dma_start3A_9 : memref<128xi32, #tpu.memory_space<vmem>>) semaphore(%run_scoped3A : memref<!tpu.dma_semaphore, #tpu.memory_space<semaphore_mem>>) {add = true}
        %dma_wait3A = arith.constant 0 : i32
        %dma_wait3A_12 = tpu.memref_slice %arg6[%scan3A_7, %dma_wait3A] : memref<40x128xi32, #tpu.memory_space<vmem>> -> memref<1x128xi32, #tpu.memory_space<vmem>>
        %dma_wait3A_13 = tpu.memref_squeeze %dma_wait3A_12 : memref<1x128xi32, #tpu.memory_space<vmem>> -> memref<128xi32, #tpu.memory_space<vmem>>
        %dma_wait3A_14 = arith.constant 0 : i32
        %dma_wait3A_15 = tpu.memref_slice %arg8[%dma_wait3A_14] : memref<10240xf32, #tpu.memory_space<vmem_shared>> -> memref<10240xf32, #tpu.memory_space<vmem_shared>>
        tpu.wait_indirect_dma semaphore(%run_scoped3A : memref<!tpu.dma_semaphore, #tpu.memory_space<semaphore_mem>>) src(%arg7 : memref<128xf32, #tpu.memory_space<vmem>>) dst(%dma_wait3A_15 : memref<10240xf32, #tpu.memory_space<vmem_shared>>)
        tpu.yield
      }) : () -> ()
    }
    %scan3A_5 = arith.constant 40 : i32
    %barrier3A_6 = arith.constant 0 : index
    tpu.barrier barrier_id(%barrier3A_6)
    "tpu.region"() ({
      %run_scoped3A = tpu.sem_alloc : memref<!tpu.dma_semaphore, #tpu.memory_space<semaphore_mem>>
      %dma_start3A = arith.constant 0 : i32
      %dma_start3A_7 = tpu.memref_slice %arg5[%arg0, %dma_start3A] : memref<2x10240xf32, #tpu.memory_space<hbm>> -> memref<1x10240xf32, #tpu.memory_space<hbm>>
      %dma_start3A_8 = tpu.memref_squeeze %dma_start3A_7 : memref<1x10240xf32, #tpu.memory_space<hbm>> -> memref<10240xf32, #tpu.memory_space<hbm>>
      %dma_start3A_9 = tpu.memref_slice %dma_start3A_8[%mul3A_0] : memref<10240xf32, #tpu.memory_space<hbm>> -> memref<640xf32, #tpu.memory_space<hbm>>
      %dma_start3A_10 = tpu.memref_slice %arg8[%mul3A_0] : memref<10240xf32, #tpu.memory_space<vmem_shared>> -> memref<640xf32, #tpu.memory_space<vmem_shared>>
      tpu.enqueue_dma source(%dma_start3A_10 : memref<640xf32, #tpu.memory_space<vmem_shared>>) target(%dma_start3A_9 : memref<640xf32, #tpu.memory_space<hbm>>) target_semaphore(%run_scoped3A : memref<!tpu.dma_semaphore, #tpu.memory_space<semaphore_mem>>)
      %dma_wait3A = arith.constant 0 : i32
      %dma_wait3A_11 = tpu.memref_slice %arg5[%arg0, %dma_wait3A] : memref<2x10240xf32, #tpu.memory_space<hbm>> -> memref<1x10240xf32, #tpu.memory_space<hbm>>
      %dma_wait3A_12 = tpu.memref_squeeze %dma_wait3A_11 : memref<1x10240xf32, #tpu.memory_space<hbm>> -> memref<10240xf32, #tpu.memory_space<hbm>>
      %dma_wait3A_13 = tpu.memref_slice %dma_wait3A_12[%mul3A_0] : memref<10240xf32, #tpu.memory_space<hbm>> -> memref<640xf32, #tpu.memory_space<hbm>>
      %dma_wait3A_14 = tpu.memref_slice %arg8[%mul3A_0] : memref<10240xf32, #tpu.memory_space<vmem_shared>> -> memref<640xf32, #tpu.memory_space<vmem_shared>>
      tpu.wait_dma2 semaphore(%run_scoped3A : memref<!tpu.dma_semaphore, #tpu.memory_space<semaphore_mem>>) src(%dma_wait3A_14 : memref<640xf32, #tpu.memory_space<vmem_shared>>) dst(%dma_wait3A_13 : memref<640xf32, #tpu.memory_space<hbm>>)
      tpu.yield
    }) : () -> ()
    return
  }
}

#map = affine_map<(d0, d1) -> (0, 0)>
#map1 = affine_map<(d0, d1) -> (0, 0, 0)>
module attributes {stable_mosaic.version = 14 : i64} {
  func.func @_sc_scatter_body(%arg0: i32, %arg1: i32, %arg2: memref<10240x128xf32, #tpu.memory_space<hbm>>, %arg3: memref<10240x128xf32, #tpu.memory_space<hbm>>, %arg4: memref<16x80x128xi32, #tpu.memory_space<hbm>>, %arg5: memref<16x80x128xi32, #tpu.memory_space<hbm>>, %arg6: memref<640x128xf32, #tpu.memory_space<hbm>>, %arg7: memref<2x10240x128xf32, #tpu.memory_space<hbm>>, %arg8: memref<40x128xi32, #tpu.memory_space<vmem>>, %arg9: memref<40x128xi32, #tpu.memory_space<vmem>>, %arg10: memref<128x128xf32, #tpu.memory_space<vmem>>, %arg11: memref<128x128xf32, #tpu.memory_space<vmem>>, %arg12: memref<10240x128xf32, #tpu.memory_space<vmem_shared>>, %arg13: memref<!tpu.dma_semaphore, #tpu.memory_space<semaphore_mem>>) attributes {dimension_semantics = [#tpu.dimension_semantics<core_parallel>, #tpu.dimension_semantics<subcore_parallel>], iteration_bounds = array<i64: 2, 16>, scalar_prefetch = 0 : i64, scratch_operands = 6 : i64, tpu.core_type = #tpu.core_type<sc_vector_subcore>, window_params = [{transform_indices = #map}, {transform_indices = #map}, {transform_indices = #map1}, {transform_indices = #map1}, {transform_indices = #map}, {transform_indices = #map1}]} {
    %mul3A = arith.constant 640 : i32
    %mul3A_0 = arith.muli %arg1, %mul3A : i32
    "tpu.region"() ({
      %run_scoped3A = tpu.sem_alloc : memref<!tpu.dma_semaphore, #tpu.memory_space<semaphore_mem>>
      %dma_start3A = arith.constant 0 : i32
      %dma_start3A_9 = tpu.memref_slice %arg12[%mul3A_0, %dma_start3A] : memref<10240x128xf32, #tpu.memory_space<vmem_shared>> -> memref<640x128xf32, #tpu.memory_space<vmem_shared>>
      tpu.enqueue_dma source(%arg6 : memref<640x128xf32, #tpu.memory_space<hbm>>) target(%dma_start3A_9 : memref<640x128xf32, #tpu.memory_space<vmem_shared>>) target_semaphore(%run_scoped3A : memref<!tpu.dma_semaphore, #tpu.memory_space<semaphore_mem>>)
      %dma_wait3A = arith.constant 0 : i32
      %dma_wait3A_10 = tpu.memref_slice %arg12[%mul3A_0, %dma_wait3A] : memref<10240x128xf32, #tpu.memory_space<vmem_shared>> -> memref<640x128xf32, #tpu.memory_space<vmem_shared>>
      tpu.wait_dma2 semaphore(%run_scoped3A : memref<!tpu.dma_semaphore, #tpu.memory_space<semaphore_mem>>) src(%arg6 : memref<640x128xf32, #tpu.memory_space<hbm>>) dst(%dma_wait3A_10 : memref<640x128xf32, #tpu.memory_space<vmem_shared>>)
      tpu.yield
    }) : () -> ()
    %barrier3A = arith.constant 0 : index
    tpu.barrier barrier_id(%barrier3A)
    %eq3A = arith.constant 0 : i32
    %eq3A_1 = arith.cmpi eq, %arg0, %eq3A : i32
    %convert_element_type3A = arith.extui %eq3A_1 : i1 to i32
    %cond3A = arith.constant 0 : i32
    %cond3A_2 = arith.cmpi ne, %convert_element_type3A, %cond3A : i32
    scf.if %cond3A_2 {
      %scan3A = arith.constant 0 : i32
      %scan3A_9 = arith.constant 0 : i32
      %scan3A_10 = arith.constant 2 : i32
      %scan3A_11 = arith.addi %scan3A_9, %scan3A_10 : i32
      %scan3A_12 = arith.constant 1 : i32
      scf.for %scan3A_14 = %scan3A_9 to %scan3A_11 step %scan3A_12  : i32 {
        %mul3A_15 = arith.constant 40 : i32
        %mul3A_16 = arith.muli %scan3A_14, %mul3A_15 : i32
        "tpu.region"() ({
          %run_scoped3A = tpu.sem_alloc : memref<!tpu.dma_semaphore, #tpu.memory_space<semaphore_mem>>
          %dma_start3A_31 = arith.constant 0 : i32
          %dma_start3A_32 = arith.constant 0 : i32
          %dma_start3A_33 = tpu.memref_slice %arg4[%arg1, %dma_start3A_31, %dma_start3A_32] : memref<16x80x128xi32, #tpu.memory_space<hbm>> -> memref<1x80x128xi32, #tpu.memory_space<hbm>>
          %dma_start3A_34 = tpu.memref_squeeze %dma_start3A_33 : memref<1x80x128xi32, #tpu.memory_space<hbm>> -> memref<80x128xi32, #tpu.memory_space<hbm>>
          %dma_start3A_35 = arith.constant 0 : i32
          %dma_start3A_36 = tpu.memref_slice %dma_start3A_34[%mul3A_16, %dma_start3A_35] : memref<80x128xi32, #tpu.memory_space<hbm>> -> memref<40x128xi32, #tpu.memory_space<hbm>>
          %dma_start3A_37 = arith.constant 0 : i32
          %dma_start3A_38 = arith.constant 0 : i32
          %dma_start3A_39 = tpu.memref_slice %arg4[%arg1, %dma_start3A_37, %dma_start3A_38] : memref<16x80x128xi32, #tpu.memory_space<hbm>> -> memref<1x80x128xi32, #tpu.memory_space<hbm>>
          %dma_start3A_40 = tpu.memref_squeeze %dma_start3A_39 : memref<1x80x128xi32, #tpu.memory_space<hbm>> -> memref<80x128xi32, #tpu.memory_space<hbm>>
          %dma_start3A_41 = arith.constant 0 : i32
          %dma_start3A_42 = tpu.memref_slice %dma_start3A_40[%mul3A_16, %dma_start3A_41] : memref<80x128xi32, #tpu.memory_space<hbm>> -> memref<40x128xi32, #tpu.memory_space<hbm>>
          tpu.enqueue_dma source(%dma_start3A_42 : memref<40x128xi32, #tpu.memory_space<hbm>>) target(%arg8 : memref<40x128xi32, #tpu.memory_space<vmem>>) target_semaphore(%run_scoped3A : memref<!tpu.dma_semaphore, #tpu.memory_space<semaphore_mem>>)
          %dma_wait3A = arith.constant 0 : i32
          %dma_wait3A_43 = arith.constant 0 : i32
          %dma_wait3A_44 = tpu.memref_slice %arg4[%arg1, %dma_wait3A, %dma_wait3A_43] : memref<16x80x128xi32, #tpu.memory_space<hbm>> -> memref<1x80x128xi32, #tpu.memory_space<hbm>>
          %dma_wait3A_45 = tpu.memref_squeeze %dma_wait3A_44 : memref<1x80x128xi32, #tpu.memory_space<hbm>> -> memref<80x128xi32, #tpu.memory_space<hbm>>
          %dma_wait3A_46 = arith.constant 0 : i32
          %dma_wait3A_47 = tpu.memref_slice %dma_wait3A_45[%mul3A_16, %dma_wait3A_46] : memref<80x128xi32, #tpu.memory_space<hbm>> -> memref<40x128xi32, #tpu.memory_space<hbm>>
          %dma_wait3A_48 = arith.constant 0 : i32
          %dma_wait3A_49 = arith.constant 0 : i32
          %dma_wait3A_50 = tpu.memref_slice %arg4[%arg1, %dma_wait3A_48, %dma_wait3A_49] : memref<16x80x128xi32, #tpu.memory_space<hbm>> -> memref<1x80x128xi32, #tpu.memory_space<hbm>>
          %dma_wait3A_51 = tpu.memref_squeeze %dma_wait3A_50 : memref<1x80x128xi32, #tpu.memory_space<hbm>> -> memref<80x128xi32, #tpu.memory_space<hbm>>
          %dma_wait3A_52 = arith.constant 0 : i32
          %dma_wait3A_53 = tpu.memref_slice %dma_wait3A_51[%mul3A_16, %dma_wait3A_52] : memref<80x128xi32, #tpu.memory_space<hbm>> -> memref<40x128xi32, #tpu.memory_space<hbm>>
          tpu.wait_dma2 semaphore(%run_scoped3A : memref<!tpu.dma_semaphore, #tpu.memory_space<semaphore_mem>>) src(%dma_wait3A_53 : memref<40x128xi32, #tpu.memory_space<hbm>>) dst(%arg8 : memref<40x128xi32, #tpu.memory_space<vmem>>)
          tpu.yield
        }) : () -> ()
        %mul3A_17 = arith.constant 40 : i32
        %mul3A_18 = arith.muli %scan3A_14, %mul3A_17 : i32
        "tpu.region"() ({
          %run_scoped3A = tpu.sem_alloc : memref<!tpu.dma_semaphore, #tpu.memory_space<semaphore_mem>>
          %dma_start3A_31 = arith.constant 0 : i32
          %dma_start3A_32 = arith.constant 0 : i32
          %dma_start3A_33 = tpu.memref_slice %arg5[%arg1, %dma_start3A_31, %dma_start3A_32] : memref<16x80x128xi32, #tpu.memory_space<hbm>> -> memref<1x80x128xi32, #tpu.memory_space<hbm>>
          %dma_start3A_34 = tpu.memref_squeeze %dma_start3A_33 : memref<1x80x128xi32, #tpu.memory_space<hbm>> -> memref<80x128xi32, #tpu.memory_space<hbm>>
          %dma_start3A_35 = arith.constant 0 : i32
          %dma_start3A_36 = tpu.memref_slice %dma_start3A_34[%mul3A_18, %dma_start3A_35] : memref<80x128xi32, #tpu.memory_space<hbm>> -> memref<40x128xi32, #tpu.memory_space<hbm>>
          %dma_start3A_37 = arith.constant 0 : i32
          %dma_start3A_38 = arith.constant 0 : i32
          %dma_start3A_39 = tpu.memref_slice %arg5[%arg1, %dma_start3A_37, %dma_start3A_38] : memref<16x80x128xi32, #tpu.memory_space<hbm>> -> memref<1x80x128xi32, #tpu.memory_space<hbm>>
          %dma_start3A_40 = tpu.memref_squeeze %dma_start3A_39 : memref<1x80x128xi32, #tpu.memory_space<hbm>> -> memref<80x128xi32, #tpu.memory_space<hbm>>
          %dma_start3A_41 = arith.constant 0 : i32
          %dma_start3A_42 = tpu.memref_slice %dma_start3A_40[%mul3A_18, %dma_start3A_41] : memref<80x128xi32, #tpu.memory_space<hbm>> -> memref<40x128xi32, #tpu.memory_space<hbm>>
          tpu.enqueue_dma source(%dma_start3A_42 : memref<40x128xi32, #tpu.memory_space<hbm>>) target(%arg9 : memref<40x128xi32, #tpu.memory_space<vmem>>) target_semaphore(%run_scoped3A : memref<!tpu.dma_semaphore, #tpu.memory_space<semaphore_mem>>)
          %dma_wait3A = arith.constant 0 : i32
          %dma_wait3A_43 = arith.constant 0 : i32
          %dma_wait3A_44 = tpu.memref_slice %arg5[%arg1, %dma_wait3A, %dma_wait3A_43] : memref<16x80x128xi32, #tpu.memory_space<hbm>> -> memref<1x80x128xi32, #tpu.memory_space<hbm>>
          %dma_wait3A_45 = tpu.memref_squeeze %dma_wait3A_44 : memref<1x80x128xi32, #tpu.memory_space<hbm>> -> memref<80x128xi32, #tpu.memory_space<hbm>>
          %dma_wait3A_46 = arith.constant 0 : i32
          %dma_wait3A_47 = tpu.memref_slice %dma_wait3A_45[%mul3A_18, %dma_wait3A_46] : memref<80x128xi32, #tpu.memory_space<hbm>> -> memref<40x128xi32, #tpu.memory_space<hbm>>
          %dma_wait3A_48 = arith.constant 0 : i32
          %dma_wait3A_49 = arith.constant 0 : i32
          %dma_wait3A_50 = tpu.memref_slice %arg5[%arg1, %dma_wait3A_48, %dma_wait3A_49] : memref<16x80x128xi32, #tpu.memory_space<hbm>> -> memref<1x80x128xi32, #tpu.memory_space<hbm>>
          %dma_wait3A_51 = tpu.memref_squeeze %dma_wait3A_50 : memref<1x80x128xi32, #tpu.memory_space<hbm>> -> memref<80x128xi32, #tpu.memory_space<hbm>>
          %dma_wait3A_52 = arith.constant 0 : i32
          %dma_wait3A_53 = tpu.memref_slice %dma_wait3A_51[%mul3A_18, %dma_wait3A_52] : memref<80x128xi32, #tpu.memory_space<hbm>> -> memref<40x128xi32, #tpu.memory_space<hbm>>
          tpu.wait_dma2 semaphore(%run_scoped3A : memref<!tpu.dma_semaphore, #tpu.memory_space<semaphore_mem>>) src(%dma_wait3A_53 : memref<40x128xi32, #tpu.memory_space<hbm>>) dst(%arg9 : memref<40x128xi32, #tpu.memory_space<vmem>>)
          tpu.yield
        }) : () -> ()
        %dma_start3A = arith.constant 0 : i32
        %dma_start3A_19 = arith.constant 0 : i32
        %dma_start3A_20 = tpu.memref_slice %arg8[%dma_start3A, %dma_start3A_19] : memref<40x128xi32, #tpu.memory_space<vmem>> -> memref<1x128xi32, #tpu.memory_space<vmem>>
        %dma_start3A_21 = tpu.memref_squeeze %dma_start3A_20 : memref<1x128xi32, #tpu.memory_space<vmem>> -> memref<128xi32, #tpu.memory_space<vmem>>
        %dma_start3A_22 = arith.constant 0 : i32
        %dma_start3A_23 = arith.constant 0 : i32
        %dma_start3A_24 = tpu.memref_slice %arg2[%dma_start3A_22, %dma_start3A_23] : memref<10240x128xf32, #tpu.memory_space<hbm>> -> memref<10240x128xf32, #tpu.memory_space<hbm>>
        tpu.enqueue_indirect_dma source(%dma_start3A_24 : memref<10240x128xf32, #tpu.memory_space<hbm>>) target(%arg10 : memref<128x128xf32, #tpu.memory_space<vmem>>) offsets(%dma_start3A_21 : memref<128xi32, #tpu.memory_space<vmem>>) semaphore(%arg13 : memref<!tpu.dma_semaphore, #tpu.memory_space<semaphore_mem>>)
        %scan3A_25 = arith.constant 0 : i32
        %scan3A_26 = arith.constant 0 : i32
        %scan3A_27 = arith.constant 20 : i32
        %scan3A_28 = arith.addi %scan3A_26, %scan3A_27 : i32
        %scan3A_29 = arith.constant 1 : i32
        scf.for %scan3A_31 = %scan3A_26 to %scan3A_28 step %scan3A_29  : i32 {
          %mul3A_32 = arith.constant 2 : i32
          %mul3A_33 = arith.muli %mul3A_32, %scan3A_31 : i32
          %add3A = arith.constant 0 : i32
          %add3A_34 = arith.addi %mul3A_33, %add3A : i32
          %dma_wait3A = arith.constant 0 : i32
          %dma_wait3A_35 = tpu.memref_slice %arg8[%add3A_34, %dma_wait3A] : memref<40x128xi32, #tpu.memory_space<vmem>> -> memref<1x128xi32, #tpu.memory_space<vmem>>
          %dma_wait3A_36 = tpu.memref_squeeze %dma_wait3A_35 : memref<1x128xi32, #tpu.memory_space<vmem>> -> memref<128xi32, #tpu.memory_space<vmem>>
          %dma_wait3A_37 = arith.constant 0 : i32
          %dma_wait3A_38 = arith.constant 0 : i32
          %dma_wait3A_39 = tpu.memref_slice %arg2[%dma_wait3A_37, %dma_wait3A_38] : memref<10240x128xf32, #tpu.memory_space<hbm>> -> memref<10240x128xf32, #tpu.memory_space<hbm>>
          tpu.wait_indirect_dma semaphore(%arg13 : memref<!tpu.dma_semaphore, #tpu.memory_space<semaphore_mem>>) src(%dma_wait3A_39 : memref<10240x128xf32, #tpu.memory_space<hbm>>) dst(%arg10 : memref<128x128xf32, #tpu.memory_space<vmem>>)
          %add3A_40 = arith.constant 0 : i32
          %add3A_41 = arith.addi %mul3A_33, %add3A_40 : i32
          %add3A_42 = arith.constant 2 : i32
          %add3A_43 = arith.addi %add3A_41, %add3A_42 : i32
          %sub3A = arith.constant 1 : i32
          %sub3A_44 = arith.subi %add3A_43, %sub3A : i32
          %lt3A = arith.constant 40 : i32
          %lt3A_45 = arith.cmpi slt, %sub3A_44, %lt3A : i32
          %convert_element_type3A_46 = arith.extui %lt3A_45 : i1 to i32
          %cond3A_47 = arith.constant 0 : i32
          %cond3A_48 = arith.cmpi ne, %convert_element_type3A_46, %cond3A_47 : i32
          scf.if %cond3A_48 {
            %dma_start3A_72 = arith.constant 0 : i32
            %dma_start3A_73 = tpu.memref_slice %arg8[%sub3A_44, %dma_start3A_72] : memref<40x128xi32, #tpu.memory_space<vmem>> -> memref<1x128xi32, #tpu.memory_space<vmem>>
            %dma_start3A_74 = tpu.memref_squeeze %dma_start3A_73 : memref<1x128xi32, #tpu.memory_space<vmem>> -> memref<128xi32, #tpu.memory_space<vmem>>
            %dma_start3A_75 = arith.constant 0 : i32
            %dma_start3A_76 = arith.constant 0 : i32
            %dma_start3A_77 = tpu.memref_slice %arg2[%dma_start3A_75, %dma_start3A_76] : memref<10240x128xf32, #tpu.memory_space<hbm>> -> memref<10240x128xf32, #tpu.memory_space<hbm>>
            tpu.enqueue_indirect_dma source(%dma_start3A_77 : memref<10240x128xf32, #tpu.memory_space<hbm>>) target(%arg11 : memref<128x128xf32, #tpu.memory_space<vmem>>) offsets(%dma_start3A_74 : memref<128xi32, #tpu.memory_space<vmem>>) semaphore(%arg13 : memref<!tpu.dma_semaphore, #tpu.memory_space<semaphore_mem>>)
          } else {
          }
          %add3A_49 = arith.constant 0 : i32
          %add3A_50 = arith.addi %mul3A_33, %add3A_49 : i32
          "tpu.region"() ({
            %run_scoped3A = tpu.sem_alloc : memref<!tpu.dma_semaphore, #tpu.memory_space<semaphore_mem>>
            %dma_start3A_72 = arith.constant 0 : i32
            %dma_start3A_73 = tpu.memref_slice %arg9[%add3A_50, %dma_start3A_72] : memref<40x128xi32, #tpu.memory_space<vmem>> -> memref<1x128xi32, #tpu.memory_space<vmem>>
            %dma_start3A_74 = tpu.memref_squeeze %dma_start3A_73 : memref<1x128xi32, #tpu.memory_space<vmem>> -> memref<128xi32, #tpu.memory_space<vmem>>
            %dma_start3A_75 = arith.constant 0 : i32
            %dma_start3A_76 = arith.constant 0 : i32
            %dma_start3A_77 = tpu.memref_slice %arg12[%dma_start3A_75, %dma_start3A_76] : memref<10240x128xf32, #tpu.memory_space<vmem_shared>> -> memref<10240x128xf32, #tpu.memory_space<vmem_shared>>
            tpu.enqueue_indirect_dma source(%arg10 : memref<128x128xf32, #tpu.memory_space<vmem>>) target(%dma_start3A_77 : memref<10240x128xf32, #tpu.memory_space<vmem_shared>>) offsets(%dma_start3A_74 : memref<128xi32, #tpu.memory_space<vmem>>) semaphore(%run_scoped3A : memref<!tpu.dma_semaphore, #tpu.memory_space<semaphore_mem>>) {add = true}
            %dma_wait3A_78 = arith.constant 0 : i32
            %dma_wait3A_79 = tpu.memref_slice %arg9[%add3A_50, %dma_wait3A_78] : memref<40x128xi32, #tpu.memory_space<vmem>> -> memref<1x128xi32, #tpu.memory_space<vmem>>
            %dma_wait3A_80 = tpu.memref_squeeze %dma_wait3A_79 : memref<1x128xi32, #tpu.memory_space<vmem>> -> memref<128xi32, #tpu.memory_space<vmem>>
            %dma_wait3A_81 = arith.constant 0 : i32
            %dma_wait3A_82 = arith.constant 0 : i32
            %dma_wait3A_83 = tpu.memref_slice %arg12[%dma_wait3A_81, %dma_wait3A_82] : memref<10240x128xf32, #tpu.memory_space<vmem_shared>> -> memref<10240x128xf32, #tpu.memory_space<vmem_shared>>
            tpu.wait_indirect_dma semaphore(%run_scoped3A : memref<!tpu.dma_semaphore, #tpu.memory_space<semaphore_mem>>) src(%arg10 : memref<128x128xf32, #tpu.memory_space<vmem>>) dst(%dma_wait3A_83 : memref<10240x128xf32, #tpu.memory_space<vmem_shared>>)
            tpu.yield
          }) : () -> ()
          %add3A_51 = arith.constant 1 : i32
          %add3A_52 = arith.addi %mul3A_33, %add3A_51 : i32
          %dma_wait3A_53 = arith.constant 0 : i32
          %dma_wait3A_54 = tpu.memref_slice %arg8[%add3A_52, %dma_wait3A_53] : memref<40x128xi32, #tpu.memory_space<vmem>> -> memref<1x128xi32, #tpu.memory_space<vmem>>
          %dma_wait3A_55 = tpu.memref_squeeze %dma_wait3A_54 : memref<1x128xi32, #tpu.memory_space<vmem>> -> memref<128xi32, #tpu.memory_space<vmem>>
          %dma_wait3A_56 = arith.constant 0 : i32
          %dma_wait3A_57 = arith.constant 0 : i32
          %dma_wait3A_58 = tpu.memref_slice %arg2[%dma_wait3A_56, %dma_wait3A_57] : memref<10240x128xf32, #tpu.memory_space<hbm>> -> memref<10240x128xf32, #tpu.memory_space<hbm>>
          tpu.wait_indirect_dma semaphore(%arg13 : memref<!tpu.dma_semaphore, #tpu.memory_space<semaphore_mem>>) src(%dma_wait3A_58 : memref<10240x128xf32, #tpu.memory_space<hbm>>) dst(%arg11 : memref<128x128xf32, #tpu.memory_space<vmem>>)
          %add3A_59 = arith.constant 1 : i32
          %add3A_60 = arith.addi %mul3A_33, %add3A_59 : i32
          %add3A_61 = arith.constant 2 : i32
          %add3A_62 = arith.addi %add3A_60, %add3A_61 : i32
          %sub3A_63 = arith.constant 1 : i32
          %sub3A_64 = arith.subi %add3A_62, %sub3A_63 : i32
          %lt3A_65 = arith.constant 40 : i32
          %lt3A_66 = arith.cmpi slt, %sub3A_64, %lt3A_65 : i32
          %convert_element_type3A_67 = arith.extui %lt3A_66 : i1 to i32
          %cond3A_68 = arith.constant 0 : i32
          %cond3A_69 = arith.cmpi ne, %convert_element_type3A_67, %cond3A_68 : i32
          scf.if %cond3A_69 {
            %dma_start3A_72 = arith.constant 0 : i32
            %dma_start3A_73 = tpu.memref_slice %arg8[%sub3A_64, %dma_start3A_72] : memref<40x128xi32, #tpu.memory_space<vmem>> -> memref<1x128xi32, #tpu.memory_space<vmem>>
            %dma_start3A_74 = tpu.memref_squeeze %dma_start3A_73 : memref<1x128xi32, #tpu.memory_space<vmem>> -> memref<128xi32, #tpu.memory_space<vmem>>
            %dma_start3A_75 = arith.constant 0 : i32
            %dma_start3A_76 = arith.constant 0 : i32
            %dma_start3A_77 = tpu.memref_slice %arg2[%dma_start3A_75, %dma_start3A_76] : memref<10240x128xf32, #tpu.memory_space<hbm>> -> memref<10240x128xf32, #tpu.memory_space<hbm>>
            tpu.enqueue_indirect_dma source(%dma_start3A_77 : memref<10240x128xf32, #tpu.memory_space<hbm>>) target(%arg10 : memref<128x128xf32, #tpu.memory_space<vmem>>) offsets(%dma_start3A_74 : memref<128xi32, #tpu.memory_space<vmem>>) semaphore(%arg13 : memref<!tpu.dma_semaphore, #tpu.memory_space<semaphore_mem>>)
          } else {
          }
          %add3A_70 = arith.constant 1 : i32
          %add3A_71 = arith.addi %mul3A_33, %add3A_70 : i32
          "tpu.region"() ({
            %run_scoped3A = tpu.sem_alloc : memref<!tpu.dma_semaphore, #tpu.memory_space<semaphore_mem>>
            %dma_start3A_72 = arith.constant 0 : i32
            %dma_start3A_73 = tpu.memref_slice %arg9[%add3A_71, %dma_start3A_72] : memref<40x128xi32, #tpu.memory_space<vmem>> -> memref<1x128xi32, #tpu.memory_space<vmem>>
            %dma_start3A_74 = tpu.memref_squeeze %dma_start3A_73 : memref<1x128xi32, #tpu.memory_space<vmem>> -> memref<128xi32, #tpu.memory_space<vmem>>
            %dma_start3A_75 = arith.constant 0 : i32
            %dma_start3A_76 = arith.constant 0 : i32
            %dma_start3A_77 = tpu.memref_slice %arg12[%dma_start3A_75, %dma_start3A_76] : memref<10240x128xf32, #tpu.memory_space<vmem_shared>> -> memref<10240x128xf32, #tpu.memory_space<vmem_shared>>
            tpu.enqueue_indirect_dma source(%arg11 : memref<128x128xf32, #tpu.memory_space<vmem>>) target(%dma_start3A_77 : memref<10240x128xf32, #tpu.memory_space<vmem_shared>>) offsets(%dma_start3A_74 : memref<128xi32, #tpu.memory_space<vmem>>) semaphore(%run_scoped3A : memref<!tpu.dma_semaphore, #tpu.memory_space<semaphore_mem>>) {add = true}
            %dma_wait3A_78 = arith.constant 0 : i32
            %dma_wait3A_79 = tpu.memref_slice %arg9[%add3A_71, %dma_wait3A_78] : memref<40x128xi32, #tpu.memory_space<vmem>> -> memref<1x128xi32, #tpu.memory_space<vmem>>
            %dma_wait3A_80 = tpu.memref_squeeze %dma_wait3A_79 : memref<1x128xi32, #tpu.memory_space<vmem>> -> memref<128xi32, #tpu.memory_space<vmem>>
            %dma_wait3A_81 = arith.constant 0 : i32
            %dma_wait3A_82 = arith.constant 0 : i32
            %dma_wait3A_83 = tpu.memref_slice %arg12[%dma_wait3A_81, %dma_wait3A_82] : memref<10240x128xf32, #tpu.memory_space<vmem_shared>> -> memref<10240x128xf32, #tpu.memory_space<vmem_shared>>
            tpu.wait_indirect_dma semaphore(%run_scoped3A : memref<!tpu.dma_semaphore, #tpu.memory_space<semaphore_mem>>) src(%arg11 : memref<128x128xf32, #tpu.memory_space<vmem>>) dst(%dma_wait3A_83 : memref<10240x128xf32, #tpu.memory_space<vmem_shared>>)
            tpu.yield
          }) : () -> ()
        }
        %scan3A_30 = arith.constant 20 : i32
      }
      %scan3A_13 = arith.constant 2 : i32
    } else {
    }
    %eq3A_3 = arith.constant 1 : i32
    %eq3A_4 = arith.cmpi eq, %arg0, %eq3A_3 : i32
    %convert_element_type3A_5 = arith.extui %eq3A_4 : i1 to i32
    %cond3A_6 = arith.constant 0 : i32
    %cond3A_7 = arith.cmpi ne, %convert_element_type3A_5, %cond3A_6 : i32
    scf.if %cond3A_7 {
      %scan3A = arith.constant 0 : i32
      %scan3A_9 = arith.constant 0 : i32
      %scan3A_10 = arith.constant 2 : i32
      %scan3A_11 = arith.addi %scan3A_9, %scan3A_10 : i32
      %scan3A_12 = arith.constant 1 : i32
      scf.for %scan3A_14 = %scan3A_9 to %scan3A_11 step %scan3A_12  : i32 {
        %mul3A_15 = arith.constant 40 : i32
        %mul3A_16 = arith.muli %scan3A_14, %mul3A_15 : i32
        "tpu.region"() ({
          %run_scoped3A = tpu.sem_alloc : memref<!tpu.dma_semaphore, #tpu.memory_space<semaphore_mem>>
          %dma_start3A_31 = arith.constant 0 : i32
          %dma_start3A_32 = arith.constant 0 : i32
          %dma_start3A_33 = tpu.memref_slice %arg4[%arg1, %dma_start3A_31, %dma_start3A_32] : memref<16x80x128xi32, #tpu.memory_space<hbm>> -> memref<1x80x128xi32, #tpu.memory_space<hbm>>
          %dma_start3A_34 = tpu.memref_squeeze %dma_start3A_33 : memref<1x80x128xi32, #tpu.memory_space<hbm>> -> memref<80x128xi32, #tpu.memory_space<hbm>>
          %dma_start3A_35 = arith.constant 0 : i32
          %dma_start3A_36 = tpu.memref_slice %dma_start3A_34[%mul3A_16, %dma_start3A_35] : memref<80x128xi32, #tpu.memory_space<hbm>> -> memref<40x128xi32, #tpu.memory_space<hbm>>
          %dma_start3A_37 = arith.constant 0 : i32
          %dma_start3A_38 = arith.constant 0 : i32
          %dma_start3A_39 = tpu.memref_slice %arg4[%arg1, %dma_start3A_37, %dma_start3A_38] : memref<16x80x128xi32, #tpu.memory_space<hbm>> -> memref<1x80x128xi32, #tpu.memory_space<hbm>>
          %dma_start3A_40 = tpu.memref_squeeze %dma_start3A_39 : memref<1x80x128xi32, #tpu.memory_space<hbm>> -> memref<80x128xi32, #tpu.memory_space<hbm>>
          %dma_start3A_41 = arith.constant 0 : i32
          %dma_start3A_42 = tpu.memref_slice %dma_start3A_40[%mul3A_16, %dma_start3A_41] : memref<80x128xi32, #tpu.memory_space<hbm>> -> memref<40x128xi32, #tpu.memory_space<hbm>>
          tpu.enqueue_dma source(%dma_start3A_42 : memref<40x128xi32, #tpu.memory_space<hbm>>) target(%arg8 : memref<40x128xi32, #tpu.memory_space<vmem>>) target_semaphore(%run_scoped3A : memref<!tpu.dma_semaphore, #tpu.memory_space<semaphore_mem>>)
          %dma_wait3A = arith.constant 0 : i32
          %dma_wait3A_43 = arith.constant 0 : i32
          %dma_wait3A_44 = tpu.memref_slice %arg4[%arg1, %dma_wait3A, %dma_wait3A_43] : memref<16x80x128xi32, #tpu.memory_space<hbm>> -> memref<1x80x128xi32, #tpu.memory_space<hbm>>
          %dma_wait3A_45 = tpu.memref_squeeze %dma_wait3A_44 : memref<1x80x128xi32, #tpu.memory_space<hbm>> -> memref<80x128xi32, #tpu.memory_space<hbm>>
          %dma_wait3A_46 = arith.constant 0 : i32
          %dma_wait3A_47 = tpu.memref_slice %dma_wait3A_45[%mul3A_16, %dma_wait3A_46] : memref<80x128xi32, #tpu.memory_space<hbm>> -> memref<40x128xi32, #tpu.memory_space<hbm>>
          %dma_wait3A_48 = arith.constant 0 : i32
          %dma_wait3A_49 = arith.constant 0 : i32
          %dma_wait3A_50 = tpu.memref_slice %arg4[%arg1, %dma_wait3A_48, %dma_wait3A_49] : memref<16x80x128xi32, #tpu.memory_space<hbm>> -> memref<1x80x128xi32, #tpu.memory_space<hbm>>
          %dma_wait3A_51 = tpu.memref_squeeze %dma_wait3A_50 : memref<1x80x128xi32, #tpu.memory_space<hbm>> -> memref<80x128xi32, #tpu.memory_space<hbm>>
          %dma_wait3A_52 = arith.constant 0 : i32
          %dma_wait3A_53 = tpu.memref_slice %dma_wait3A_51[%mul3A_16, %dma_wait3A_52] : memref<80x128xi32, #tpu.memory_space<hbm>> -> memref<40x128xi32, #tpu.memory_space<hbm>>
          tpu.wait_dma2 semaphore(%run_scoped3A : memref<!tpu.dma_semaphore, #tpu.memory_space<semaphore_mem>>) src(%dma_wait3A_53 : memref<40x128xi32, #tpu.memory_space<hbm>>) dst(%arg8 : memref<40x128xi32, #tpu.memory_space<vmem>>)
          tpu.yield
        }) : () -> ()
        %mul3A_17 = arith.constant 40 : i32
        %mul3A_18 = arith.muli %scan3A_14, %mul3A_17 : i32
        "tpu.region"() ({
          %run_scoped3A = tpu.sem_alloc : memref<!tpu.dma_semaphore, #tpu.memory_space<semaphore_mem>>
          %dma_start3A_31 = arith.constant 0 : i32
          %dma_start3A_32 = arith.constant 0 : i32
          %dma_start3A_33 = tpu.memref_slice %arg5[%arg1, %dma_start3A_31, %dma_start3A_32] : memref<16x80x128xi32, #tpu.memory_space<hbm>> -> memref<1x80x128xi32, #tpu.memory_space<hbm>>
          %dma_start3A_34 = tpu.memref_squeeze %dma_start3A_33 : memref<1x80x128xi32, #tpu.memory_space<hbm>> -> memref<80x128xi32, #tpu.memory_space<hbm>>
          %dma_start3A_35 = arith.constant 0 : i32
          %dma_start3A_36 = tpu.memref_slice %dma_start3A_34[%mul3A_18, %dma_start3A_35] : memref<80x128xi32, #tpu.memory_space<hbm>> -> memref<40x128xi32, #tpu.memory_space<hbm>>
          %dma_start3A_37 = arith.constant 0 : i32
          %dma_start3A_38 = arith.constant 0 : i32
          %dma_start3A_39 = tpu.memref_slice %arg5[%arg1, %dma_start3A_37, %dma_start3A_38] : memref<16x80x128xi32, #tpu.memory_space<hbm>> -> memref<1x80x128xi32, #tpu.memory_space<hbm>>
          %dma_start3A_40 = tpu.memref_squeeze %dma_start3A_39 : memref<1x80x128xi32, #tpu.memory_space<hbm>> -> memref<80x128xi32, #tpu.memory_space<hbm>>
          %dma_start3A_41 = arith.constant 0 : i32
          %dma_start3A_42 = tpu.memref_slice %dma_start3A_40[%mul3A_18, %dma_start3A_41] : memref<80x128xi32, #tpu.memory_space<hbm>> -> memref<40x128xi32, #tpu.memory_space<hbm>>
          tpu.enqueue_dma source(%dma_start3A_42 : memref<40x128xi32, #tpu.memory_space<hbm>>) target(%arg9 : memref<40x128xi32, #tpu.memory_space<vmem>>) target_semaphore(%run_scoped3A : memref<!tpu.dma_semaphore, #tpu.memory_space<semaphore_mem>>)
          %dma_wait3A = arith.constant 0 : i32
          %dma_wait3A_43 = arith.constant 0 : i32
          %dma_wait3A_44 = tpu.memref_slice %arg5[%arg1, %dma_wait3A, %dma_wait3A_43] : memref<16x80x128xi32, #tpu.memory_space<hbm>> -> memref<1x80x128xi32, #tpu.memory_space<hbm>>
          %dma_wait3A_45 = tpu.memref_squeeze %dma_wait3A_44 : memref<1x80x128xi32, #tpu.memory_space<hbm>> -> memref<80x128xi32, #tpu.memory_space<hbm>>
          %dma_wait3A_46 = arith.constant 0 : i32
          %dma_wait3A_47 = tpu.memref_slice %dma_wait3A_45[%mul3A_18, %dma_wait3A_46] : memref<80x128xi32, #tpu.memory_space<hbm>> -> memref<40x128xi32, #tpu.memory_space<hbm>>
          %dma_wait3A_48 = arith.constant 0 : i32
          %dma_wait3A_49 = arith.constant 0 : i32
          %dma_wait3A_50 = tpu.memref_slice %arg5[%arg1, %dma_wait3A_48, %dma_wait3A_49] : memref<16x80x128xi32, #tpu.memory_space<hbm>> -> memref<1x80x128xi32, #tpu.memory_space<hbm>>
          %dma_wait3A_51 = tpu.memref_squeeze %dma_wait3A_50 : memref<1x80x128xi32, #tpu.memory_space<hbm>> -> memref<80x128xi32, #tpu.memory_space<hbm>>
          %dma_wait3A_52 = arith.constant 0 : i32
          %dma_wait3A_53 = tpu.memref_slice %dma_wait3A_51[%mul3A_18, %dma_wait3A_52] : memref<80x128xi32, #tpu.memory_space<hbm>> -> memref<40x128xi32, #tpu.memory_space<hbm>>
          tpu.wait_dma2 semaphore(%run_scoped3A : memref<!tpu.dma_semaphore, #tpu.memory_space<semaphore_mem>>) src(%dma_wait3A_53 : memref<40x128xi32, #tpu.memory_space<hbm>>) dst(%arg9 : memref<40x128xi32, #tpu.memory_space<vmem>>)
          tpu.yield
        }) : () -> ()
        %dma_start3A = arith.constant 0 : i32
        %dma_start3A_19 = arith.constant 0 : i32
        %dma_start3A_20 = tpu.memref_slice %arg8[%dma_start3A, %dma_start3A_19] : memref<40x128xi32, #tpu.memory_space<vmem>> -> memref<1x128xi32, #tpu.memory_space<vmem>>
        %dma_start3A_21 = tpu.memref_squeeze %dma_start3A_20 : memref<1x128xi32, #tpu.memory_space<vmem>> -> memref<128xi32, #tpu.memory_space<vmem>>
        %dma_start3A_22 = arith.constant 0 : i32
        %dma_start3A_23 = arith.constant 0 : i32
        %dma_start3A_24 = tpu.memref_slice %arg3[%dma_start3A_22, %dma_start3A_23] : memref<10240x128xf32, #tpu.memory_space<hbm>> -> memref<10240x128xf32, #tpu.memory_space<hbm>>
        tpu.enqueue_indirect_dma source(%dma_start3A_24 : memref<10240x128xf32, #tpu.memory_space<hbm>>) target(%arg10 : memref<128x128xf32, #tpu.memory_space<vmem>>) offsets(%dma_start3A_21 : memref<128xi32, #tpu.memory_space<vmem>>) semaphore(%arg13 : memref<!tpu.dma_semaphore, #tpu.memory_space<semaphore_mem>>)
        %scan3A_25 = arith.constant 0 : i32
        %scan3A_26 = arith.constant 0 : i32
        %scan3A_27 = arith.constant 20 : i32
        %scan3A_28 = arith.addi %scan3A_26, %scan3A_27 : i32
        %scan3A_29 = arith.constant 1 : i32
        scf.for %scan3A_31 = %scan3A_26 to %scan3A_28 step %scan3A_29  : i32 {
          %mul3A_32 = arith.constant 2 : i32
          %mul3A_33 = arith.muli %mul3A_32, %scan3A_31 : i32
          %add3A = arith.constant 0 : i32
          %add3A_34 = arith.addi %mul3A_33, %add3A : i32
          %dma_wait3A = arith.constant 0 : i32
          %dma_wait3A_35 = tpu.memref_slice %arg8[%add3A_34, %dma_wait3A] : memref<40x128xi32, #tpu.memory_space<vmem>> -> memref<1x128xi32, #tpu.memory_space<vmem>>
          %dma_wait3A_36 = tpu.memref_squeeze %dma_wait3A_35 : memref<1x128xi32, #tpu.memory_space<vmem>> -> memref<128xi32, #tpu.memory_space<vmem>>
          %dma_wait3A_37 = arith.constant 0 : i32
          %dma_wait3A_38 = arith.constant 0 : i32
          %dma_wait3A_39 = tpu.memref_slice %arg3[%dma_wait3A_37, %dma_wait3A_38] : memref<10240x128xf32, #tpu.memory_space<hbm>> -> memref<10240x128xf32, #tpu.memory_space<hbm>>
          tpu.wait_indirect_dma semaphore(%arg13 : memref<!tpu.dma_semaphore, #tpu.memory_space<semaphore_mem>>) src(%dma_wait3A_39 : memref<10240x128xf32, #tpu.memory_space<hbm>>) dst(%arg10 : memref<128x128xf32, #tpu.memory_space<vmem>>)
          %add3A_40 = arith.constant 0 : i32
          %add3A_41 = arith.addi %mul3A_33, %add3A_40 : i32
          %add3A_42 = arith.constant 2 : i32
          %add3A_43 = arith.addi %add3A_41, %add3A_42 : i32
          %sub3A = arith.constant 1 : i32
          %sub3A_44 = arith.subi %add3A_43, %sub3A : i32
          %lt3A = arith.constant 40 : i32
          %lt3A_45 = arith.cmpi slt, %sub3A_44, %lt3A : i32
          %convert_element_type3A_46 = arith.extui %lt3A_45 : i1 to i32
          %cond3A_47 = arith.constant 0 : i32
          %cond3A_48 = arith.cmpi ne, %convert_element_type3A_46, %cond3A_47 : i32
          scf.if %cond3A_48 {
            %dma_start3A_72 = arith.constant 0 : i32
            %dma_start3A_73 = tpu.memref_slice %arg8[%sub3A_44, %dma_start3A_72] : memref<40x128xi32, #tpu.memory_space<vmem>> -> memref<1x128xi32, #tpu.memory_space<vmem>>
            %dma_start3A_74 = tpu.memref_squeeze %dma_start3A_73 : memref<1x128xi32, #tpu.memory_space<vmem>> -> memref<128xi32, #tpu.memory_space<vmem>>
            %dma_start3A_75 = arith.constant 0 : i32
            %dma_start3A_76 = arith.constant 0 : i32
            %dma_start3A_77 = tpu.memref_slice %arg3[%dma_start3A_75, %dma_start3A_76] : memref<10240x128xf32, #tpu.memory_space<hbm>> -> memref<10240x128xf32, #tpu.memory_space<hbm>>
            tpu.enqueue_indirect_dma source(%dma_start3A_77 : memref<10240x128xf32, #tpu.memory_space<hbm>>) target(%arg11 : memref<128x128xf32, #tpu.memory_space<vmem>>) offsets(%dma_start3A_74 : memref<128xi32, #tpu.memory_space<vmem>>) semaphore(%arg13 : memref<!tpu.dma_semaphore, #tpu.memory_space<semaphore_mem>>)
          } else {
          }
          %add3A_49 = arith.constant 0 : i32
          %add3A_50 = arith.addi %mul3A_33, %add3A_49 : i32
          "tpu.region"() ({
            %run_scoped3A = tpu.sem_alloc : memref<!tpu.dma_semaphore, #tpu.memory_space<semaphore_mem>>
            %dma_start3A_72 = arith.constant 0 : i32
            %dma_start3A_73 = tpu.memref_slice %arg9[%add3A_50, %dma_start3A_72] : memref<40x128xi32, #tpu.memory_space<vmem>> -> memref<1x128xi32, #tpu.memory_space<vmem>>
            %dma_start3A_74 = tpu.memref_squeeze %dma_start3A_73 : memref<1x128xi32, #tpu.memory_space<vmem>> -> memref<128xi32, #tpu.memory_space<vmem>>
            %dma_start3A_75 = arith.constant 0 : i32
            %dma_start3A_76 = arith.constant 0 : i32
            %dma_start3A_77 = tpu.memref_slice %arg12[%dma_start3A_75, %dma_start3A_76] : memref<10240x128xf32, #tpu.memory_space<vmem_shared>> -> memref<10240x128xf32, #tpu.memory_space<vmem_shared>>
            tpu.enqueue_indirect_dma source(%arg10 : memref<128x128xf32, #tpu.memory_space<vmem>>) target(%dma_start3A_77 : memref<10240x128xf32, #tpu.memory_space<vmem_shared>>) offsets(%dma_start3A_74 : memref<128xi32, #tpu.memory_space<vmem>>) semaphore(%run_scoped3A : memref<!tpu.dma_semaphore, #tpu.memory_space<semaphore_mem>>) {add = true}
            %dma_wait3A_78 = arith.constant 0 : i32
            %dma_wait3A_79 = tpu.memref_slice %arg9[%add3A_50, %dma_wait3A_78] : memref<40x128xi32, #tpu.memory_space<vmem>> -> memref<1x128xi32, #tpu.memory_space<vmem>>
            %dma_wait3A_80 = tpu.memref_squeeze %dma_wait3A_79 : memref<1x128xi32, #tpu.memory_space<vmem>> -> memref<128xi32, #tpu.memory_space<vmem>>
            %dma_wait3A_81 = arith.constant 0 : i32
            %dma_wait3A_82 = arith.constant 0 : i32
            %dma_wait3A_83 = tpu.memref_slice %arg12[%dma_wait3A_81, %dma_wait3A_82] : memref<10240x128xf32, #tpu.memory_space<vmem_shared>> -> memref<10240x128xf32, #tpu.memory_space<vmem_shared>>
            tpu.wait_indirect_dma semaphore(%run_scoped3A : memref<!tpu.dma_semaphore, #tpu.memory_space<semaphore_mem>>) src(%arg10 : memref<128x128xf32, #tpu.memory_space<vmem>>) dst(%dma_wait3A_83 : memref<10240x128xf32, #tpu.memory_space<vmem_shared>>)
            tpu.yield
          }) : () -> ()
          %add3A_51 = arith.constant 1 : i32
          %add3A_52 = arith.addi %mul3A_33, %add3A_51 : i32
          %dma_wait3A_53 = arith.constant 0 : i32
          %dma_wait3A_54 = tpu.memref_slice %arg8[%add3A_52, %dma_wait3A_53] : memref<40x128xi32, #tpu.memory_space<vmem>> -> memref<1x128xi32, #tpu.memory_space<vmem>>
          %dma_wait3A_55 = tpu.memref_squeeze %dma_wait3A_54 : memref<1x128xi32, #tpu.memory_space<vmem>> -> memref<128xi32, #tpu.memory_space<vmem>>
          %dma_wait3A_56 = arith.constant 0 : i32
          %dma_wait3A_57 = arith.constant 0 : i32
          %dma_wait3A_58 = tpu.memref_slice %arg3[%dma_wait3A_56, %dma_wait3A_57] : memref<10240x128xf32, #tpu.memory_space<hbm>> -> memref<10240x128xf32, #tpu.memory_space<hbm>>
          tpu.wait_indirect_dma semaphore(%arg13 : memref<!tpu.dma_semaphore, #tpu.memory_space<semaphore_mem>>) src(%dma_wait3A_58 : memref<10240x128xf32, #tpu.memory_space<hbm>>) dst(%arg11 : memref<128x128xf32, #tpu.memory_space<vmem>>)
          %add3A_59 = arith.constant 1 : i32
          %add3A_60 = arith.addi %mul3A_33, %add3A_59 : i32
          %add3A_61 = arith.constant 2 : i32
          %add3A_62 = arith.addi %add3A_60, %add3A_61 : i32
          %sub3A_63 = arith.constant 1 : i32
          %sub3A_64 = arith.subi %add3A_62, %sub3A_63 : i32
          %lt3A_65 = arith.constant 40 : i32
          %lt3A_66 = arith.cmpi slt, %sub3A_64, %lt3A_65 : i32
          %convert_element_type3A_67 = arith.extui %lt3A_66 : i1 to i32
          %cond3A_68 = arith.constant 0 : i32
          %cond3A_69 = arith.cmpi ne, %convert_element_type3A_67, %cond3A_68 : i32
          scf.if %cond3A_69 {
            %dma_start3A_72 = arith.constant 0 : i32
            %dma_start3A_73 = tpu.memref_slice %arg8[%sub3A_64, %dma_start3A_72] : memref<40x128xi32, #tpu.memory_space<vmem>> -> memref<1x128xi32, #tpu.memory_space<vmem>>
            %dma_start3A_74 = tpu.memref_squeeze %dma_start3A_73 : memref<1x128xi32, #tpu.memory_space<vmem>> -> memref<128xi32, #tpu.memory_space<vmem>>
            %dma_start3A_75 = arith.constant 0 : i32
            %dma_start3A_76 = arith.constant 0 : i32
            %dma_start3A_77 = tpu.memref_slice %arg3[%dma_start3A_75, %dma_start3A_76] : memref<10240x128xf32, #tpu.memory_space<hbm>> -> memref<10240x128xf32, #tpu.memory_space<hbm>>
            tpu.enqueue_indirect_dma source(%dma_start3A_77 : memref<10240x128xf32, #tpu.memory_space<hbm>>) target(%arg10 : memref<128x128xf32, #tpu.memory_space<vmem>>) offsets(%dma_start3A_74 : memref<128xi32, #tpu.memory_space<vmem>>) semaphore(%arg13 : memref<!tpu.dma_semaphore, #tpu.memory_space<semaphore_mem>>)
          } else {
          }
          %add3A_70 = arith.constant 1 : i32
          %add3A_71 = arith.addi %mul3A_33, %add3A_70 : i32
          "tpu.region"() ({
            %run_scoped3A = tpu.sem_alloc : memref<!tpu.dma_semaphore, #tpu.memory_space<semaphore_mem>>
            %dma_start3A_72 = arith.constant 0 : i32
            %dma_start3A_73 = tpu.memref_slice %arg9[%add3A_71, %dma_start3A_72] : memref<40x128xi32, #tpu.memory_space<vmem>> -> memref<1x128xi32, #tpu.memory_space<vmem>>
            %dma_start3A_74 = tpu.memref_squeeze %dma_start3A_73 : memref<1x128xi32, #tpu.memory_space<vmem>> -> memref<128xi32, #tpu.memory_space<vmem>>
            %dma_start3A_75 = arith.constant 0 : i32
            %dma_start3A_76 = arith.constant 0 : i32
            %dma_start3A_77 = tpu.memref_slice %arg12[%dma_start3A_75, %dma_start3A_76] : memref<10240x128xf32, #tpu.memory_space<vmem_shared>> -> memref<10240x128xf32, #tpu.memory_space<vmem_shared>>
            tpu.enqueue_indirect_dma source(%arg11 : memref<128x128xf32, #tpu.memory_space<vmem>>) target(%dma_start3A_77 : memref<10240x128xf32, #tpu.memory_space<vmem_shared>>) offsets(%dma_start3A_74 : memref<128xi32, #tpu.memory_space<vmem>>) semaphore(%run_scoped3A : memref<!tpu.dma_semaphore, #tpu.memory_space<semaphore_mem>>) {add = true}
            %dma_wait3A_78 = arith.constant 0 : i32
            %dma_wait3A_79 = tpu.memref_slice %arg9[%add3A_71, %dma_wait3A_78] : memref<40x128xi32, #tpu.memory_space<vmem>> -> memref<1x128xi32, #tpu.memory_space<vmem>>
            %dma_wait3A_80 = tpu.memref_squeeze %dma_wait3A_79 : memref<1x128xi32, #tpu.memory_space<vmem>> -> memref<128xi32, #tpu.memory_space<vmem>>
            %dma_wait3A_81 = arith.constant 0 : i32
            %dma_wait3A_82 = arith.constant 0 : i32
            %dma_wait3A_83 = tpu.memref_slice %arg12[%dma_wait3A_81, %dma_wait3A_82] : memref<10240x128xf32, #tpu.memory_space<vmem_shared>> -> memref<10240x128xf32, #tpu.memory_space<vmem_shared>>
            tpu.wait_indirect_dma semaphore(%run_scoped3A : memref<!tpu.dma_semaphore, #tpu.memory_space<semaphore_mem>>) src(%arg11 : memref<128x128xf32, #tpu.memory_space<vmem>>) dst(%dma_wait3A_83 : memref<10240x128xf32, #tpu.memory_space<vmem_shared>>)
            tpu.yield
          }) : () -> ()
        }
        %scan3A_30 = arith.constant 20 : i32
      }
      %scan3A_13 = arith.constant 2 : i32
    } else {
    }
    %barrier3A_8 = arith.constant 0 : index
    tpu.barrier barrier_id(%barrier3A_8)
    "tpu.region"() ({
      %run_scoped3A = tpu.sem_alloc : memref<!tpu.dma_semaphore, #tpu.memory_space<semaphore_mem>>
      %dma_start3A = arith.constant 0 : i32
      %dma_start3A_9 = arith.constant 0 : i32
      %dma_start3A_10 = tpu.memref_slice %arg7[%arg0, %dma_start3A, %dma_start3A_9] : memref<2x10240x128xf32, #tpu.memory_space<hbm>> -> memref<1x10240x128xf32, #tpu.memory_space<hbm>>
      %dma_start3A_11 = tpu.memref_squeeze %dma_start3A_10 : memref<1x10240x128xf32, #tpu.memory_space<hbm>> -> memref<10240x128xf32, #tpu.memory_space<hbm>>
      %dma_start3A_12 = arith.constant 0 : i32
      %dma_start3A_13 = tpu.memref_slice %dma_start3A_11[%mul3A_0, %dma_start3A_12] : memref<10240x128xf32, #tpu.memory_space<hbm>> -> memref<640x128xf32, #tpu.memory_space<hbm>>
      %dma_start3A_14 = arith.constant 0 : i32
      %dma_start3A_15 = tpu.memref_slice %arg12[%mul3A_0, %dma_start3A_14] : memref<10240x128xf32, #tpu.memory_space<vmem_shared>> -> memref<640x128xf32, #tpu.memory_space<vmem_shared>>
      tpu.enqueue_dma source(%dma_start3A_15 : memref<640x128xf32, #tpu.memory_space<vmem_shared>>) target(%dma_start3A_13 : memref<640x128xf32, #tpu.memory_space<hbm>>) target_semaphore(%run_scoped3A : memref<!tpu.dma_semaphore, #tpu.memory_space<semaphore_mem>>)
      %dma_wait3A = arith.constant 0 : i32
      %dma_wait3A_16 = arith.constant 0 : i32
      %dma_wait3A_17 = tpu.memref_slice %arg7[%arg0, %dma_wait3A, %dma_wait3A_16] : memref<2x10240x128xf32, #tpu.memory_space<hbm>> -> memref<1x10240x128xf32, #tpu.memory_space<hbm>>
      %dma_wait3A_18 = tpu.memref_squeeze %dma_wait3A_17 : memref<1x10240x128xf32, #tpu.memory_space<hbm>> -> memref<10240x128xf32, #tpu.memory_space<hbm>>
      %dma_wait3A_19 = arith.constant 0 : i32
      %dma_wait3A_20 = tpu.memref_slice %dma_wait3A_18[%mul3A_0, %dma_wait3A_19] : memref<10240x128xf32, #tpu.memory_space<hbm>> -> memref<640x128xf32, #tpu.memory_space<hbm>>
      %dma_wait3A_21 = arith.constant 0 : i32
      %dma_wait3A_22 = tpu.memref_slice %arg12[%mul3A_0, %dma_wait3A_21] : memref<10240x128xf32, #tpu.memory_space<vmem_shared>> -> memref<640x128xf32, #tpu.memory_space<vmem_shared>>
      tpu.wait_dma2 semaphore(%run_scoped3A : memref<!tpu.dma_semaphore, #tpu.memory_space<semaphore_mem>>) src(%dma_wait3A_22 : memref<640x128xf32, #tpu.memory_space<vmem_shared>>) dst(%dma_wait3A_20 : memref<640x128xf32, #tpu.memory_space<hbm>>)
      tpu.yield
    }) : () -> ()
    return
  }
}

#map = affine_map<(d0, d1) -> (0, 0)>
#map1 = affine_map<(d0, d1) -> (0, 0, 0)>
module attributes {stable_mosaic.version = 14 : i64} {
  func.func @_sc_scatter_body(%arg0: i32, %arg1: i32, %arg2: memref<10240x128xf32, #tpu.memory_space<hbm>>, %arg3: memref<10240x128xf32, #tpu.memory_space<hbm>>, %arg4: memref<16x80x128xi32, #tpu.memory_space<hbm>>, %arg5: memref<16x80x128xi32, #tpu.memory_space<hbm>>, %arg6: memref<640x128xf32, #tpu.memory_space<hbm>>, %arg7: memref<2x10240x128xf32, #tpu.memory_space<hbm>>, %arg8: memref<40x128xi32, #tpu.memory_space<vmem>>, %arg9: memref<40x128xi32, #tpu.memory_space<vmem>>, %arg10: memref<128x128xf32, #tpu.memory_space<vmem>>, %arg11: memref<128x128xf32, #tpu.memory_space<vmem>>, %arg12: memref<10240x128xf32, #tpu.memory_space<vmem_shared>>, %arg13: memref<!tpu.dma_semaphore, #tpu.memory_space<semaphore_mem>>) attributes {dimension_semantics = [#tpu.dimension_semantics<core_parallel>, #tpu.dimension_semantics<subcore_parallel>], iteration_bounds = array<i64: 2, 16>, scalar_prefetch = 0 : i64, scratch_operands = 6 : i64, tpu.core_type = #tpu.core_type<sc_vector_subcore>, window_params = [{transform_indices = #map}, {transform_indices = #map}, {transform_indices = #map1}, {transform_indices = #map1}, {transform_indices = #map}, {transform_indices = #map1}]} {
    %mul3A = arith.constant 640 : i32
    %mul3A_0 = arith.muli %arg1, %mul3A : i32
    "tpu.region"() ({
      %run_scoped3A = tpu.sem_alloc : memref<!tpu.dma_semaphore, #tpu.memory_space<semaphore_mem>>
      %dma_start3A = arith.constant 0 : i32
      %dma_start3A_9 = tpu.memref_slice %arg12[%mul3A_0, %dma_start3A] : memref<10240x128xf32, #tpu.memory_space<vmem_shared>> -> memref<640x128xf32, #tpu.memory_space<vmem_shared>>
      tpu.enqueue_dma source(%arg6 : memref<640x128xf32, #tpu.memory_space<hbm>>) target(%dma_start3A_9 : memref<640x128xf32, #tpu.memory_space<vmem_shared>>) target_semaphore(%run_scoped3A : memref<!tpu.dma_semaphore, #tpu.memory_space<semaphore_mem>>)
      %dma_wait3A = arith.constant 0 : i32
      %dma_wait3A_10 = tpu.memref_slice %arg12[%mul3A_0, %dma_wait3A] : memref<10240x128xf32, #tpu.memory_space<vmem_shared>> -> memref<640x128xf32, #tpu.memory_space<vmem_shared>>
      tpu.wait_dma2 semaphore(%run_scoped3A : memref<!tpu.dma_semaphore, #tpu.memory_space<semaphore_mem>>) src(%arg6 : memref<640x128xf32, #tpu.memory_space<hbm>>) dst(%dma_wait3A_10 : memref<640x128xf32, #tpu.memory_space<vmem_shared>>)
      tpu.yield
    }) : () -> ()
    %barrier3A = arith.constant 0 : index
    tpu.barrier barrier_id(%barrier3A)
    %eq3A = arith.constant 0 : i32
    %eq3A_1 = arith.cmpi eq, %arg0, %eq3A : i32
    %convert_element_type3A = arith.extui %eq3A_1 : i1 to i32
    %cond3A = arith.constant 0 : i32
    %cond3A_2 = arith.cmpi ne, %convert_element_type3A, %cond3A : i32
    scf.if %cond3A_2 {
      %scan3A = arith.constant 0 : i32
      %scan3A_9 = arith.constant 0 : i32
      %scan3A_10 = arith.constant 2 : i32
      %scan3A_11 = arith.addi %scan3A_9, %scan3A_10 : i32
      %scan3A_12 = arith.constant 1 : i32
      scf.for %scan3A_14 = %scan3A_9 to %scan3A_11 step %scan3A_12  : i32 {
        %mul3A_15 = arith.constant 40 : i32
        %mul3A_16 = arith.muli %scan3A_14, %mul3A_15 : i32
        "tpu.region"() ({
          %run_scoped3A = tpu.sem_alloc : memref<!tpu.dma_semaphore, #tpu.memory_space<semaphore_mem>>
          %dma_start3A_31 = arith.constant 0 : i32
          %dma_start3A_32 = arith.constant 0 : i32
          %dma_start3A_33 = tpu.memref_slice %arg4[%arg1, %dma_start3A_31, %dma_start3A_32] : memref<16x80x128xi32, #tpu.memory_space<hbm>> -> memref<1x80x128xi32, #tpu.memory_space<hbm>>
          %dma_start3A_34 = tpu.memref_squeeze %dma_start3A_33 : memref<1x80x128xi32, #tpu.memory_space<hbm>> -> memref<80x128xi32, #tpu.memory_space<hbm>>
          %dma_start3A_35 = arith.constant 0 : i32
          %dma_start3A_36 = tpu.memref_slice %dma_start3A_34[%mul3A_16, %dma_start3A_35] : memref<80x128xi32, #tpu.memory_space<hbm>> -> memref<40x128xi32, #tpu.memory_space<hbm>>
          %dma_start3A_37 = arith.constant 0 : i32
          %dma_start3A_38 = arith.constant 0 : i32
          %dma_start3A_39 = tpu.memref_slice %arg4[%arg1, %dma_start3A_37, %dma_start3A_38] : memref<16x80x128xi32, #tpu.memory_space<hbm>> -> memref<1x80x128xi32, #tpu.memory_space<hbm>>
          %dma_start3A_40 = tpu.memref_squeeze %dma_start3A_39 : memref<1x80x128xi32, #tpu.memory_space<hbm>> -> memref<80x128xi32, #tpu.memory_space<hbm>>
          %dma_start3A_41 = arith.constant 0 : i32
          %dma_start3A_42 = tpu.memref_slice %dma_start3A_40[%mul3A_16, %dma_start3A_41] : memref<80x128xi32, #tpu.memory_space<hbm>> -> memref<40x128xi32, #tpu.memory_space<hbm>>
          tpu.enqueue_dma source(%dma_start3A_42 : memref<40x128xi32, #tpu.memory_space<hbm>>) target(%arg8 : memref<40x128xi32, #tpu.memory_space<vmem>>) target_semaphore(%run_scoped3A : memref<!tpu.dma_semaphore, #tpu.memory_space<semaphore_mem>>)
          %dma_wait3A = arith.constant 0 : i32
          %dma_wait3A_43 = arith.constant 0 : i32
          %dma_wait3A_44 = tpu.memref_slice %arg4[%arg1, %dma_wait3A, %dma_wait3A_43] : memref<16x80x128xi32, #tpu.memory_space<hbm>> -> memref<1x80x128xi32, #tpu.memory_space<hbm>>
          %dma_wait3A_45 = tpu.memref_squeeze %dma_wait3A_44 : memref<1x80x128xi32, #tpu.memory_space<hbm>> -> memref<80x128xi32, #tpu.memory_space<hbm>>
          %dma_wait3A_46 = arith.constant 0 : i32
          %dma_wait3A_47 = tpu.memref_slice %dma_wait3A_45[%mul3A_16, %dma_wait3A_46] : memref<80x128xi32, #tpu.memory_space<hbm>> -> memref<40x128xi32, #tpu.memory_space<hbm>>
          %dma_wait3A_48 = arith.constant 0 : i32
          %dma_wait3A_49 = arith.constant 0 : i32
          %dma_wait3A_50 = tpu.memref_slice %arg4[%arg1, %dma_wait3A_48, %dma_wait3A_49] : memref<16x80x128xi32, #tpu.memory_space<hbm>> -> memref<1x80x128xi32, #tpu.memory_space<hbm>>
          %dma_wait3A_51 = tpu.memref_squeeze %dma_wait3A_50 : memref<1x80x128xi32, #tpu.memory_space<hbm>> -> memref<80x128xi32, #tpu.memory_space<hbm>>
          %dma_wait3A_52 = arith.constant 0 : i32
          %dma_wait3A_53 = tpu.memref_slice %dma_wait3A_51[%mul3A_16, %dma_wait3A_52] : memref<80x128xi32, #tpu.memory_space<hbm>> -> memref<40x128xi32, #tpu.memory_space<hbm>>
          tpu.wait_dma2 semaphore(%run_scoped3A : memref<!tpu.dma_semaphore, #tpu.memory_space<semaphore_mem>>) src(%dma_wait3A_53 : memref<40x128xi32, #tpu.memory_space<hbm>>) dst(%arg8 : memref<40x128xi32, #tpu.memory_space<vmem>>)
          tpu.yield
        }) : () -> ()
        %mul3A_17 = arith.constant 40 : i32
        %mul3A_18 = arith.muli %scan3A_14, %mul3A_17 : i32
        "tpu.region"() ({
          %run_scoped3A = tpu.sem_alloc : memref<!tpu.dma_semaphore, #tpu.memory_space<semaphore_mem>>
          %dma_start3A_31 = arith.constant 0 : i32
          %dma_start3A_32 = arith.constant 0 : i32
          %dma_start3A_33 = tpu.memref_slice %arg5[%arg1, %dma_start3A_31, %dma_start3A_32] : memref<16x80x128xi32, #tpu.memory_space<hbm>> -> memref<1x80x128xi32, #tpu.memory_space<hbm>>
          %dma_start3A_34 = tpu.memref_squeeze %dma_start3A_33 : memref<1x80x128xi32, #tpu.memory_space<hbm>> -> memref<80x128xi32, #tpu.memory_space<hbm>>
          %dma_start3A_35 = arith.constant 0 : i32
          %dma_start3A_36 = tpu.memref_slice %dma_start3A_34[%mul3A_18, %dma_start3A_35] : memref<80x128xi32, #tpu.memory_space<hbm>> -> memref<40x128xi32, #tpu.memory_space<hbm>>
          %dma_start3A_37 = arith.constant 0 : i32
          %dma_start3A_38 = arith.constant 0 : i32
          %dma_start3A_39 = tpu.memref_slice %arg5[%arg1, %dma_start3A_37, %dma_start3A_38] : memref<16x80x128xi32, #tpu.memory_space<hbm>> -> memref<1x80x128xi32, #tpu.memory_space<hbm>>
          %dma_start3A_40 = tpu.memref_squeeze %dma_start3A_39 : memref<1x80x128xi32, #tpu.memory_space<hbm>> -> memref<80x128xi32, #tpu.memory_space<hbm>>
          %dma_start3A_41 = arith.constant 0 : i32
          %dma_start3A_42 = tpu.memref_slice %dma_start3A_40[%mul3A_18, %dma_start3A_41] : memref<80x128xi32, #tpu.memory_space<hbm>> -> memref<40x128xi32, #tpu.memory_space<hbm>>
          tpu.enqueue_dma source(%dma_start3A_42 : memref<40x128xi32, #tpu.memory_space<hbm>>) target(%arg9 : memref<40x128xi32, #tpu.memory_space<vmem>>) target_semaphore(%run_scoped3A : memref<!tpu.dma_semaphore, #tpu.memory_space<semaphore_mem>>)
          %dma_wait3A = arith.constant 0 : i32
          %dma_wait3A_43 = arith.constant 0 : i32
          %dma_wait3A_44 = tpu.memref_slice %arg5[%arg1, %dma_wait3A, %dma_wait3A_43] : memref<16x80x128xi32, #tpu.memory_space<hbm>> -> memref<1x80x128xi32, #tpu.memory_space<hbm>>
          %dma_wait3A_45 = tpu.memref_squeeze %dma_wait3A_44 : memref<1x80x128xi32, #tpu.memory_space<hbm>> -> memref<80x128xi32, #tpu.memory_space<hbm>>
          %dma_wait3A_46 = arith.constant 0 : i32
          %dma_wait3A_47 = tpu.memref_slice %dma_wait3A_45[%mul3A_18, %dma_wait3A_46] : memref<80x128xi32, #tpu.memory_space<hbm>> -> memref<40x128xi32, #tpu.memory_space<hbm>>
          %dma_wait3A_48 = arith.constant 0 : i32
          %dma_wait3A_49 = arith.constant 0 : i32
          %dma_wait3A_50 = tpu.memref_slice %arg5[%arg1, %dma_wait3A_48, %dma_wait3A_49] : memref<16x80x128xi32, #tpu.memory_space<hbm>> -> memref<1x80x128xi32, #tpu.memory_space<hbm>>
          %dma_wait3A_51 = tpu.memref_squeeze %dma_wait3A_50 : memref<1x80x128xi32, #tpu.memory_space<hbm>> -> memref<80x128xi32, #tpu.memory_space<hbm>>
          %dma_wait3A_52 = arith.constant 0 : i32
          %dma_wait3A_53 = tpu.memref_slice %dma_wait3A_51[%mul3A_18, %dma_wait3A_52] : memref<80x128xi32, #tpu.memory_space<hbm>> -> memref<40x128xi32, #tpu.memory_space<hbm>>
          tpu.wait_dma2 semaphore(%run_scoped3A : memref<!tpu.dma_semaphore, #tpu.memory_space<semaphore_mem>>) src(%dma_wait3A_53 : memref<40x128xi32, #tpu.memory_space<hbm>>) dst(%arg9 : memref<40x128xi32, #tpu.memory_space<vmem>>)
          tpu.yield
        }) : () -> ()
        %dma_start3A = arith.constant 0 : i32
        %dma_start3A_19 = arith.constant 0 : i32
        %dma_start3A_20 = tpu.memref_slice %arg8[%dma_start3A, %dma_start3A_19] : memref<40x128xi32, #tpu.memory_space<vmem>> -> memref<1x128xi32, #tpu.memory_space<vmem>>
        %dma_start3A_21 = tpu.memref_squeeze %dma_start3A_20 : memref<1x128xi32, #tpu.memory_space<vmem>> -> memref<128xi32, #tpu.memory_space<vmem>>
        %dma_start3A_22 = arith.constant 0 : i32
        %dma_start3A_23 = arith.constant 0 : i32
        %dma_start3A_24 = tpu.memref_slice %arg2[%dma_start3A_22, %dma_start3A_23] : memref<10240x128xf32, #tpu.memory_space<hbm>> -> memref<10240x128xf32, #tpu.memory_space<hbm>>
        tpu.enqueue_indirect_dma source(%dma_start3A_24 : memref<10240x128xf32, #tpu.memory_space<hbm>>) target(%arg10 : memref<128x128xf32, #tpu.memory_space<vmem>>) offsets(%dma_start3A_21 : memref<128xi32, #tpu.memory_space<vmem>>) semaphore(%arg13 : memref<!tpu.dma_semaphore, #tpu.memory_space<semaphore_mem>>)
        %scan3A_25 = arith.constant 0 : i32
        %scan3A_26 = arith.constant 0 : i32
        %scan3A_27 = arith.constant 20 : i32
        %scan3A_28 = arith.addi %scan3A_26, %scan3A_27 : i32
        %scan3A_29 = arith.constant 1 : i32
        scf.for %scan3A_31 = %scan3A_26 to %scan3A_28 step %scan3A_29  : i32 {
          %mul3A_32 = arith.constant 2 : i32
          %mul3A_33 = arith.muli %mul3A_32, %scan3A_31 : i32
          %add3A = arith.constant 0 : i32
          %add3A_34 = arith.addi %mul3A_33, %add3A : i32
          %dma_wait3A = arith.constant 0 : i32
          %dma_wait3A_35 = tpu.memref_slice %arg8[%add3A_34, %dma_wait3A] : memref<40x128xi32, #tpu.memory_space<vmem>> -> memref<1x128xi32, #tpu.memory_space<vmem>>
          %dma_wait3A_36 = tpu.memref_squeeze %dma_wait3A_35 : memref<1x128xi32, #tpu.memory_space<vmem>> -> memref<128xi32, #tpu.memory_space<vmem>>
          %dma_wait3A_37 = arith.constant 0 : i32
          %dma_wait3A_38 = arith.constant 0 : i32
          %dma_wait3A_39 = tpu.memref_slice %arg2[%dma_wait3A_37, %dma_wait3A_38] : memref<10240x128xf32, #tpu.memory_space<hbm>> -> memref<10240x128xf32, #tpu.memory_space<hbm>>
          tpu.wait_indirect_dma semaphore(%arg13 : memref<!tpu.dma_semaphore, #tpu.memory_space<semaphore_mem>>) src(%dma_wait3A_39 : memref<10240x128xf32, #tpu.memory_space<hbm>>) dst(%arg10 : memref<128x128xf32, #tpu.memory_space<vmem>>)
          %add3A_40 = arith.constant 0 : i32
          %add3A_41 = arith.addi %mul3A_33, %add3A_40 : i32
          %add3A_42 = arith.constant 2 : i32
          %add3A_43 = arith.addi %add3A_41, %add3A_42 : i32
          %sub3A = arith.constant 1 : i32
          %sub3A_44 = arith.subi %add3A_43, %sub3A : i32
          %lt3A = arith.constant 40 : i32
          %lt3A_45 = arith.cmpi slt, %sub3A_44, %lt3A : i32
          %convert_element_type3A_46 = arith.extui %lt3A_45 : i1 to i32
          %cond3A_47 = arith.constant 0 : i32
          %cond3A_48 = arith.cmpi ne, %convert_element_type3A_46, %cond3A_47 : i32
          scf.if %cond3A_48 {
            %dma_start3A_72 = arith.constant 0 : i32
            %dma_start3A_73 = tpu.memref_slice %arg8[%sub3A_44, %dma_start3A_72] : memref<40x128xi32, #tpu.memory_space<vmem>> -> memref<1x128xi32, #tpu.memory_space<vmem>>
            %dma_start3A_74 = tpu.memref_squeeze %dma_start3A_73 : memref<1x128xi32, #tpu.memory_space<vmem>> -> memref<128xi32, #tpu.memory_space<vmem>>
            %dma_start3A_75 = arith.constant 0 : i32
            %dma_start3A_76 = arith.constant 0 : i32
            %dma_start3A_77 = tpu.memref_slice %arg2[%dma_start3A_75, %dma_start3A_76] : memref<10240x128xf32, #tpu.memory_space<hbm>> -> memref<10240x128xf32, #tpu.memory_space<hbm>>
            tpu.enqueue_indirect_dma source(%dma_start3A_77 : memref<10240x128xf32, #tpu.memory_space<hbm>>) target(%arg11 : memref<128x128xf32, #tpu.memory_space<vmem>>) offsets(%dma_start3A_74 : memref<128xi32, #tpu.memory_space<vmem>>) semaphore(%arg13 : memref<!tpu.dma_semaphore, #tpu.memory_space<semaphore_mem>>)
          } else {
          }
          %add3A_49 = arith.constant 0 : i32
          %add3A_50 = arith.addi %mul3A_33, %add3A_49 : i32
          "tpu.region"() ({
            %run_scoped3A = tpu.sem_alloc : memref<!tpu.dma_semaphore, #tpu.memory_space<semaphore_mem>>
            %dma_start3A_72 = arith.constant 0 : i32
            %dma_start3A_73 = tpu.memref_slice %arg9[%add3A_50, %dma_start3A_72] : memref<40x128xi32, #tpu.memory_space<vmem>> -> memref<1x128xi32, #tpu.memory_space<vmem>>
            %dma_start3A_74 = tpu.memref_squeeze %dma_start3A_73 : memref<1x128xi32, #tpu.memory_space<vmem>> -> memref<128xi32, #tpu.memory_space<vmem>>
            %dma_start3A_75 = arith.constant 0 : i32
            %dma_start3A_76 = arith.constant 0 : i32
            %dma_start3A_77 = tpu.memref_slice %arg12[%dma_start3A_75, %dma_start3A_76] : memref<10240x128xf32, #tpu.memory_space<vmem_shared>> -> memref<10240x128xf32, #tpu.memory_space<vmem_shared>>
            tpu.enqueue_indirect_dma source(%arg10 : memref<128x128xf32, #tpu.memory_space<vmem>>) target(%dma_start3A_77 : memref<10240x128xf32, #tpu.memory_space<vmem_shared>>) offsets(%dma_start3A_74 : memref<128xi32, #tpu.memory_space<vmem>>) semaphore(%run_scoped3A : memref<!tpu.dma_semaphore, #tpu.memory_space<semaphore_mem>>) {add = true}
            %dma_wait3A_78 = arith.constant 0 : i32
            %dma_wait3A_79 = tpu.memref_slice %arg9[%add3A_50, %dma_wait3A_78] : memref<40x128xi32, #tpu.memory_space<vmem>> -> memref<1x128xi32, #tpu.memory_space<vmem>>
            %dma_wait3A_80 = tpu.memref_squeeze %dma_wait3A_79 : memref<1x128xi32, #tpu.memory_space<vmem>> -> memref<128xi32, #tpu.memory_space<vmem>>
            %dma_wait3A_81 = arith.constant 0 : i32
            %dma_wait3A_82 = arith.constant 0 : i32
            %dma_wait3A_83 = tpu.memref_slice %arg12[%dma_wait3A_81, %dma_wait3A_82] : memref<10240x128xf32, #tpu.memory_space<vmem_shared>> -> memref<10240x128xf32, #tpu.memory_space<vmem_shared>>
            tpu.wait_indirect_dma semaphore(%run_scoped3A : memref<!tpu.dma_semaphore, #tpu.memory_space<semaphore_mem>>) src(%arg10 : memref<128x128xf32, #tpu.memory_space<vmem>>) dst(%dma_wait3A_83 : memref<10240x128xf32, #tpu.memory_space<vmem_shared>>)
            tpu.yield
          }) : () -> ()
          %add3A_51 = arith.constant 1 : i32
          %add3A_52 = arith.addi %mul3A_33, %add3A_51 : i32
          %dma_wait3A_53 = arith.constant 0 : i32
          %dma_wait3A_54 = tpu.memref_slice %arg8[%add3A_52, %dma_wait3A_53] : memref<40x128xi32, #tpu.memory_space<vmem>> -> memref<1x128xi32, #tpu.memory_space<vmem>>
          %dma_wait3A_55 = tpu.memref_squeeze %dma_wait3A_54 : memref<1x128xi32, #tpu.memory_space<vmem>> -> memref<128xi32, #tpu.memory_space<vmem>>
          %dma_wait3A_56 = arith.constant 0 : i32
          %dma_wait3A_57 = arith.constant 0 : i32
          %dma_wait3A_58 = tpu.memref_slice %arg2[%dma_wait3A_56, %dma_wait3A_57] : memref<10240x128xf32, #tpu.memory_space<hbm>> -> memref<10240x128xf32, #tpu.memory_space<hbm>>
          tpu.wait_indirect_dma semaphore(%arg13 : memref<!tpu.dma_semaphore, #tpu.memory_space<semaphore_mem>>) src(%dma_wait3A_58 : memref<10240x128xf32, #tpu.memory_space<hbm>>) dst(%arg11 : memref<128x128xf32, #tpu.memory_space<vmem>>)
          %add3A_59 = arith.constant 1 : i32
          %add3A_60 = arith.addi %mul3A_33, %add3A_59 : i32
          %add3A_61 = arith.constant 2 : i32
          %add3A_62 = arith.addi %add3A_60, %add3A_61 : i32
          %sub3A_63 = arith.constant 1 : i32
          %sub3A_64 = arith.subi %add3A_62, %sub3A_63 : i32
          %lt3A_65 = arith.constant 40 : i32
          %lt3A_66 = arith.cmpi slt, %sub3A_64, %lt3A_65 : i32
          %convert_element_type3A_67 = arith.extui %lt3A_66 : i1 to i32
          %cond3A_68 = arith.constant 0 : i32
          %cond3A_69 = arith.cmpi ne, %convert_element_type3A_67, %cond3A_68 : i32
          scf.if %cond3A_69 {
            %dma_start3A_72 = arith.constant 0 : i32
            %dma_start3A_73 = tpu.memref_slice %arg8[%sub3A_64, %dma_start3A_72] : memref<40x128xi32, #tpu.memory_space<vmem>> -> memref<1x128xi32, #tpu.memory_space<vmem>>
            %dma_start3A_74 = tpu.memref_squeeze %dma_start3A_73 : memref<1x128xi32, #tpu.memory_space<vmem>> -> memref<128xi32, #tpu.memory_space<vmem>>
            %dma_start3A_75 = arith.constant 0 : i32
            %dma_start3A_76 = arith.constant 0 : i32
            %dma_start3A_77 = tpu.memref_slice %arg2[%dma_start3A_75, %dma_start3A_76] : memref<10240x128xf32, #tpu.memory_space<hbm>> -> memref<10240x128xf32, #tpu.memory_space<hbm>>
            tpu.enqueue_indirect_dma source(%dma_start3A_77 : memref<10240x128xf32, #tpu.memory_space<hbm>>) target(%arg10 : memref<128x128xf32, #tpu.memory_space<vmem>>) offsets(%dma_start3A_74 : memref<128xi32, #tpu.memory_space<vmem>>) semaphore(%arg13 : memref<!tpu.dma_semaphore, #tpu.memory_space<semaphore_mem>>)
          } else {
          }
          %add3A_70 = arith.constant 1 : i32
          %add3A_71 = arith.addi %mul3A_33, %add3A_70 : i32
          "tpu.region"() ({
            %run_scoped3A = tpu.sem_alloc : memref<!tpu.dma_semaphore, #tpu.memory_space<semaphore_mem>>
            %dma_start3A_72 = arith.constant 0 : i32
            %dma_start3A_73 = tpu.memref_slice %arg9[%add3A_71, %dma_start3A_72] : memref<40x128xi32, #tpu.memory_space<vmem>> -> memref<1x128xi32, #tpu.memory_space<vmem>>
            %dma_start3A_74 = tpu.memref_squeeze %dma_start3A_73 : memref<1x128xi32, #tpu.memory_space<vmem>> -> memref<128xi32, #tpu.memory_space<vmem>>
            %dma_start3A_75 = arith.constant 0 : i32
            %dma_start3A_76 = arith.constant 0 : i32
            %dma_start3A_77 = tpu.memref_slice %arg12[%dma_start3A_75, %dma_start3A_76] : memref<10240x128xf32, #tpu.memory_space<vmem_shared>> -> memref<10240x128xf32, #tpu.memory_space<vmem_shared>>
            tpu.enqueue_indirect_dma source(%arg11 : memref<128x128xf32, #tpu.memory_space<vmem>>) target(%dma_start3A_77 : memref<10240x128xf32, #tpu.memory_space<vmem_shared>>) offsets(%dma_start3A_74 : memref<128xi32, #tpu.memory_space<vmem>>) semaphore(%run_scoped3A : memref<!tpu.dma_semaphore, #tpu.memory_space<semaphore_mem>>) {add = true}
            %dma_wait3A_78 = arith.constant 0 : i32
            %dma_wait3A_79 = tpu.memref_slice %arg9[%add3A_71, %dma_wait3A_78] : memref<40x128xi32, #tpu.memory_space<vmem>> -> memref<1x128xi32, #tpu.memory_space<vmem>>
            %dma_wait3A_80 = tpu.memref_squeeze %dma_wait3A_79 : memref<1x128xi32, #tpu.memory_space<vmem>> -> memref<128xi32, #tpu.memory_space<vmem>>
            %dma_wait3A_81 = arith.constant 0 : i32
            %dma_wait3A_82 = arith.constant 0 : i32
            %dma_wait3A_83 = tpu.memref_slice %arg12[%dma_wait3A_81, %dma_wait3A_82] : memref<10240x128xf32, #tpu.memory_space<vmem_shared>> -> memref<10240x128xf32, #tpu.memory_space<vmem_shared>>
            tpu.wait_indirect_dma semaphore(%run_scoped3A : memref<!tpu.dma_semaphore, #tpu.memory_space<semaphore_mem>>) src(%arg11 : memref<128x128xf32, #tpu.memory_space<vmem>>) dst(%dma_wait3A_83 : memref<10240x128xf32, #tpu.memory_space<vmem_shared>>)
            tpu.yield
          }) : () -> ()
        }
        %scan3A_30 = arith.constant 20 : i32
      }
      %scan3A_13 = arith.constant 2 : i32
    } else {
    }
    %eq3A_3 = arith.constant 1 : i32
    %eq3A_4 = arith.cmpi eq, %arg0, %eq3A_3 : i32
    %convert_element_type3A_5 = arith.extui %eq3A_4 : i1 to i32
    %cond3A_6 = arith.constant 0 : i32
    %cond3A_7 = arith.cmpi ne, %convert_element_type3A_5, %cond3A_6 : i32
    scf.if %cond3A_7 {
      %scan3A = arith.constant 0 : i32
      %scan3A_9 = arith.constant 0 : i32
      %scan3A_10 = arith.constant 2 : i32
      %scan3A_11 = arith.addi %scan3A_9, %scan3A_10 : i32
      %scan3A_12 = arith.constant 1 : i32
      scf.for %scan3A_14 = %scan3A_9 to %scan3A_11 step %scan3A_12  : i32 {
        %mul3A_15 = arith.constant 40 : i32
        %mul3A_16 = arith.muli %scan3A_14, %mul3A_15 : i32
        "tpu.region"() ({
          %run_scoped3A = tpu.sem_alloc : memref<!tpu.dma_semaphore, #tpu.memory_space<semaphore_mem>>
          %dma_start3A_31 = arith.constant 0 : i32
          %dma_start3A_32 = arith.constant 0 : i32
          %dma_start3A_33 = tpu.memref_slice %arg4[%arg1, %dma_start3A_31, %dma_start3A_32] : memref<16x80x128xi32, #tpu.memory_space<hbm>> -> memref<1x80x128xi32, #tpu.memory_space<hbm>>
          %dma_start3A_34 = tpu.memref_squeeze %dma_start3A_33 : memref<1x80x128xi32, #tpu.memory_space<hbm>> -> memref<80x128xi32, #tpu.memory_space<hbm>>
          %dma_start3A_35 = arith.constant 0 : i32
          %dma_start3A_36 = tpu.memref_slice %dma_start3A_34[%mul3A_16, %dma_start3A_35] : memref<80x128xi32, #tpu.memory_space<hbm>> -> memref<40x128xi32, #tpu.memory_space<hbm>>
          %dma_start3A_37 = arith.constant 0 : i32
          %dma_start3A_38 = arith.constant 0 : i32
          %dma_start3A_39 = tpu.memref_slice %arg4[%arg1, %dma_start3A_37, %dma_start3A_38] : memref<16x80x128xi32, #tpu.memory_space<hbm>> -> memref<1x80x128xi32, #tpu.memory_space<hbm>>
          %dma_start3A_40 = tpu.memref_squeeze %dma_start3A_39 : memref<1x80x128xi32, #tpu.memory_space<hbm>> -> memref<80x128xi32, #tpu.memory_space<hbm>>
          %dma_start3A_41 = arith.constant 0 : i32
          %dma_start3A_42 = tpu.memref_slice %dma_start3A_40[%mul3A_16, %dma_start3A_41] : memref<80x128xi32, #tpu.memory_space<hbm>> -> memref<40x128xi32, #tpu.memory_space<hbm>>
          tpu.enqueue_dma source(%dma_start3A_42 : memref<40x128xi32, #tpu.memory_space<hbm>>) target(%arg8 : memref<40x128xi32, #tpu.memory_space<vmem>>) target_semaphore(%run_scoped3A : memref<!tpu.dma_semaphore, #tpu.memory_space<semaphore_mem>>)
          %dma_wait3A = arith.constant 0 : i32
          %dma_wait3A_43 = arith.constant 0 : i32
          %dma_wait3A_44 = tpu.memref_slice %arg4[%arg1, %dma_wait3A, %dma_wait3A_43] : memref<16x80x128xi32, #tpu.memory_space<hbm>> -> memref<1x80x128xi32, #tpu.memory_space<hbm>>
          %dma_wait3A_45 = tpu.memref_squeeze %dma_wait3A_44 : memref<1x80x128xi32, #tpu.memory_space<hbm>> -> memref<80x128xi32, #tpu.memory_space<hbm>>
          %dma_wait3A_46 = arith.constant 0 : i32
          %dma_wait3A_47 = tpu.memref_slice %dma_wait3A_45[%mul3A_16, %dma_wait3A_46] : memref<80x128xi32, #tpu.memory_space<hbm>> -> memref<40x128xi32, #tpu.memory_space<hbm>>
          %dma_wait3A_48 = arith.constant 0 : i32
          %dma_wait3A_49 = arith.constant 0 : i32
          %dma_wait3A_50 = tpu.memref_slice %arg4[%arg1, %dma_wait3A_48, %dma_wait3A_49] : memref<16x80x128xi32, #tpu.memory_space<hbm>> -> memref<1x80x128xi32, #tpu.memory_space<hbm>>
          %dma_wait3A_51 = tpu.memref_squeeze %dma_wait3A_50 : memref<1x80x128xi32, #tpu.memory_space<hbm>> -> memref<80x128xi32, #tpu.memory_space<hbm>>
          %dma_wait3A_52 = arith.constant 0 : i32
          %dma_wait3A_53 = tpu.memref_slice %dma_wait3A_51[%mul3A_16, %dma_wait3A_52] : memref<80x128xi32, #tpu.memory_space<hbm>> -> memref<40x128xi32, #tpu.memory_space<hbm>>
          tpu.wait_dma2 semaphore(%run_scoped3A : memref<!tpu.dma_semaphore, #tpu.memory_space<semaphore_mem>>) src(%dma_wait3A_53 : memref<40x128xi32, #tpu.memory_space<hbm>>) dst(%arg8 : memref<40x128xi32, #tpu.memory_space<vmem>>)
          tpu.yield
        }) : () -> ()
        %mul3A_17 = arith.constant 40 : i32
        %mul3A_18 = arith.muli %scan3A_14, %mul3A_17 : i32
        "tpu.region"() ({
          %run_scoped3A = tpu.sem_alloc : memref<!tpu.dma_semaphore, #tpu.memory_space<semaphore_mem>>
          %dma_start3A_31 = arith.constant 0 : i32
          %dma_start3A_32 = arith.constant 0 : i32
          %dma_start3A_33 = tpu.memref_slice %arg5[%arg1, %dma_start3A_31, %dma_start3A_32] : memref<16x80x128xi32, #tpu.memory_space<hbm>> -> memref<1x80x128xi32, #tpu.memory_space<hbm>>
          %dma_start3A_34 = tpu.memref_squeeze %dma_start3A_33 : memref<1x80x128xi32, #tpu.memory_space<hbm>> -> memref<80x128xi32, #tpu.memory_space<hbm>>
          %dma_start3A_35 = arith.constant 0 : i32
          %dma_start3A_36 = tpu.memref_slice %dma_start3A_34[%mul3A_18, %dma_start3A_35] : memref<80x128xi32, #tpu.memory_space<hbm>> -> memref<40x128xi32, #tpu.memory_space<hbm>>
          %dma_start3A_37 = arith.constant 0 : i32
          %dma_start3A_38 = arith.constant 0 : i32
          %dma_start3A_39 = tpu.memref_slice %arg5[%arg1, %dma_start3A_37, %dma_start3A_38] : memref<16x80x128xi32, #tpu.memory_space<hbm>> -> memref<1x80x128xi32, #tpu.memory_space<hbm>>
          %dma_start3A_40 = tpu.memref_squeeze %dma_start3A_39 : memref<1x80x128xi32, #tpu.memory_space<hbm>> -> memref<80x128xi32, #tpu.memory_space<hbm>>
          %dma_start3A_41 = arith.constant 0 : i32
          %dma_start3A_42 = tpu.memref_slice %dma_start3A_40[%mul3A_18, %dma_start3A_41] : memref<80x128xi32, #tpu.memory_space<hbm>> -> memref<40x128xi32, #tpu.memory_space<hbm>>
          tpu.enqueue_dma source(%dma_start3A_42 : memref<40x128xi32, #tpu.memory_space<hbm>>) target(%arg9 : memref<40x128xi32, #tpu.memory_space<vmem>>) target_semaphore(%run_scoped3A : memref<!tpu.dma_semaphore, #tpu.memory_space<semaphore_mem>>)
          %dma_wait3A = arith.constant 0 : i32
          %dma_wait3A_43 = arith.constant 0 : i32
          %dma_wait3A_44 = tpu.memref_slice %arg5[%arg1, %dma_wait3A, %dma_wait3A_43] : memref<16x80x128xi32, #tpu.memory_space<hbm>> -> memref<1x80x128xi32, #tpu.memory_space<hbm>>
          %dma_wait3A_45 = tpu.memref_squeeze %dma_wait3A_44 : memref<1x80x128xi32, #tpu.memory_space<hbm>> -> memref<80x128xi32, #tpu.memory_space<hbm>>
          %dma_wait3A_46 = arith.constant 0 : i32
          %dma_wait3A_47 = tpu.memref_slice %dma_wait3A_45[%mul3A_18, %dma_wait3A_46] : memref<80x128xi32, #tpu.memory_space<hbm>> -> memref<40x128xi32, #tpu.memory_space<hbm>>
          %dma_wait3A_48 = arith.constant 0 : i32
          %dma_wait3A_49 = arith.constant 0 : i32
          %dma_wait3A_50 = tpu.memref_slice %arg5[%arg1, %dma_wait3A_48, %dma_wait3A_49] : memref<16x80x128xi32, #tpu.memory_space<hbm>> -> memref<1x80x128xi32, #tpu.memory_space<hbm>>
          %dma_wait3A_51 = tpu.memref_squeeze %dma_wait3A_50 : memref<1x80x128xi32, #tpu.memory_space<hbm>> -> memref<80x128xi32, #tpu.memory_space<hbm>>
          %dma_wait3A_52 = arith.constant 0 : i32
          %dma_wait3A_53 = tpu.memref_slice %dma_wait3A_51[%mul3A_18, %dma_wait3A_52] : memref<80x128xi32, #tpu.memory_space<hbm>> -> memref<40x128xi32, #tpu.memory_space<hbm>>
          tpu.wait_dma2 semaphore(%run_scoped3A : memref<!tpu.dma_semaphore, #tpu.memory_space<semaphore_mem>>) src(%dma_wait3A_53 : memref<40x128xi32, #tpu.memory_space<hbm>>) dst(%arg9 : memref<40x128xi32, #tpu.memory_space<vmem>>)
          tpu.yield
        }) : () -> ()
        %dma_start3A = arith.constant 0 : i32
        %dma_start3A_19 = arith.constant 0 : i32
        %dma_start3A_20 = tpu.memref_slice %arg8[%dma_start3A, %dma_start3A_19] : memref<40x128xi32, #tpu.memory_space<vmem>> -> memref<1x128xi32, #tpu.memory_space<vmem>>
        %dma_start3A_21 = tpu.memref_squeeze %dma_start3A_20 : memref<1x128xi32, #tpu.memory_space<vmem>> -> memref<128xi32, #tpu.memory_space<vmem>>
        %dma_start3A_22 = arith.constant 0 : i32
        %dma_start3A_23 = arith.constant 0 : i32
        %dma_start3A_24 = tpu.memref_slice %arg3[%dma_start3A_22, %dma_start3A_23] : memref<10240x128xf32, #tpu.memory_space<hbm>> -> memref<10240x128xf32, #tpu.memory_space<hbm>>
        tpu.enqueue_indirect_dma source(%dma_start3A_24 : memref<10240x128xf32, #tpu.memory_space<hbm>>) target(%arg10 : memref<128x128xf32, #tpu.memory_space<vmem>>) offsets(%dma_start3A_21 : memref<128xi32, #tpu.memory_space<vmem>>) semaphore(%arg13 : memref<!tpu.dma_semaphore, #tpu.memory_space<semaphore_mem>>)
        %scan3A_25 = arith.constant 0 : i32
        %scan3A_26 = arith.constant 0 : i32
        %scan3A_27 = arith.constant 20 : i32
        %scan3A_28 = arith.addi %scan3A_26, %scan3A_27 : i32
        %scan3A_29 = arith.constant 1 : i32
        scf.for %scan3A_31 = %scan3A_26 to %scan3A_28 step %scan3A_29  : i32 {
          %mul3A_32 = arith.constant 2 : i32
          %mul3A_33 = arith.muli %mul3A_32, %scan3A_31 : i32
          %add3A = arith.constant 0 : i32
          %add3A_34 = arith.addi %mul3A_33, %add3A : i32
          %dma_wait3A = arith.constant 0 : i32
          %dma_wait3A_35 = tpu.memref_slice %arg8[%add3A_34, %dma_wait3A] : memref<40x128xi32, #tpu.memory_space<vmem>> -> memref<1x128xi32, #tpu.memory_space<vmem>>
          %dma_wait3A_36 = tpu.memref_squeeze %dma_wait3A_35 : memref<1x128xi32, #tpu.memory_space<vmem>> -> memref<128xi32, #tpu.memory_space<vmem>>
          %dma_wait3A_37 = arith.constant 0 : i32
          %dma_wait3A_38 = arith.constant 0 : i32
          %dma_wait3A_39 = tpu.memref_slice %arg3[%dma_wait3A_37, %dma_wait3A_38] : memref<10240x128xf32, #tpu.memory_space<hbm>> -> memref<10240x128xf32, #tpu.memory_space<hbm>>
          tpu.wait_indirect_dma semaphore(%arg13 : memref<!tpu.dma_semaphore, #tpu.memory_space<semaphore_mem>>) src(%dma_wait3A_39 : memref<10240x128xf32, #tpu.memory_space<hbm>>) dst(%arg10 : memref<128x128xf32, #tpu.memory_space<vmem>>)
          %add3A_40 = arith.constant 0 : i32
          %add3A_41 = arith.addi %mul3A_33, %add3A_40 : i32
          %add3A_42 = arith.constant 2 : i32
          %add3A_43 = arith.addi %add3A_41, %add3A_42 : i32
          %sub3A = arith.constant 1 : i32
          %sub3A_44 = arith.subi %add3A_43, %sub3A : i32
          %lt3A = arith.constant 40 : i32
          %lt3A_45 = arith.cmpi slt, %sub3A_44, %lt3A : i32
          %convert_element_type3A_46 = arith.extui %lt3A_45 : i1 to i32
          %cond3A_47 = arith.constant 0 : i32
          %cond3A_48 = arith.cmpi ne, %convert_element_type3A_46, %cond3A_47 : i32
          scf.if %cond3A_48 {
            %dma_start3A_72 = arith.constant 0 : i32
            %dma_start3A_73 = tpu.memref_slice %arg8[%sub3A_44, %dma_start3A_72] : memref<40x128xi32, #tpu.memory_space<vmem>> -> memref<1x128xi32, #tpu.memory_space<vmem>>
            %dma_start3A_74 = tpu.memref_squeeze %dma_start3A_73 : memref<1x128xi32, #tpu.memory_space<vmem>> -> memref<128xi32, #tpu.memory_space<vmem>>
            %dma_start3A_75 = arith.constant 0 : i32
            %dma_start3A_76 = arith.constant 0 : i32
            %dma_start3A_77 = tpu.memref_slice %arg3[%dma_start3A_75, %dma_start3A_76] : memref<10240x128xf32, #tpu.memory_space<hbm>> -> memref<10240x128xf32, #tpu.memory_space<hbm>>
            tpu.enqueue_indirect_dma source(%dma_start3A_77 : memref<10240x128xf32, #tpu.memory_space<hbm>>) target(%arg11 : memref<128x128xf32, #tpu.memory_space<vmem>>) offsets(%dma_start3A_74 : memref<128xi32, #tpu.memory_space<vmem>>) semaphore(%arg13 : memref<!tpu.dma_semaphore, #tpu.memory_space<semaphore_mem>>)
          } else {
          }
          %add3A_49 = arith.constant 0 : i32
          %add3A_50 = arith.addi %mul3A_33, %add3A_49 : i32
          "tpu.region"() ({
            %run_scoped3A = tpu.sem_alloc : memref<!tpu.dma_semaphore, #tpu.memory_space<semaphore_mem>>
            %dma_start3A_72 = arith.constant 0 : i32
            %dma_start3A_73 = tpu.memref_slice %arg9[%add3A_50, %dma_start3A_72] : memref<40x128xi32, #tpu.memory_space<vmem>> -> memref<1x128xi32, #tpu.memory_space<vmem>>
            %dma_start3A_74 = tpu.memref_squeeze %dma_start3A_73 : memref<1x128xi32, #tpu.memory_space<vmem>> -> memref<128xi32, #tpu.memory_space<vmem>>
            %dma_start3A_75 = arith.constant 0 : i32
            %dma_start3A_76 = arith.constant 0 : i32
            %dma_start3A_77 = tpu.memref_slice %arg12[%dma_start3A_75, %dma_start3A_76] : memref<10240x128xf32, #tpu.memory_space<vmem_shared>> -> memref<10240x128xf32, #tpu.memory_space<vmem_shared>>
            tpu.enqueue_indirect_dma source(%arg10 : memref<128x128xf32, #tpu.memory_space<vmem>>) target(%dma_start3A_77 : memref<10240x128xf32, #tpu.memory_space<vmem_shared>>) offsets(%dma_start3A_74 : memref<128xi32, #tpu.memory_space<vmem>>) semaphore(%run_scoped3A : memref<!tpu.dma_semaphore, #tpu.memory_space<semaphore_mem>>) {add = true}
            %dma_wait3A_78 = arith.constant 0 : i32
            %dma_wait3A_79 = tpu.memref_slice %arg9[%add3A_50, %dma_wait3A_78] : memref<40x128xi32, #tpu.memory_space<vmem>> -> memref<1x128xi32, #tpu.memory_space<vmem>>
            %dma_wait3A_80 = tpu.memref_squeeze %dma_wait3A_79 : memref<1x128xi32, #tpu.memory_space<vmem>> -> memref<128xi32, #tpu.memory_space<vmem>>
            %dma_wait3A_81 = arith.constant 0 : i32
            %dma_wait3A_82 = arith.constant 0 : i32
            %dma_wait3A_83 = tpu.memref_slice %arg12[%dma_wait3A_81, %dma_wait3A_82] : memref<10240x128xf32, #tpu.memory_space<vmem_shared>> -> memref<10240x128xf32, #tpu.memory_space<vmem_shared>>
            tpu.wait_indirect_dma semaphore(%run_scoped3A : memref<!tpu.dma_semaphore, #tpu.memory_space<semaphore_mem>>) src(%arg10 : memref<128x128xf32, #tpu.memory_space<vmem>>) dst(%dma_wait3A_83 : memref<10240x128xf32, #tpu.memory_space<vmem_shared>>)
            tpu.yield
          }) : () -> ()
          %add3A_51 = arith.constant 1 : i32
          %add3A_52 = arith.addi %mul3A_33, %add3A_51 : i32
          %dma_wait3A_53 = arith.constant 0 : i32
          %dma_wait3A_54 = tpu.memref_slice %arg8[%add3A_52, %dma_wait3A_53] : memref<40x128xi32, #tpu.memory_space<vmem>> -> memref<1x128xi32, #tpu.memory_space<vmem>>
          %dma_wait3A_55 = tpu.memref_squeeze %dma_wait3A_54 : memref<1x128xi32, #tpu.memory_space<vmem>> -> memref<128xi32, #tpu.memory_space<vmem>>
          %dma_wait3A_56 = arith.constant 0 : i32
          %dma_wait3A_57 = arith.constant 0 : i32
          %dma_wait3A_58 = tpu.memref_slice %arg3[%dma_wait3A_56, %dma_wait3A_57] : memref<10240x128xf32, #tpu.memory_space<hbm>> -> memref<10240x128xf32, #tpu.memory_space<hbm>>
          tpu.wait_indirect_dma semaphore(%arg13 : memref<!tpu.dma_semaphore, #tpu.memory_space<semaphore_mem>>) src(%dma_wait3A_58 : memref<10240x128xf32, #tpu.memory_space<hbm>>) dst(%arg11 : memref<128x128xf32, #tpu.memory_space<vmem>>)
          %add3A_59 = arith.constant 1 : i32
          %add3A_60 = arith.addi %mul3A_33, %add3A_59 : i32
          %add3A_61 = arith.constant 2 : i32
          %add3A_62 = arith.addi %add3A_60, %add3A_61 : i32
          %sub3A_63 = arith.constant 1 : i32
          %sub3A_64 = arith.subi %add3A_62, %sub3A_63 : i32
          %lt3A_65 = arith.constant 40 : i32
          %lt3A_66 = arith.cmpi slt, %sub3A_64, %lt3A_65 : i32
          %convert_element_type3A_67 = arith.extui %lt3A_66 : i1 to i32
          %cond3A_68 = arith.constant 0 : i32
          %cond3A_69 = arith.cmpi ne, %convert_element_type3A_67, %cond3A_68 : i32
          scf.if %cond3A_69 {
            %dma_start3A_72 = arith.constant 0 : i32
            %dma_start3A_73 = tpu.memref_slice %arg8[%sub3A_64, %dma_start3A_72] : memref<40x128xi32, #tpu.memory_space<vmem>> -> memref<1x128xi32, #tpu.memory_space<vmem>>
            %dma_start3A_74 = tpu.memref_squeeze %dma_start3A_73 : memref<1x128xi32, #tpu.memory_space<vmem>> -> memref<128xi32, #tpu.memory_space<vmem>>
            %dma_start3A_75 = arith.constant 0 : i32
            %dma_start3A_76 = arith.constant 0 : i32
            %dma_start3A_77 = tpu.memref_slice %arg3[%dma_start3A_75, %dma_start3A_76] : memref<10240x128xf32, #tpu.memory_space<hbm>> -> memref<10240x128xf32, #tpu.memory_space<hbm>>
            tpu.enqueue_indirect_dma source(%dma_start3A_77 : memref<10240x128xf32, #tpu.memory_space<hbm>>) target(%arg10 : memref<128x128xf32, #tpu.memory_space<vmem>>) offsets(%dma_start3A_74 : memref<128xi32, #tpu.memory_space<vmem>>) semaphore(%arg13 : memref<!tpu.dma_semaphore, #tpu.memory_space<semaphore_mem>>)
          } else {
          }
          %add3A_70 = arith.constant 1 : i32
          %add3A_71 = arith.addi %mul3A_33, %add3A_70 : i32
          "tpu.region"() ({
            %run_scoped3A = tpu.sem_alloc : memref<!tpu.dma_semaphore, #tpu.memory_space<semaphore_mem>>
            %dma_start3A_72 = arith.constant 0 : i32
            %dma_start3A_73 = tpu.memref_slice %arg9[%add3A_71, %dma_start3A_72] : memref<40x128xi32, #tpu.memory_space<vmem>> -> memref<1x128xi32, #tpu.memory_space<vmem>>
            %dma_start3A_74 = tpu.memref_squeeze %dma_start3A_73 : memref<1x128xi32, #tpu.memory_space<vmem>> -> memref<128xi32, #tpu.memory_space<vmem>>
            %dma_start3A_75 = arith.constant 0 : i32
            %dma_start3A_76 = arith.constant 0 : i32
            %dma_start3A_77 = tpu.memref_slice %arg12[%dma_start3A_75, %dma_start3A_76] : memref<10240x128xf32, #tpu.memory_space<vmem_shared>> -> memref<10240x128xf32, #tpu.memory_space<vmem_shared>>
            tpu.enqueue_indirect_dma source(%arg11 : memref<128x128xf32, #tpu.memory_space<vmem>>) target(%dma_start3A_77 : memref<10240x128xf32, #tpu.memory_space<vmem_shared>>) offsets(%dma_start3A_74 : memref<128xi32, #tpu.memory_space<vmem>>) semaphore(%run_scoped3A : memref<!tpu.dma_semaphore, #tpu.memory_space<semaphore_mem>>) {add = true}
            %dma_wait3A_78 = arith.constant 0 : i32
            %dma_wait3A_79 = tpu.memref_slice %arg9[%add3A_71, %dma_wait3A_78] : memref<40x128xi32, #tpu.memory_space<vmem>> -> memref<1x128xi32, #tpu.memory_space<vmem>>
            %dma_wait3A_80 = tpu.memref_squeeze %dma_wait3A_79 : memref<1x128xi32, #tpu.memory_space<vmem>> -> memref<128xi32, #tpu.memory_space<vmem>>
            %dma_wait3A_81 = arith.constant 0 : i32
            %dma_wait3A_82 = arith.constant 0 : i32
            %dma_wait3A_83 = tpu.memref_slice %arg12[%dma_wait3A_81, %dma_wait3A_82] : memref<10240x128xf32, #tpu.memory_space<vmem_shared>> -> memref<10240x128xf32, #tpu.memory_space<vmem_shared>>
            tpu.wait_indirect_dma semaphore(%run_scoped3A : memref<!tpu.dma_semaphore, #tpu.memory_space<semaphore_mem>>) src(%arg11 : memref<128x128xf32, #tpu.memory_space<vmem>>) dst(%dma_wait3A_83 : memref<10240x128xf32, #tpu.memory_space<vmem_shared>>)
            tpu.yield
          }) : () -> ()
        }
        %scan3A_30 = arith.constant 20 : i32
      }
      %scan3A_13 = arith.constant 2 : i32
    } else {
    }
    %barrier3A_8 = arith.constant 0 : index
    tpu.barrier barrier_id(%barrier3A_8)
    "tpu.region"() ({
      %run_scoped3A = tpu.sem_alloc : memref<!tpu.dma_semaphore, #tpu.memory_space<semaphore_mem>>
      %dma_start3A = arith.constant 0 : i32
      %dma_start3A_9 = arith.constant 0 : i32
      %dma_start3A_10 = tpu.memref_slice %arg7[%arg0, %dma_start3A, %dma_start3A_9] : memref<2x10240x128xf32, #tpu.memory_space<hbm>> -> memref<1x10240x128xf32, #tpu.memory_space<hbm>>
      %dma_start3A_11 = tpu.memref_squeeze %dma_start3A_10 : memref<1x10240x128xf32, #tpu.memory_space<hbm>> -> memref<10240x128xf32, #tpu.memory_space<hbm>>
      %dma_start3A_12 = arith.constant 0 : i32
      %dma_start3A_13 = tpu.memref_slice %dma_start3A_11[%mul3A_0, %dma_start3A_12] : memref<10240x128xf32, #tpu.memory_space<hbm>> -> memref<640x128xf32, #tpu.memory_space<hbm>>
      %dma_start3A_14 = arith.constant 0 : i32
      %dma_start3A_15 = tpu.memref_slice %arg12[%mul3A_0, %dma_start3A_14] : memref<10240x128xf32, #tpu.memory_space<vmem_shared>> -> memref<640x128xf32, #tpu.memory_space<vmem_shared>>
      tpu.enqueue_dma source(%dma_start3A_15 : memref<640x128xf32, #tpu.memory_space<vmem_shared>>) target(%dma_start3A_13 : memref<640x128xf32, #tpu.memory_space<hbm>>) target_semaphore(%run_scoped3A : memref<!tpu.dma_semaphore, #tpu.memory_space<semaphore_mem>>)
      %dma_wait3A = arith.constant 0 : i32
      %dma_wait3A_16 = arith.constant 0 : i32
      %dma_wait3A_17 = tpu.memref_slice %arg7[%arg0, %dma_wait3A, %dma_wait3A_16] : memref<2x10240x128xf32, #tpu.memory_space<hbm>> -> memref<1x10240x128xf32, #tpu.memory_space<hbm>>
      %dma_wait3A_18 = tpu.memref_squeeze %dma_wait3A_17 : memref<1x10240x128xf32, #tpu.memory_space<hbm>> -> memref<10240x128xf32, #tpu.memory_space<hbm>>
      %dma_wait3A_19 = arith.constant 0 : i32
      %dma_wait3A_20 = tpu.memref_slice %dma_wait3A_18[%mul3A_0, %dma_wait3A_19] : memref<10240x128xf32, #tpu.memory_space<hbm>> -> memref<640x128xf32, #tpu.memory_space<hbm>>
      %dma_wait3A_21 = arith.constant 0 : i32
      %dma_wait3A_22 = tpu.memref_slice %arg12[%mul3A_0, %dma_wait3A_21] : memref<10240x128xf32, #tpu.memory_space<vmem_shared>> -> memref<640x128xf32, #tpu.memory_space<vmem_shared>>
      tpu.wait_dma2 semaphore(%run_scoped3A : memref<!tpu.dma_semaphore, #tpu.memory_space<semaphore_mem>>) src(%dma_wait3A_22 : memref<640x128xf32, #tpu.memory_space<vmem_shared>>) dst(%dma_wait3A_20 : memref<640x128xf32, #tpu.memory_space<hbm>>)
      tpu.yield
    }) : () -> ()
    return
  }
}

#map = affine_map<(d0, d1) -> (0, 0)>
#map1 = affine_map<(d0, d1) -> (0, 0, 0)>
module attributes {stable_mosaic.version = 14 : i64} {
  func.func @_sc_scatter_body(%arg0: i32, %arg1: i32, %arg2: memref<10240x128xf32, #tpu.memory_space<hbm>>, %arg3: memref<10240x128xf32, #tpu.memory_space<hbm>>, %arg4: memref<16x80x128xi32, #tpu.memory_space<hbm>>, %arg5: memref<16x80x128xi32, #tpu.memory_space<hbm>>, %arg6: memref<640x128xf32, #tpu.memory_space<hbm>>, %arg7: memref<2x10240x128xf32, #tpu.memory_space<hbm>>, %arg8: memref<40x128xi32, #tpu.memory_space<vmem>>, %arg9: memref<40x128xi32, #tpu.memory_space<vmem>>, %arg10: memref<128x128xf32, #tpu.memory_space<vmem>>, %arg11: memref<128x128xf32, #tpu.memory_space<vmem>>, %arg12: memref<10240x128xf32, #tpu.memory_space<vmem_shared>>, %arg13: memref<!tpu.dma_semaphore, #tpu.memory_space<semaphore_mem>>) attributes {dimension_semantics = [#tpu.dimension_semantics<core_parallel>, #tpu.dimension_semantics<subcore_parallel>], iteration_bounds = array<i64: 2, 16>, scalar_prefetch = 0 : i64, scratch_operands = 6 : i64, tpu.core_type = #tpu.core_type<sc_vector_subcore>, window_params = [{transform_indices = #map}, {transform_indices = #map}, {transform_indices = #map1}, {transform_indices = #map1}, {transform_indices = #map}, {transform_indices = #map1}]} {
    %mul3A = arith.constant 640 : i32
    %mul3A_0 = arith.muli %arg1, %mul3A : i32
    "tpu.region"() ({
      %run_scoped3A = tpu.sem_alloc : memref<!tpu.dma_semaphore, #tpu.memory_space<semaphore_mem>>
      %dma_start3A = arith.constant 0 : i32
      %dma_start3A_9 = tpu.memref_slice %arg12[%mul3A_0, %dma_start3A] : memref<10240x128xf32, #tpu.memory_space<vmem_shared>> -> memref<640x128xf32, #tpu.memory_space<vmem_shared>>
      tpu.enqueue_dma source(%arg6 : memref<640x128xf32, #tpu.memory_space<hbm>>) target(%dma_start3A_9 : memref<640x128xf32, #tpu.memory_space<vmem_shared>>) target_semaphore(%run_scoped3A : memref<!tpu.dma_semaphore, #tpu.memory_space<semaphore_mem>>)
      %dma_wait3A = arith.constant 0 : i32
      %dma_wait3A_10 = tpu.memref_slice %arg12[%mul3A_0, %dma_wait3A] : memref<10240x128xf32, #tpu.memory_space<vmem_shared>> -> memref<640x128xf32, #tpu.memory_space<vmem_shared>>
      tpu.wait_dma2 semaphore(%run_scoped3A : memref<!tpu.dma_semaphore, #tpu.memory_space<semaphore_mem>>) src(%arg6 : memref<640x128xf32, #tpu.memory_space<hbm>>) dst(%dma_wait3A_10 : memref<640x128xf32, #tpu.memory_space<vmem_shared>>)
      tpu.yield
    }) : () -> ()
    %barrier3A = arith.constant 0 : index
    tpu.barrier barrier_id(%barrier3A)
    %eq3A = arith.constant 0 : i32
    %eq3A_1 = arith.cmpi eq, %arg0, %eq3A : i32
    %convert_element_type3A = arith.extui %eq3A_1 : i1 to i32
    %cond3A = arith.constant 0 : i32
    %cond3A_2 = arith.cmpi ne, %convert_element_type3A, %cond3A : i32
    scf.if %cond3A_2 {
      %scan3A = arith.constant 0 : i32
      %scan3A_9 = arith.constant 0 : i32
      %scan3A_10 = arith.constant 2 : i32
      %scan3A_11 = arith.addi %scan3A_9, %scan3A_10 : i32
      %scan3A_12 = arith.constant 1 : i32
      scf.for %scan3A_14 = %scan3A_9 to %scan3A_11 step %scan3A_12  : i32 {
        %mul3A_15 = arith.constant 40 : i32
        %mul3A_16 = arith.muli %scan3A_14, %mul3A_15 : i32
        "tpu.region"() ({
          %run_scoped3A = tpu.sem_alloc : memref<!tpu.dma_semaphore, #tpu.memory_space<semaphore_mem>>
          %dma_start3A_31 = arith.constant 0 : i32
          %dma_start3A_32 = arith.constant 0 : i32
          %dma_start3A_33 = tpu.memref_slice %arg4[%arg1, %dma_start3A_31, %dma_start3A_32] : memref<16x80x128xi32, #tpu.memory_space<hbm>> -> memref<1x80x128xi32, #tpu.memory_space<hbm>>
          %dma_start3A_34 = tpu.memref_squeeze %dma_start3A_33 : memref<1x80x128xi32, #tpu.memory_space<hbm>> -> memref<80x128xi32, #tpu.memory_space<hbm>>
          %dma_start3A_35 = arith.constant 0 : i32
          %dma_start3A_36 = tpu.memref_slice %dma_start3A_34[%mul3A_16, %dma_start3A_35] : memref<80x128xi32, #tpu.memory_space<hbm>> -> memref<40x128xi32, #tpu.memory_space<hbm>>
          %dma_start3A_37 = arith.constant 0 : i32
          %dma_start3A_38 = arith.constant 0 : i32
          %dma_start3A_39 = tpu.memref_slice %arg4[%arg1, %dma_start3A_37, %dma_start3A_38] : memref<16x80x128xi32, #tpu.memory_space<hbm>> -> memref<1x80x128xi32, #tpu.memory_space<hbm>>
          %dma_start3A_40 = tpu.memref_squeeze %dma_start3A_39 : memref<1x80x128xi32, #tpu.memory_space<hbm>> -> memref<80x128xi32, #tpu.memory_space<hbm>>
          %dma_start3A_41 = arith.constant 0 : i32
          %dma_start3A_42 = tpu.memref_slice %dma_start3A_40[%mul3A_16, %dma_start3A_41] : memref<80x128xi32, #tpu.memory_space<hbm>> -> memref<40x128xi32, #tpu.memory_space<hbm>>
          tpu.enqueue_dma source(%dma_start3A_42 : memref<40x128xi32, #tpu.memory_space<hbm>>) target(%arg8 : memref<40x128xi32, #tpu.memory_space<vmem>>) target_semaphore(%run_scoped3A : memref<!tpu.dma_semaphore, #tpu.memory_space<semaphore_mem>>)
          %dma_wait3A = arith.constant 0 : i32
          %dma_wait3A_43 = arith.constant 0 : i32
          %dma_wait3A_44 = tpu.memref_slice %arg4[%arg1, %dma_wait3A, %dma_wait3A_43] : memref<16x80x128xi32, #tpu.memory_space<hbm>> -> memref<1x80x128xi32, #tpu.memory_space<hbm>>
          %dma_wait3A_45 = tpu.memref_squeeze %dma_wait3A_44 : memref<1x80x128xi32, #tpu.memory_space<hbm>> -> memref<80x128xi32, #tpu.memory_space<hbm>>
          %dma_wait3A_46 = arith.constant 0 : i32
          %dma_wait3A_47 = tpu.memref_slice %dma_wait3A_45[%mul3A_16, %dma_wait3A_46] : memref<80x128xi32, #tpu.memory_space<hbm>> -> memref<40x128xi32, #tpu.memory_space<hbm>>
          %dma_wait3A_48 = arith.constant 0 : i32
          %dma_wait3A_49 = arith.constant 0 : i32
          %dma_wait3A_50 = tpu.memref_slice %arg4[%arg1, %dma_wait3A_48, %dma_wait3A_49] : memref<16x80x128xi32, #tpu.memory_space<hbm>> -> memref<1x80x128xi32, #tpu.memory_space<hbm>>
          %dma_wait3A_51 = tpu.memref_squeeze %dma_wait3A_50 : memref<1x80x128xi32, #tpu.memory_space<hbm>> -> memref<80x128xi32, #tpu.memory_space<hbm>>
          %dma_wait3A_52 = arith.constant 0 : i32
          %dma_wait3A_53 = tpu.memref_slice %dma_wait3A_51[%mul3A_16, %dma_wait3A_52] : memref<80x128xi32, #tpu.memory_space<hbm>> -> memref<40x128xi32, #tpu.memory_space<hbm>>
          tpu.wait_dma2 semaphore(%run_scoped3A : memref<!tpu.dma_semaphore, #tpu.memory_space<semaphore_mem>>) src(%dma_wait3A_53 : memref<40x128xi32, #tpu.memory_space<hbm>>) dst(%arg8 : memref<40x128xi32, #tpu.memory_space<vmem>>)
          tpu.yield
        }) : () -> ()
        %mul3A_17 = arith.constant 40 : i32
        %mul3A_18 = arith.muli %scan3A_14, %mul3A_17 : i32
        "tpu.region"() ({
          %run_scoped3A = tpu.sem_alloc : memref<!tpu.dma_semaphore, #tpu.memory_space<semaphore_mem>>
          %dma_start3A_31 = arith.constant 0 : i32
          %dma_start3A_32 = arith.constant 0 : i32
          %dma_start3A_33 = tpu.memref_slice %arg5[%arg1, %dma_start3A_31, %dma_start3A_32] : memref<16x80x128xi32, #tpu.memory_space<hbm>> -> memref<1x80x128xi32, #tpu.memory_space<hbm>>
          %dma_start3A_34 = tpu.memref_squeeze %dma_start3A_33 : memref<1x80x128xi32, #tpu.memory_space<hbm>> -> memref<80x128xi32, #tpu.memory_space<hbm>>
          %dma_start3A_35 = arith.constant 0 : i32
          %dma_start3A_36 = tpu.memref_slice %dma_start3A_34[%mul3A_18, %dma_start3A_35] : memref<80x128xi32, #tpu.memory_space<hbm>> -> memref<40x128xi32, #tpu.memory_space<hbm>>
          %dma_start3A_37 = arith.constant 0 : i32
          %dma_start3A_38 = arith.constant 0 : i32
          %dma_start3A_39 = tpu.memref_slice %arg5[%arg1, %dma_start3A_37, %dma_start3A_38] : memref<16x80x128xi32, #tpu.memory_space<hbm>> -> memref<1x80x128xi32, #tpu.memory_space<hbm>>
          %dma_start3A_40 = tpu.memref_squeeze %dma_start3A_39 : memref<1x80x128xi32, #tpu.memory_space<hbm>> -> memref<80x128xi32, #tpu.memory_space<hbm>>
          %dma_start3A_41 = arith.constant 0 : i32
          %dma_start3A_42 = tpu.memref_slice %dma_start3A_40[%mul3A_18, %dma_start3A_41] : memref<80x128xi32, #tpu.memory_space<hbm>> -> memref<40x128xi32, #tpu.memory_space<hbm>>
          tpu.enqueue_dma source(%dma_start3A_42 : memref<40x128xi32, #tpu.memory_space<hbm>>) target(%arg9 : memref<40x128xi32, #tpu.memory_space<vmem>>) target_semaphore(%run_scoped3A : memref<!tpu.dma_semaphore, #tpu.memory_space<semaphore_mem>>)
          %dma_wait3A = arith.constant 0 : i32
          %dma_wait3A_43 = arith.constant 0 : i32
          %dma_wait3A_44 = tpu.memref_slice %arg5[%arg1, %dma_wait3A, %dma_wait3A_43] : memref<16x80x128xi32, #tpu.memory_space<hbm>> -> memref<1x80x128xi32, #tpu.memory_space<hbm>>
          %dma_wait3A_45 = tpu.memref_squeeze %dma_wait3A_44 : memref<1x80x128xi32, #tpu.memory_space<hbm>> -> memref<80x128xi32, #tpu.memory_space<hbm>>
          %dma_wait3A_46 = arith.constant 0 : i32
          %dma_wait3A_47 = tpu.memref_slice %dma_wait3A_45[%mul3A_18, %dma_wait3A_46] : memref<80x128xi32, #tpu.memory_space<hbm>> -> memref<40x128xi32, #tpu.memory_space<hbm>>
          %dma_wait3A_48 = arith.constant 0 : i32
          %dma_wait3A_49 = arith.constant 0 : i32
          %dma_wait3A_50 = tpu.memref_slice %arg5[%arg1, %dma_wait3A_48, %dma_wait3A_49] : memref<16x80x128xi32, #tpu.memory_space<hbm>> -> memref<1x80x128xi32, #tpu.memory_space<hbm>>
          %dma_wait3A_51 = tpu.memref_squeeze %dma_wait3A_50 : memref<1x80x128xi32, #tpu.memory_space<hbm>> -> memref<80x128xi32, #tpu.memory_space<hbm>>
          %dma_wait3A_52 = arith.constant 0 : i32
          %dma_wait3A_53 = tpu.memref_slice %dma_wait3A_51[%mul3A_18, %dma_wait3A_52] : memref<80x128xi32, #tpu.memory_space<hbm>> -> memref<40x128xi32, #tpu.memory_space<hbm>>
          tpu.wait_dma2 semaphore(%run_scoped3A : memref<!tpu.dma_semaphore, #tpu.memory_space<semaphore_mem>>) src(%dma_wait3A_53 : memref<40x128xi32, #tpu.memory_space<hbm>>) dst(%arg9 : memref<40x128xi32, #tpu.memory_space<vmem>>)
          tpu.yield
        }) : () -> ()
        %dma_start3A = arith.constant 0 : i32
        %dma_start3A_19 = arith.constant 0 : i32
        %dma_start3A_20 = tpu.memref_slice %arg8[%dma_start3A, %dma_start3A_19] : memref<40x128xi32, #tpu.memory_space<vmem>> -> memref<1x128xi32, #tpu.memory_space<vmem>>
        %dma_start3A_21 = tpu.memref_squeeze %dma_start3A_20 : memref<1x128xi32, #tpu.memory_space<vmem>> -> memref<128xi32, #tpu.memory_space<vmem>>
        %dma_start3A_22 = arith.constant 0 : i32
        %dma_start3A_23 = arith.constant 0 : i32
        %dma_start3A_24 = tpu.memref_slice %arg2[%dma_start3A_22, %dma_start3A_23] : memref<10240x128xf32, #tpu.memory_space<hbm>> -> memref<10240x128xf32, #tpu.memory_space<hbm>>
        tpu.enqueue_indirect_dma source(%dma_start3A_24 : memref<10240x128xf32, #tpu.memory_space<hbm>>) target(%arg10 : memref<128x128xf32, #tpu.memory_space<vmem>>) offsets(%dma_start3A_21 : memref<128xi32, #tpu.memory_space<vmem>>) semaphore(%arg13 : memref<!tpu.dma_semaphore, #tpu.memory_space<semaphore_mem>>)
        %scan3A_25 = arith.constant 0 : i32
        %scan3A_26 = arith.constant 0 : i32
        %scan3A_27 = arith.constant 20 : i32
        %scan3A_28 = arith.addi %scan3A_26, %scan3A_27 : i32
        %scan3A_29 = arith.constant 1 : i32
        scf.for %scan3A_31 = %scan3A_26 to %scan3A_28 step %scan3A_29  : i32 {
          %mul3A_32 = arith.constant 2 : i32
          %mul3A_33 = arith.muli %mul3A_32, %scan3A_31 : i32
          %add3A = arith.constant 0 : i32
          %add3A_34 = arith.addi %mul3A_33, %add3A : i32
          %dma_wait3A = arith.constant 0 : i32
          %dma_wait3A_35 = tpu.memref_slice %arg8[%add3A_34, %dma_wait3A] : memref<40x128xi32, #tpu.memory_space<vmem>> -> memref<1x128xi32, #tpu.memory_space<vmem>>
          %dma_wait3A_36 = tpu.memref_squeeze %dma_wait3A_35 : memref<1x128xi32, #tpu.memory_space<vmem>> -> memref<128xi32, #tpu.memory_space<vmem>>
          %dma_wait3A_37 = arith.constant 0 : i32
          %dma_wait3A_38 = arith.constant 0 : i32
          %dma_wait3A_39 = tpu.memref_slice %arg2[%dma_wait3A_37, %dma_wait3A_38] : memref<10240x128xf32, #tpu.memory_space<hbm>> -> memref<10240x128xf32, #tpu.memory_space<hbm>>
          tpu.wait_indirect_dma semaphore(%arg13 : memref<!tpu.dma_semaphore, #tpu.memory_space<semaphore_mem>>) src(%dma_wait3A_39 : memref<10240x128xf32, #tpu.memory_space<hbm>>) dst(%arg10 : memref<128x128xf32, #tpu.memory_space<vmem>>)
          %add3A_40 = arith.constant 0 : i32
          %add3A_41 = arith.addi %mul3A_33, %add3A_40 : i32
          %add3A_42 = arith.constant 2 : i32
          %add3A_43 = arith.addi %add3A_41, %add3A_42 : i32
          %sub3A = arith.constant 1 : i32
          %sub3A_44 = arith.subi %add3A_43, %sub3A : i32
          %lt3A = arith.constant 40 : i32
          %lt3A_45 = arith.cmpi slt, %sub3A_44, %lt3A : i32
          %convert_element_type3A_46 = arith.extui %lt3A_45 : i1 to i32
          %cond3A_47 = arith.constant 0 : i32
          %cond3A_48 = arith.cmpi ne, %convert_element_type3A_46, %cond3A_47 : i32
          scf.if %cond3A_48 {
            %dma_start3A_72 = arith.constant 0 : i32
            %dma_start3A_73 = tpu.memref_slice %arg8[%sub3A_44, %dma_start3A_72] : memref<40x128xi32, #tpu.memory_space<vmem>> -> memref<1x128xi32, #tpu.memory_space<vmem>>
            %dma_start3A_74 = tpu.memref_squeeze %dma_start3A_73 : memref<1x128xi32, #tpu.memory_space<vmem>> -> memref<128xi32, #tpu.memory_space<vmem>>
            %dma_start3A_75 = arith.constant 0 : i32
            %dma_start3A_76 = arith.constant 0 : i32
            %dma_start3A_77 = tpu.memref_slice %arg2[%dma_start3A_75, %dma_start3A_76] : memref<10240x128xf32, #tpu.memory_space<hbm>> -> memref<10240x128xf32, #tpu.memory_space<hbm>>
            tpu.enqueue_indirect_dma source(%dma_start3A_77 : memref<10240x128xf32, #tpu.memory_space<hbm>>) target(%arg11 : memref<128x128xf32, #tpu.memory_space<vmem>>) offsets(%dma_start3A_74 : memref<128xi32, #tpu.memory_space<vmem>>) semaphore(%arg13 : memref<!tpu.dma_semaphore, #tpu.memory_space<semaphore_mem>>)
          } else {
          }
          %add3A_49 = arith.constant 0 : i32
          %add3A_50 = arith.addi %mul3A_33, %add3A_49 : i32
          "tpu.region"() ({
            %run_scoped3A = tpu.sem_alloc : memref<!tpu.dma_semaphore, #tpu.memory_space<semaphore_mem>>
            %dma_start3A_72 = arith.constant 0 : i32
            %dma_start3A_73 = tpu.memref_slice %arg9[%add3A_50, %dma_start3A_72] : memref<40x128xi32, #tpu.memory_space<vmem>> -> memref<1x128xi32, #tpu.memory_space<vmem>>
            %dma_start3A_74 = tpu.memref_squeeze %dma_start3A_73 : memref<1x128xi32, #tpu.memory_space<vmem>> -> memref<128xi32, #tpu.memory_space<vmem>>
            %dma_start3A_75 = arith.constant 0 : i32
            %dma_start3A_76 = arith.constant 0 : i32
            %dma_start3A_77 = tpu.memref_slice %arg12[%dma_start3A_75, %dma_start3A_76] : memref<10240x128xf32, #tpu.memory_space<vmem_shared>> -> memref<10240x128xf32, #tpu.memory_space<vmem_shared>>
            tpu.enqueue_indirect_dma source(%arg10 : memref<128x128xf32, #tpu.memory_space<vmem>>) target(%dma_start3A_77 : memref<10240x128xf32, #tpu.memory_space<vmem_shared>>) offsets(%dma_start3A_74 : memref<128xi32, #tpu.memory_space<vmem>>) semaphore(%run_scoped3A : memref<!tpu.dma_semaphore, #tpu.memory_space<semaphore_mem>>) {add = true}
            %dma_wait3A_78 = arith.constant 0 : i32
            %dma_wait3A_79 = tpu.memref_slice %arg9[%add3A_50, %dma_wait3A_78] : memref<40x128xi32, #tpu.memory_space<vmem>> -> memref<1x128xi32, #tpu.memory_space<vmem>>
            %dma_wait3A_80 = tpu.memref_squeeze %dma_wait3A_79 : memref<1x128xi32, #tpu.memory_space<vmem>> -> memref<128xi32, #tpu.memory_space<vmem>>
            %dma_wait3A_81 = arith.constant 0 : i32
            %dma_wait3A_82 = arith.constant 0 : i32
            %dma_wait3A_83 = tpu.memref_slice %arg12[%dma_wait3A_81, %dma_wait3A_82] : memref<10240x128xf32, #tpu.memory_space<vmem_shared>> -> memref<10240x128xf32, #tpu.memory_space<vmem_shared>>
            tpu.wait_indirect_dma semaphore(%run_scoped3A : memref<!tpu.dma_semaphore, #tpu.memory_space<semaphore_mem>>) src(%arg10 : memref<128x128xf32, #tpu.memory_space<vmem>>) dst(%dma_wait3A_83 : memref<10240x128xf32, #tpu.memory_space<vmem_shared>>)
            tpu.yield
          }) : () -> ()
          %add3A_51 = arith.constant 1 : i32
          %add3A_52 = arith.addi %mul3A_33, %add3A_51 : i32
          %dma_wait3A_53 = arith.constant 0 : i32
          %dma_wait3A_54 = tpu.memref_slice %arg8[%add3A_52, %dma_wait3A_53] : memref<40x128xi32, #tpu.memory_space<vmem>> -> memref<1x128xi32, #tpu.memory_space<vmem>>
          %dma_wait3A_55 = tpu.memref_squeeze %dma_wait3A_54 : memref<1x128xi32, #tpu.memory_space<vmem>> -> memref<128xi32, #tpu.memory_space<vmem>>
          %dma_wait3A_56 = arith.constant 0 : i32
          %dma_wait3A_57 = arith.constant 0 : i32
          %dma_wait3A_58 = tpu.memref_slice %arg2[%dma_wait3A_56, %dma_wait3A_57] : memref<10240x128xf32, #tpu.memory_space<hbm>> -> memref<10240x128xf32, #tpu.memory_space<hbm>>
          tpu.wait_indirect_dma semaphore(%arg13 : memref<!tpu.dma_semaphore, #tpu.memory_space<semaphore_mem>>) src(%dma_wait3A_58 : memref<10240x128xf32, #tpu.memory_space<hbm>>) dst(%arg11 : memref<128x128xf32, #tpu.memory_space<vmem>>)
          %add3A_59 = arith.constant 1 : i32
          %add3A_60 = arith.addi %mul3A_33, %add3A_59 : i32
          %add3A_61 = arith.constant 2 : i32
          %add3A_62 = arith.addi %add3A_60, %add3A_61 : i32
          %sub3A_63 = arith.constant 1 : i32
          %sub3A_64 = arith.subi %add3A_62, %sub3A_63 : i32
          %lt3A_65 = arith.constant 40 : i32
          %lt3A_66 = arith.cmpi slt, %sub3A_64, %lt3A_65 : i32
          %convert_element_type3A_67 = arith.extui %lt3A_66 : i1 to i32
          %cond3A_68 = arith.constant 0 : i32
          %cond3A_69 = arith.cmpi ne, %convert_element_type3A_67, %cond3A_68 : i32
          scf.if %cond3A_69 {
            %dma_start3A_72 = arith.constant 0 : i32
            %dma_start3A_73 = tpu.memref_slice %arg8[%sub3A_64, %dma_start3A_72] : memref<40x128xi32, #tpu.memory_space<vmem>> -> memref<1x128xi32, #tpu.memory_space<vmem>>
            %dma_start3A_74 = tpu.memref_squeeze %dma_start3A_73 : memref<1x128xi32, #tpu.memory_space<vmem>> -> memref<128xi32, #tpu.memory_space<vmem>>
            %dma_start3A_75 = arith.constant 0 : i32
            %dma_start3A_76 = arith.constant 0 : i32
            %dma_start3A_77 = tpu.memref_slice %arg2[%dma_start3A_75, %dma_start3A_76] : memref<10240x128xf32, #tpu.memory_space<hbm>> -> memref<10240x128xf32, #tpu.memory_space<hbm>>
            tpu.enqueue_indirect_dma source(%dma_start3A_77 : memref<10240x128xf32, #tpu.memory_space<hbm>>) target(%arg10 : memref<128x128xf32, #tpu.memory_space<vmem>>) offsets(%dma_start3A_74 : memref<128xi32, #tpu.memory_space<vmem>>) semaphore(%arg13 : memref<!tpu.dma_semaphore, #tpu.memory_space<semaphore_mem>>)
          } else {
          }
          %add3A_70 = arith.constant 1 : i32
          %add3A_71 = arith.addi %mul3A_33, %add3A_70 : i32
          "tpu.region"() ({
            %run_scoped3A = tpu.sem_alloc : memref<!tpu.dma_semaphore, #tpu.memory_space<semaphore_mem>>
            %dma_start3A_72 = arith.constant 0 : i32
            %dma_start3A_73 = tpu.memref_slice %arg9[%add3A_71, %dma_start3A_72] : memref<40x128xi32, #tpu.memory_space<vmem>> -> memref<1x128xi32, #tpu.memory_space<vmem>>
            %dma_start3A_74 = tpu.memref_squeeze %dma_start3A_73 : memref<1x128xi32, #tpu.memory_space<vmem>> -> memref<128xi32, #tpu.memory_space<vmem>>
            %dma_start3A_75 = arith.constant 0 : i32
            %dma_start3A_76 = arith.constant 0 : i32
            %dma_start3A_77 = tpu.memref_slice %arg12[%dma_start3A_75, %dma_start3A_76] : memref<10240x128xf32, #tpu.memory_space<vmem_shared>> -> memref<10240x128xf32, #tpu.memory_space<vmem_shared>>
            tpu.enqueue_indirect_dma source(%arg11 : memref<128x128xf32, #tpu.memory_space<vmem>>) target(%dma_start3A_77 : memref<10240x128xf32, #tpu.memory_space<vmem_shared>>) offsets(%dma_start3A_74 : memref<128xi32, #tpu.memory_space<vmem>>) semaphore(%run_scoped3A : memref<!tpu.dma_semaphore, #tpu.memory_space<semaphore_mem>>) {add = true}
            %dma_wait3A_78 = arith.constant 0 : i32
            %dma_wait3A_79 = tpu.memref_slice %arg9[%add3A_71, %dma_wait3A_78] : memref<40x128xi32, #tpu.memory_space<vmem>> -> memref<1x128xi32, #tpu.memory_space<vmem>>
            %dma_wait3A_80 = tpu.memref_squeeze %dma_wait3A_79 : memref<1x128xi32, #tpu.memory_space<vmem>> -> memref<128xi32, #tpu.memory_space<vmem>>
            %dma_wait3A_81 = arith.constant 0 : i32
            %dma_wait3A_82 = arith.constant 0 : i32
            %dma_wait3A_83 = tpu.memref_slice %arg12[%dma_wait3A_81, %dma_wait3A_82] : memref<10240x128xf32, #tpu.memory_space<vmem_shared>> -> memref<10240x128xf32, #tpu.memory_space<vmem_shared>>
            tpu.wait_indirect_dma semaphore(%run_scoped3A : memref<!tpu.dma_semaphore, #tpu.memory_space<semaphore_mem>>) src(%arg11 : memref<128x128xf32, #tpu.memory_space<vmem>>) dst(%dma_wait3A_83 : memref<10240x128xf32, #tpu.memory_space<vmem_shared>>)
            tpu.yield
          }) : () -> ()
        }
        %scan3A_30 = arith.constant 20 : i32
      }
      %scan3A_13 = arith.constant 2 : i32
    } else {
    }
    %eq3A_3 = arith.constant 1 : i32
    %eq3A_4 = arith.cmpi eq, %arg0, %eq3A_3 : i32
    %convert_element_type3A_5 = arith.extui %eq3A_4 : i1 to i32
    %cond3A_6 = arith.constant 0 : i32
    %cond3A_7 = arith.cmpi ne, %convert_element_type3A_5, %cond3A_6 : i32
    scf.if %cond3A_7 {
      %scan3A = arith.constant 0 : i32
      %scan3A_9 = arith.constant 0 : i32
      %scan3A_10 = arith.constant 2 : i32
      %scan3A_11 = arith.addi %scan3A_9, %scan3A_10 : i32
      %scan3A_12 = arith.constant 1 : i32
      scf.for %scan3A_14 = %scan3A_9 to %scan3A_11 step %scan3A_12  : i32 {
        %mul3A_15 = arith.constant 40 : i32
        %mul3A_16 = arith.muli %scan3A_14, %mul3A_15 : i32
        "tpu.region"() ({
          %run_scoped3A = tpu.sem_alloc : memref<!tpu.dma_semaphore, #tpu.memory_space<semaphore_mem>>
          %dma_start3A_31 = arith.constant 0 : i32
          %dma_start3A_32 = arith.constant 0 : i32
          %dma_start3A_33 = tpu.memref_slice %arg4[%arg1, %dma_start3A_31, %dma_start3A_32] : memref<16x80x128xi32, #tpu.memory_space<hbm>> -> memref<1x80x128xi32, #tpu.memory_space<hbm>>
          %dma_start3A_34 = tpu.memref_squeeze %dma_start3A_33 : memref<1x80x128xi32, #tpu.memory_space<hbm>> -> memref<80x128xi32, #tpu.memory_space<hbm>>
          %dma_start3A_35 = arith.constant 0 : i32
          %dma_start3A_36 = tpu.memref_slice %dma_start3A_34[%mul3A_16, %dma_start3A_35] : memref<80x128xi32, #tpu.memory_space<hbm>> -> memref<40x128xi32, #tpu.memory_space<hbm>>
          %dma_start3A_37 = arith.constant 0 : i32
          %dma_start3A_38 = arith.constant 0 : i32
          %dma_start3A_39 = tpu.memref_slice %arg4[%arg1, %dma_start3A_37, %dma_start3A_38] : memref<16x80x128xi32, #tpu.memory_space<hbm>> -> memref<1x80x128xi32, #tpu.memory_space<hbm>>
          %dma_start3A_40 = tpu.memref_squeeze %dma_start3A_39 : memref<1x80x128xi32, #tpu.memory_space<hbm>> -> memref<80x128xi32, #tpu.memory_space<hbm>>
          %dma_start3A_41 = arith.constant 0 : i32
          %dma_start3A_42 = tpu.memref_slice %dma_start3A_40[%mul3A_16, %dma_start3A_41] : memref<80x128xi32, #tpu.memory_space<hbm>> -> memref<40x128xi32, #tpu.memory_space<hbm>>
          tpu.enqueue_dma source(%dma_start3A_42 : memref<40x128xi32, #tpu.memory_space<hbm>>) target(%arg8 : memref<40x128xi32, #tpu.memory_space<vmem>>) target_semaphore(%run_scoped3A : memref<!tpu.dma_semaphore, #tpu.memory_space<semaphore_mem>>)
          %dma_wait3A = arith.constant 0 : i32
          %dma_wait3A_43 = arith.constant 0 : i32
          %dma_wait3A_44 = tpu.memref_slice %arg4[%arg1, %dma_wait3A, %dma_wait3A_43] : memref<16x80x128xi32, #tpu.memory_space<hbm>> -> memref<1x80x128xi32, #tpu.memory_space<hbm>>
          %dma_wait3A_45 = tpu.memref_squeeze %dma_wait3A_44 : memref<1x80x128xi32, #tpu.memory_space<hbm>> -> memref<80x128xi32, #tpu.memory_space<hbm>>
          %dma_wait3A_46 = arith.constant 0 : i32
          %dma_wait3A_47 = tpu.memref_slice %dma_wait3A_45[%mul3A_16, %dma_wait3A_46] : memref<80x128xi32, #tpu.memory_space<hbm>> -> memref<40x128xi32, #tpu.memory_space<hbm>>
          %dma_wait3A_48 = arith.constant 0 : i32
          %dma_wait3A_49 = arith.constant 0 : i32
          %dma_wait3A_50 = tpu.memref_slice %arg4[%arg1, %dma_wait3A_48, %dma_wait3A_49] : memref<16x80x128xi32, #tpu.memory_space<hbm>> -> memref<1x80x128xi32, #tpu.memory_space<hbm>>
          %dma_wait3A_51 = tpu.memref_squeeze %dma_wait3A_50 : memref<1x80x128xi32, #tpu.memory_space<hbm>> -> memref<80x128xi32, #tpu.memory_space<hbm>>
          %dma_wait3A_52 = arith.constant 0 : i32
          %dma_wait3A_53 = tpu.memref_slice %dma_wait3A_51[%mul3A_16, %dma_wait3A_52] : memref<80x128xi32, #tpu.memory_space<hbm>> -> memref<40x128xi32, #tpu.memory_space<hbm>>
          tpu.wait_dma2 semaphore(%run_scoped3A : memref<!tpu.dma_semaphore, #tpu.memory_space<semaphore_mem>>) src(%dma_wait3A_53 : memref<40x128xi32, #tpu.memory_space<hbm>>) dst(%arg8 : memref<40x128xi32, #tpu.memory_space<vmem>>)
          tpu.yield
        }) : () -> ()
        %mul3A_17 = arith.constant 40 : i32
        %mul3A_18 = arith.muli %scan3A_14, %mul3A_17 : i32
        "tpu.region"() ({
          %run_scoped3A = tpu.sem_alloc : memref<!tpu.dma_semaphore, #tpu.memory_space<semaphore_mem>>
          %dma_start3A_31 = arith.constant 0 : i32
          %dma_start3A_32 = arith.constant 0 : i32
          %dma_start3A_33 = tpu.memref_slice %arg5[%arg1, %dma_start3A_31, %dma_start3A_32] : memref<16x80x128xi32, #tpu.memory_space<hbm>> -> memref<1x80x128xi32, #tpu.memory_space<hbm>>
          %dma_start3A_34 = tpu.memref_squeeze %dma_start3A_33 : memref<1x80x128xi32, #tpu.memory_space<hbm>> -> memref<80x128xi32, #tpu.memory_space<hbm>>
          %dma_start3A_35 = arith.constant 0 : i32
          %dma_start3A_36 = tpu.memref_slice %dma_start3A_34[%mul3A_18, %dma_start3A_35] : memref<80x128xi32, #tpu.memory_space<hbm>> -> memref<40x128xi32, #tpu.memory_space<hbm>>
          %dma_start3A_37 = arith.constant 0 : i32
          %dma_start3A_38 = arith.constant 0 : i32
          %dma_start3A_39 = tpu.memref_slice %arg5[%arg1, %dma_start3A_37, %dma_start3A_38] : memref<16x80x128xi32, #tpu.memory_space<hbm>> -> memref<1x80x128xi32, #tpu.memory_space<hbm>>
          %dma_start3A_40 = tpu.memref_squeeze %dma_start3A_39 : memref<1x80x128xi32, #tpu.memory_space<hbm>> -> memref<80x128xi32, #tpu.memory_space<hbm>>
          %dma_start3A_41 = arith.constant 0 : i32
          %dma_start3A_42 = tpu.memref_slice %dma_start3A_40[%mul3A_18, %dma_start3A_41] : memref<80x128xi32, #tpu.memory_space<hbm>> -> memref<40x128xi32, #tpu.memory_space<hbm>>
          tpu.enqueue_dma source(%dma_start3A_42 : memref<40x128xi32, #tpu.memory_space<hbm>>) target(%arg9 : memref<40x128xi32, #tpu.memory_space<vmem>>) target_semaphore(%run_scoped3A : memref<!tpu.dma_semaphore, #tpu.memory_space<semaphore_mem>>)
          %dma_wait3A = arith.constant 0 : i32
          %dma_wait3A_43 = arith.constant 0 : i32
          %dma_wait3A_44 = tpu.memref_slice %arg5[%arg1, %dma_wait3A, %dma_wait3A_43] : memref<16x80x128xi32, #tpu.memory_space<hbm>> -> memref<1x80x128xi32, #tpu.memory_space<hbm>>
          %dma_wait3A_45 = tpu.memref_squeeze %dma_wait3A_44 : memref<1x80x128xi32, #tpu.memory_space<hbm>> -> memref<80x128xi32, #tpu.memory_space<hbm>>
          %dma_wait3A_46 = arith.constant 0 : i32
          %dma_wait3A_47 = tpu.memref_slice %dma_wait3A_45[%mul3A_18, %dma_wait3A_46] : memref<80x128xi32, #tpu.memory_space<hbm>> -> memref<40x128xi32, #tpu.memory_space<hbm>>
          %dma_wait3A_48 = arith.constant 0 : i32
          %dma_wait3A_49 = arith.constant 0 : i32
          %dma_wait3A_50 = tpu.memref_slice %arg5[%arg1, %dma_wait3A_48, %dma_wait3A_49] : memref<16x80x128xi32, #tpu.memory_space<hbm>> -> memref<1x80x128xi32, #tpu.memory_space<hbm>>
          %dma_wait3A_51 = tpu.memref_squeeze %dma_wait3A_50 : memref<1x80x128xi32, #tpu.memory_space<hbm>> -> memref<80x128xi32, #tpu.memory_space<hbm>>
          %dma_wait3A_52 = arith.constant 0 : i32
          %dma_wait3A_53 = tpu.memref_slice %dma_wait3A_51[%mul3A_18, %dma_wait3A_52] : memref<80x128xi32, #tpu.memory_space<hbm>> -> memref<40x128xi32, #tpu.memory_space<hbm>>
          tpu.wait_dma2 semaphore(%run_scoped3A : memref<!tpu.dma_semaphore, #tpu.memory_space<semaphore_mem>>) src(%dma_wait3A_53 : memref<40x128xi32, #tpu.memory_space<hbm>>) dst(%arg9 : memref<40x128xi32, #tpu.memory_space<vmem>>)
          tpu.yield
        }) : () -> ()
        %dma_start3A = arith.constant 0 : i32
        %dma_start3A_19 = arith.constant 0 : i32
        %dma_start3A_20 = tpu.memref_slice %arg8[%dma_start3A, %dma_start3A_19] : memref<40x128xi32, #tpu.memory_space<vmem>> -> memref<1x128xi32, #tpu.memory_space<vmem>>
        %dma_start3A_21 = tpu.memref_squeeze %dma_start3A_20 : memref<1x128xi32, #tpu.memory_space<vmem>> -> memref<128xi32, #tpu.memory_space<vmem>>
        %dma_start3A_22 = arith.constant 0 : i32
        %dma_start3A_23 = arith.constant 0 : i32
        %dma_start3A_24 = tpu.memref_slice %arg3[%dma_start3A_22, %dma_start3A_23] : memref<10240x128xf32, #tpu.memory_space<hbm>> -> memref<10240x128xf32, #tpu.memory_space<hbm>>
        tpu.enqueue_indirect_dma source(%dma_start3A_24 : memref<10240x128xf32, #tpu.memory_space<hbm>>) target(%arg10 : memref<128x128xf32, #tpu.memory_space<vmem>>) offsets(%dma_start3A_21 : memref<128xi32, #tpu.memory_space<vmem>>) semaphore(%arg13 : memref<!tpu.dma_semaphore, #tpu.memory_space<semaphore_mem>>)
        %scan3A_25 = arith.constant 0 : i32
        %scan3A_26 = arith.constant 0 : i32
        %scan3A_27 = arith.constant 20 : i32
        %scan3A_28 = arith.addi %scan3A_26, %scan3A_27 : i32
        %scan3A_29 = arith.constant 1 : i32
        scf.for %scan3A_31 = %scan3A_26 to %scan3A_28 step %scan3A_29  : i32 {
          %mul3A_32 = arith.constant 2 : i32
          %mul3A_33 = arith.muli %mul3A_32, %scan3A_31 : i32
          %add3A = arith.constant 0 : i32
          %add3A_34 = arith.addi %mul3A_33, %add3A : i32
          %dma_wait3A = arith.constant 0 : i32
          %dma_wait3A_35 = tpu.memref_slice %arg8[%add3A_34, %dma_wait3A] : memref<40x128xi32, #tpu.memory_space<vmem>> -> memref<1x128xi32, #tpu.memory_space<vmem>>
          %dma_wait3A_36 = tpu.memref_squeeze %dma_wait3A_35 : memref<1x128xi32, #tpu.memory_space<vmem>> -> memref<128xi32, #tpu.memory_space<vmem>>
          %dma_wait3A_37 = arith.constant 0 : i32
          %dma_wait3A_38 = arith.constant 0 : i32
          %dma_wait3A_39 = tpu.memref_slice %arg3[%dma_wait3A_37, %dma_wait3A_38] : memref<10240x128xf32, #tpu.memory_space<hbm>> -> memref<10240x128xf32, #tpu.memory_space<hbm>>
          tpu.wait_indirect_dma semaphore(%arg13 : memref<!tpu.dma_semaphore, #tpu.memory_space<semaphore_mem>>) src(%dma_wait3A_39 : memref<10240x128xf32, #tpu.memory_space<hbm>>) dst(%arg10 : memref<128x128xf32, #tpu.memory_space<vmem>>)
          %add3A_40 = arith.constant 0 : i32
          %add3A_41 = arith.addi %mul3A_33, %add3A_40 : i32
          %add3A_42 = arith.constant 2 : i32
          %add3A_43 = arith.addi %add3A_41, %add3A_42 : i32
          %sub3A = arith.constant 1 : i32
          %sub3A_44 = arith.subi %add3A_43, %sub3A : i32
          %lt3A = arith.constant 40 : i32
          %lt3A_45 = arith.cmpi slt, %sub3A_44, %lt3A : i32
          %convert_element_type3A_46 = arith.extui %lt3A_45 : i1 to i32
          %cond3A_47 = arith.constant 0 : i32
          %cond3A_48 = arith.cmpi ne, %convert_element_type3A_46, %cond3A_47 : i32
          scf.if %cond3A_48 {
            %dma_start3A_72 = arith.constant 0 : i32
            %dma_start3A_73 = tpu.memref_slice %arg8[%sub3A_44, %dma_start3A_72] : memref<40x128xi32, #tpu.memory_space<vmem>> -> memref<1x128xi32, #tpu.memory_space<vmem>>
            %dma_start3A_74 = tpu.memref_squeeze %dma_start3A_73 : memref<1x128xi32, #tpu.memory_space<vmem>> -> memref<128xi32, #tpu.memory_space<vmem>>
            %dma_start3A_75 = arith.constant 0 : i32
            %dma_start3A_76 = arith.constant 0 : i32
            %dma_start3A_77 = tpu.memref_slice %arg3[%dma_start3A_75, %dma_start3A_76] : memref<10240x128xf32, #tpu.memory_space<hbm>> -> memref<10240x128xf32, #tpu.memory_space<hbm>>
            tpu.enqueue_indirect_dma source(%dma_start3A_77 : memref<10240x128xf32, #tpu.memory_space<hbm>>) target(%arg11 : memref<128x128xf32, #tpu.memory_space<vmem>>) offsets(%dma_start3A_74 : memref<128xi32, #tpu.memory_space<vmem>>) semaphore(%arg13 : memref<!tpu.dma_semaphore, #tpu.memory_space<semaphore_mem>>)
          } else {
          }
          %add3A_49 = arith.constant 0 : i32
          %add3A_50 = arith.addi %mul3A_33, %add3A_49 : i32
          "tpu.region"() ({
            %run_scoped3A = tpu.sem_alloc : memref<!tpu.dma_semaphore, #tpu.memory_space<semaphore_mem>>
            %dma_start3A_72 = arith.constant 0 : i32
            %dma_start3A_73 = tpu.memref_slice %arg9[%add3A_50, %dma_start3A_72] : memref<40x128xi32, #tpu.memory_space<vmem>> -> memref<1x128xi32, #tpu.memory_space<vmem>>
            %dma_start3A_74 = tpu.memref_squeeze %dma_start3A_73 : memref<1x128xi32, #tpu.memory_space<vmem>> -> memref<128xi32, #tpu.memory_space<vmem>>
            %dma_start3A_75 = arith.constant 0 : i32
            %dma_start3A_76 = arith.constant 0 : i32
            %dma_start3A_77 = tpu.memref_slice %arg12[%dma_start3A_75, %dma_start3A_76] : memref<10240x128xf32, #tpu.memory_space<vmem_shared>> -> memref<10240x128xf32, #tpu.memory_space<vmem_shared>>
            tpu.enqueue_indirect_dma source(%arg10 : memref<128x128xf32, #tpu.memory_space<vmem>>) target(%dma_start3A_77 : memref<10240x128xf32, #tpu.memory_space<vmem_shared>>) offsets(%dma_start3A_74 : memref<128xi32, #tpu.memory_space<vmem>>) semaphore(%run_scoped3A : memref<!tpu.dma_semaphore, #tpu.memory_space<semaphore_mem>>) {add = true}
            %dma_wait3A_78 = arith.constant 0 : i32
            %dma_wait3A_79 = tpu.memref_slice %arg9[%add3A_50, %dma_wait3A_78] : memref<40x128xi32, #tpu.memory_space<vmem>> -> memref<1x128xi32, #tpu.memory_space<vmem>>
            %dma_wait3A_80 = tpu.memref_squeeze %dma_wait3A_79 : memref<1x128xi32, #tpu.memory_space<vmem>> -> memref<128xi32, #tpu.memory_space<vmem>>
            %dma_wait3A_81 = arith.constant 0 : i32
            %dma_wait3A_82 = arith.constant 0 : i32
            %dma_wait3A_83 = tpu.memref_slice %arg12[%dma_wait3A_81, %dma_wait3A_82] : memref<10240x128xf32, #tpu.memory_space<vmem_shared>> -> memref<10240x128xf32, #tpu.memory_space<vmem_shared>>
            tpu.wait_indirect_dma semaphore(%run_scoped3A : memref<!tpu.dma_semaphore, #tpu.memory_space<semaphore_mem>>) src(%arg10 : memref<128x128xf32, #tpu.memory_space<vmem>>) dst(%dma_wait3A_83 : memref<10240x128xf32, #tpu.memory_space<vmem_shared>>)
            tpu.yield
          }) : () -> ()
          %add3A_51 = arith.constant 1 : i32
          %add3A_52 = arith.addi %mul3A_33, %add3A_51 : i32
          %dma_wait3A_53 = arith.constant 0 : i32
          %dma_wait3A_54 = tpu.memref_slice %arg8[%add3A_52, %dma_wait3A_53] : memref<40x128xi32, #tpu.memory_space<vmem>> -> memref<1x128xi32, #tpu.memory_space<vmem>>
          %dma_wait3A_55 = tpu.memref_squeeze %dma_wait3A_54 : memref<1x128xi32, #tpu.memory_space<vmem>> -> memref<128xi32, #tpu.memory_space<vmem>>
          %dma_wait3A_56 = arith.constant 0 : i32
          %dma_wait3A_57 = arith.constant 0 : i32
          %dma_wait3A_58 = tpu.memref_slice %arg3[%dma_wait3A_56, %dma_wait3A_57] : memref<10240x128xf32, #tpu.memory_space<hbm>> -> memref<10240x128xf32, #tpu.memory_space<hbm>>
          tpu.wait_indirect_dma semaphore(%arg13 : memref<!tpu.dma_semaphore, #tpu.memory_space<semaphore_mem>>) src(%dma_wait3A_58 : memref<10240x128xf32, #tpu.memory_space<hbm>>) dst(%arg11 : memref<128x128xf32, #tpu.memory_space<vmem>>)
          %add3A_59 = arith.constant 1 : i32
          %add3A_60 = arith.addi %mul3A_33, %add3A_59 : i32
          %add3A_61 = arith.constant 2 : i32
          %add3A_62 = arith.addi %add3A_60, %add3A_61 : i32
          %sub3A_63 = arith.constant 1 : i32
          %sub3A_64 = arith.subi %add3A_62, %sub3A_63 : i32
          %lt3A_65 = arith.constant 40 : i32
          %lt3A_66 = arith.cmpi slt, %sub3A_64, %lt3A_65 : i32
          %convert_element_type3A_67 = arith.extui %lt3A_66 : i1 to i32
          %cond3A_68 = arith.constant 0 : i32
          %cond3A_69 = arith.cmpi ne, %convert_element_type3A_67, %cond3A_68 : i32
          scf.if %cond3A_69 {
            %dma_start3A_72 = arith.constant 0 : i32
            %dma_start3A_73 = tpu.memref_slice %arg8[%sub3A_64, %dma_start3A_72] : memref<40x128xi32, #tpu.memory_space<vmem>> -> memref<1x128xi32, #tpu.memory_space<vmem>>
            %dma_start3A_74 = tpu.memref_squeeze %dma_start3A_73 : memref<1x128xi32, #tpu.memory_space<vmem>> -> memref<128xi32, #tpu.memory_space<vmem>>
            %dma_start3A_75 = arith.constant 0 : i32
            %dma_start3A_76 = arith.constant 0 : i32
            %dma_start3A_77 = tpu.memref_slice %arg3[%dma_start3A_75, %dma_start3A_76] : memref<10240x128xf32, #tpu.memory_space<hbm>> -> memref<10240x128xf32, #tpu.memory_space<hbm>>
            tpu.enqueue_indirect_dma source(%dma_start3A_77 : memref<10240x128xf32, #tpu.memory_space<hbm>>) target(%arg10 : memref<128x128xf32, #tpu.memory_space<vmem>>) offsets(%dma_start3A_74 : memref<128xi32, #tpu.memory_space<vmem>>) semaphore(%arg13 : memref<!tpu.dma_semaphore, #tpu.memory_space<semaphore_mem>>)
          } else {
          }
          %add3A_70 = arith.constant 1 : i32
          %add3A_71 = arith.addi %mul3A_33, %add3A_70 : i32
          "tpu.region"() ({
            %run_scoped3A = tpu.sem_alloc : memref<!tpu.dma_semaphore, #tpu.memory_space<semaphore_mem>>
            %dma_start3A_72 = arith.constant 0 : i32
            %dma_start3A_73 = tpu.memref_slice %arg9[%add3A_71, %dma_start3A_72] : memref<40x128xi32, #tpu.memory_space<vmem>> -> memref<1x128xi32, #tpu.memory_space<vmem>>
            %dma_start3A_74 = tpu.memref_squeeze %dma_start3A_73 : memref<1x128xi32, #tpu.memory_space<vmem>> -> memref<128xi32, #tpu.memory_space<vmem>>
            %dma_start3A_75 = arith.constant 0 : i32
            %dma_start3A_76 = arith.constant 0 : i32
            %dma_start3A_77 = tpu.memref_slice %arg12[%dma_start3A_75, %dma_start3A_76] : memref<10240x128xf32, #tpu.memory_space<vmem_shared>> -> memref<10240x128xf32, #tpu.memory_space<vmem_shared>>
            tpu.enqueue_indirect_dma source(%arg11 : memref<128x128xf32, #tpu.memory_space<vmem>>) target(%dma_start3A_77 : memref<10240x128xf32, #tpu.memory_space<vmem_shared>>) offsets(%dma_start3A_74 : memref<128xi32, #tpu.memory_space<vmem>>) semaphore(%run_scoped3A : memref<!tpu.dma_semaphore, #tpu.memory_space<semaphore_mem>>) {add = true}
            %dma_wait3A_78 = arith.constant 0 : i32
            %dma_wait3A_79 = tpu.memref_slice %arg9[%add3A_71, %dma_wait3A_78] : memref<40x128xi32, #tpu.memory_space<vmem>> -> memref<1x128xi32, #tpu.memory_space<vmem>>
            %dma_wait3A_80 = tpu.memref_squeeze %dma_wait3A_79 : memref<1x128xi32, #tpu.memory_space<vmem>> -> memref<128xi32, #tpu.memory_space<vmem>>
            %dma_wait3A_81 = arith.constant 0 : i32
            %dma_wait3A_82 = arith.constant 0 : i32
            %dma_wait3A_83 = tpu.memref_slice %arg12[%dma_wait3A_81, %dma_wait3A_82] : memref<10240x128xf32, #tpu.memory_space<vmem_shared>> -> memref<10240x128xf32, #tpu.memory_space<vmem_shared>>
            tpu.wait_indirect_dma semaphore(%run_scoped3A : memref<!tpu.dma_semaphore, #tpu.memory_space<semaphore_mem>>) src(%arg11 : memref<128x128xf32, #tpu.memory_space<vmem>>) dst(%dma_wait3A_83 : memref<10240x128xf32, #tpu.memory_space<vmem_shared>>)
            tpu.yield
          }) : () -> ()
        }
        %scan3A_30 = arith.constant 20 : i32
      }
      %scan3A_13 = arith.constant 2 : i32
    } else {
    }
    %barrier3A_8 = arith.constant 0 : index
    tpu.barrier barrier_id(%barrier3A_8)
    "tpu.region"() ({
      %run_scoped3A = tpu.sem_alloc : memref<!tpu.dma_semaphore, #tpu.memory_space<semaphore_mem>>
      %dma_start3A = arith.constant 0 : i32
      %dma_start3A_9 = arith.constant 0 : i32
      %dma_start3A_10 = tpu.memref_slice %arg7[%arg0, %dma_start3A, %dma_start3A_9] : memref<2x10240x128xf32, #tpu.memory_space<hbm>> -> memref<1x10240x128xf32, #tpu.memory_space<hbm>>
      %dma_start3A_11 = tpu.memref_squeeze %dma_start3A_10 : memref<1x10240x128xf32, #tpu.memory_space<hbm>> -> memref<10240x128xf32, #tpu.memory_space<hbm>>
      %dma_start3A_12 = arith.constant 0 : i32
      %dma_start3A_13 = tpu.memref_slice %dma_start3A_11[%mul3A_0, %dma_start3A_12] : memref<10240x128xf32, #tpu.memory_space<hbm>> -> memref<640x128xf32, #tpu.memory_space<hbm>>
      %dma_start3A_14 = arith.constant 0 : i32
      %dma_start3A_15 = tpu.memref_slice %arg12[%mul3A_0, %dma_start3A_14] : memref<10240x128xf32, #tpu.memory_space<vmem_shared>> -> memref<640x128xf32, #tpu.memory_space<vmem_shared>>
      tpu.enqueue_dma source(%dma_start3A_15 : memref<640x128xf32, #tpu.memory_space<vmem_shared>>) target(%dma_start3A_13 : memref<640x128xf32, #tpu.memory_space<hbm>>) target_semaphore(%run_scoped3A : memref<!tpu.dma_semaphore, #tpu.memory_space<semaphore_mem>>)
      %dma_wait3A = arith.constant 0 : i32
      %dma_wait3A_16 = arith.constant 0 : i32
      %dma_wait3A_17 = tpu.memref_slice %arg7[%arg0, %dma_wait3A, %dma_wait3A_16] : memref<2x10240x128xf32, #tpu.memory_space<hbm>> -> memref<1x10240x128xf32, #tpu.memory_space<hbm>>
      %dma_wait3A_18 = tpu.memref_squeeze %dma_wait3A_17 : memref<1x10240x128xf32, #tpu.memory_space<hbm>> -> memref<10240x128xf32, #tpu.memory_space<hbm>>
      %dma_wait3A_19 = arith.constant 0 : i32
      %dma_wait3A_20 = tpu.memref_slice %dma_wait3A_18[%mul3A_0, %dma_wait3A_19] : memref<10240x128xf32, #tpu.memory_space<hbm>> -> memref<640x128xf32, #tpu.memory_space<hbm>>
      %dma_wait3A_21 = arith.constant 0 : i32
      %dma_wait3A_22 = tpu.memref_slice %arg12[%mul3A_0, %dma_wait3A_21] : memref<10240x128xf32, #tpu.memory_space<vmem_shared>> -> memref<640x128xf32, #tpu.memory_space<vmem_shared>>
      tpu.wait_dma2 semaphore(%run_scoped3A : memref<!tpu.dma_semaphore, #tpu.memory_space<semaphore_mem>>) src(%dma_wait3A_22 : memref<640x128xf32, #tpu.memory_space<vmem_shared>>) dst(%dma_wait3A_20 : memref<640x128xf32, #tpu.memory_space<hbm>>)
      tpu.yield
    }) : () -> ()
    return
  }
}

module attributes {stable_mosaic.version = 14 : i64} {
  func.func @_tc_prep_body(%arg0: i32, %arg1: memref<2048x256xf32, #tpu.memory_space<vmem>>, %arg2: memref<1x2048x1xf32, #tpu.memory_space<vmem>>, %arg3: memref<1x2048x1xf32, #tpu.memory_space<vmem>>, %arg4: memref<256x256xf32, #tpu.memory_space<vmem>>, %arg5: memref<1x256xf32, #tpu.memory_space<vmem>>, %arg6: memref<1x256xf32, #tpu.memory_space<vmem>>, %arg7: memref<1x256xf32, #tpu.memory_space<vmem>>, %arg8: memref<256x256xf32, #tpu.memory_space<vmem>>, %arg9: memref<2048x256xf32, #tpu.memory_space<vmem>>, %arg10: memref<2048x128xf32, #tpu.memory_space<vmem>>, %arg11: memref<2048x128xf32, #tpu.memory_space<vmem>>) attributes {dimension_semantics = [#tpu.dimension_semantics<arbitrary>], iteration_bounds = array<i64: 5>, scalar_prefetch = 0 : i64, scratch_operands = 0 : i64, tpu.core_type = #tpu.core_type<tc>, window_params = [{transform_indices = @transform_0, window_bounds = array<i64: 2048, 256>}, {transform_indices = @transform_1, window_bounds = array<i64: 1, 2048, 1>}, {transform_indices = @transform_2, window_bounds = array<i64: 1, 2048, 1>}, {pipeline_mode = #tpu.pipeline_mode<synchronous>, transform_indices = @transform_3, window_bounds = array<i64: 256, 256>}, {pipeline_mode = #tpu.pipeline_mode<synchronous>, transform_indices = @transform_4, window_bounds = array<i64: 1, 256>}, {pipeline_mode = #tpu.pipeline_mode<synchronous>, transform_indices = @transform_5, window_bounds = array<i64: 1, 256>}, {pipeline_mode = #tpu.pipeline_mode<synchronous>, transform_indices = @transform_6, window_bounds = array<i64: 1, 256>}, {pipeline_mode = #tpu.pipeline_mode<synchronous>, transform_indices = @transform_7, window_bounds = array<i64: 256, 256>}, {transform_indices = @transform_8, window_bounds = array<i64: 2048, 256>}, {transform_indices = @transform_9, window_bounds = array<i64: 2048, 128>}, {transform_indices = @transform_10, window_bounds = array<i64: 2048, 128>}]} {
    %get3A = arith.constant 0 : index
    %get3A_0 = arith.constant 0 : index
    %get3A_1 = vector.load %arg1[%get3A, %get3A_0] : memref<2048x256xf32, #tpu.memory_space<vmem>>, vector<2048x256xf32>
    %get3A_2 = arith.constant 0 : index
    %get3A_3 = arith.constant 0 : index
    %get3A_4 = vector.load %arg4[%get3A_2, %get3A_3] : memref<256x256xf32, #tpu.memory_space<vmem>>, vector<256x256xf32>
    %dot_general3A = arith.constant dense<0.000000e+00> : vector<2048x256xf32>
    %dot_general3A_5 = tpu.matmul %get3A_1, %get3A_4, %dot_general3A {dimension_numbers = #tpu.dot_dimension_numbers<[1], [0], [0], [1], [0, 0, 1, 1], [], []>, transpose_lhs_hint = false} : vector<2048x256xf32>, vector<256x256xf32>, vector<2048x256xf32> -> vector<2048x256xf32>
    %get3A_6 = arith.constant 0 : index
    %get3A_7 = arith.constant 0 : index
    %get3A_8 = vector.load %arg5[%get3A_6, %get3A_7] : memref<1x256xf32, #tpu.memory_space<vmem>>, vector<1x256xf32>
    %add3A = vector.broadcast %get3A_8 : vector<1x256xf32> to vector<2048x256xf32>
    %add3A_9 = arith.addf %dot_general3A_5, %add3A : vector<2048x256xf32>
    %get3A_10 = arith.constant 0 : index
    %get3A_11 = arith.constant 0 : index
    %get3A_12 = vector.load %arg6[%get3A_10, %get3A_11] : memref<1x256xf32, #tpu.memory_space<vmem>>, vector<1x256xf32>
    %rsqrt3A = arith.constant 1.000010e+00 : f32
    %rsqrt3A_13 = math.rsqrt %rsqrt3A : f32
    %mul3A = vector.broadcast %rsqrt3A_13 : f32 to vector<1x256xf32>
    %mul3A_14 = arith.mulf %get3A_12, %mul3A : vector<1x256xf32>
    %mul3A_15 = vector.broadcast %mul3A_14 : vector<1x256xf32> to vector<2048x256xf32>
    %mul3A_16 = arith.mulf %add3A_9, %mul3A_15 : vector<2048x256xf32>
    %get3A_17 = arith.constant 0 : index
    %get3A_18 = arith.constant 0 : index
    %get3A_19 = vector.load %arg7[%get3A_17, %get3A_18] : memref<1x256xf32, #tpu.memory_space<vmem>>, vector<1x256xf32>
    %add3A_20 = vector.broadcast %get3A_19 : vector<1x256xf32> to vector<2048x256xf32>
    %add3A_21 = arith.addf %mul3A_16, %add3A_20 : vector<2048x256xf32>
    %max3A = arith.constant 0.000000e+00 : f32
    %max3A_22 = vector.broadcast %max3A : f32 to vector<2048x256xf32>
    %max3A_23 = arith.maximumf %add3A_21, %max3A_22 : vector<2048x256xf32>
    %swap3A = arith.constant 0 : index
    %swap3A_24 = arith.constant 0 : index
    %swap3A_25 = vector.load %arg9[%swap3A, %swap3A_24] : memref<2048x256xf32, #tpu.memory_space<vmem>>, vector<2048x256xf32>
    tpu.vector_store %arg9[%swap3A, %swap3A_24], %max3A_23 {strides = array<i32>} : memref<2048x256xf32, #tpu.memory_space<vmem>>, vector<2048x256xf32>,
    %get3A_26 = arith.constant 0 : index
    %get3A_27 = arith.constant 0 : index
    %get3A_28 = arith.constant 0 : index
    %get3A_29 = vector.load %arg2[%get3A_26, %get3A_27, %get3A_28] : memref<1x2048x1xf32, #tpu.memory_space<vmem>>, vector<1x2048x1xf32>
    %get3A_30 = vector.shape_cast %get3A_29 : vector<1x2048x1xf32> to vector<2048x1xf32>
    %add3A_31 = arith.constant 1.000000e+00 : f32
    %add3A_32 = vector.broadcast %add3A_31 : f32 to vector<2048x1xf32>
    %add3A_33 = arith.addf %add3A_32, %get3A_30 : vector<2048x1xf32>
    %get3A_34 = arith.constant 0 : index
    %get3A_35 = arith.constant 0 : index
    %get3A_36 = arith.constant 0 : index
    %get3A_37 = vector.load %arg3[%get3A_34, %get3A_35, %get3A_36] : memref<1x2048x1xf32, #tpu.memory_space<vmem>>, vector<1x2048x1xf32>
    %get3A_38 = vector.shape_cast %get3A_37 : vector<1x2048x1xf32> to vector<2048x1xf32>
    %add3A_39 = arith.addf %add3A_33, %get3A_38 : vector<2048x1xf32>
    %rsqrt3A_40 = math.rsqrt %add3A_39 : vector<2048x1xf32>
    %get3A_41 = arith.constant 0 : index
    %get3A_42 = arith.constant 0 : index
    %get3A_43 = vector.load %arg8[%get3A_41, %get3A_42] : memref<256x256xf32, #tpu.memory_space<vmem>>, vector<256x256xf32>
    %dot_general3A_44 = arith.constant dense<0.000000e+00> : vector<2048x256xf32>
    %dot_general3A_45 = tpu.matmul %get3A_1, %get3A_43, %dot_general3A_44 {dimension_numbers = #tpu.dot_dimension_numbers<[1], [0], [0], [1], [0, 0, 1, 1], [], []>, transpose_lhs_hint = false} : vector<2048x256xf32>, vector<256x256xf32>, vector<2048x256xf32> -> vector<2048x256xf32>
    %mul3A_46 = vector.broadcast %rsqrt3A_40 : vector<2048x1xf32> to vector<2048x256xf32>
    %mul3A_47 = arith.mulf %dot_general3A_45, %mul3A_46 : vector<2048x256xf32>
    %slice3A = vector.extract_strided_slice %mul3A_47 {offsets = [0, 0], sizes = [2048, 128], strides = [1, 1]} : vector<2048x256xf32> to vector<2048x128xf32>
    %swap3A_48 = arith.constant 0 : index
    %swap3A_49 = arith.constant 0 : index
    %swap3A_50 = vector.load %arg10[%swap3A_48, %swap3A_49] : memref<2048x128xf32, #tpu.memory_space<vmem>>, vector<2048x128xf32>
    tpu.vector_store %arg10[%swap3A_48, %swap3A_49], %slice3A {strides = array<i32>} : memref<2048x128xf32, #tpu.memory_space<vmem>>, vector<2048x128xf32>,
    %slice3A_51 = vector.extract_strided_slice %mul3A_47 {offsets = [0, 128], sizes = [2048, 128], strides = [1, 1]} : vector<2048x256xf32> to vector<2048x128xf32>
    %swap3A_52 = arith.constant 0 : index
    %swap3A_53 = arith.constant 0 : index
    %swap3A_54 = vector.load %arg11[%swap3A_52, %swap3A_53] : memref<2048x128xf32, #tpu.memory_space<vmem>>, vector<2048x128xf32>
    tpu.vector_store %arg11[%swap3A_52, %swap3A_53], %slice3A_51 {strides = array<i32>} : memref<2048x128xf32, #tpu.memory_space<vmem>>, vector<2048x128xf32>,
    return
  }
  func.func @transform_0(%arg0: i32) -> (i32, i32) {
    %c0_i32 = arith.constant 0 : i32
    %c0_i32_0 = arith.constant 0 : i32
    return %arg0, %c0_i32 : i32, i32
  }
  func.func @transform_1(%arg0: i32) -> (i32, i32, i32) {
    %c0_i32 = arith.constant 0 : i32
    %c0_i32_0 = arith.constant 0 : i32
    %c0_i32_1 = arith.constant 0 : i32
    return %c0_i32, %arg0, %c0_i32_0 : i32, i32, i32
  }
  func.func @transform_2(%arg0: i32) -> (i32, i32, i32) {
    %c1_i32 = arith.constant 1 : i32
    %c0_i32 = arith.constant 0 : i32
    %c0_i32_0 = arith.constant 0 : i32
    return %c1_i32, %arg0, %c0_i32 : i32, i32, i32
  }
  func.func @transform_3(%arg0: i32) -> (i32, i32) {
    %c0_i32 = arith.constant 0 : i32
    %c0_i32_0 = arith.constant 0 : i32
    %c0_i32_1 = arith.constant 0 : i32
    return %c0_i32, %c0_i32_0 : i32, i32
  }
  func.func @transform_4(%arg0: i32) -> (i32, i32) {
    %c0_i32 = arith.constant 0 : i32
    %c0_i32_0 = arith.constant 0 : i32
    %c0_i32_1 = arith.constant 0 : i32
    return %c0_i32, %c0_i32_0 : i32, i32
  }
  func.func @transform_5(%arg0: i32) -> (i32, i32) {
    %c0_i32 = arith.constant 0 : i32
    %c0_i32_0 = arith.constant 0 : i32
    %c0_i32_1 = arith.constant 0 : i32
    return %c0_i32, %c0_i32_0 : i32, i32
  }
  func.func @transform_6(%arg0: i32) -> (i32, i32) {
    %c0_i32 = arith.constant 0 : i32
    %c0_i32_0 = arith.constant 0 : i32
    %c0_i32_1 = arith.constant 0 : i32
    return %c0_i32, %c0_i32_0 : i32, i32
  }
  func.func @transform_7(%arg0: i32) -> (i32, i32) {
    %c0_i32 = arith.constant 0 : i32
    %c0_i32_0 = arith.constant 0 : i32
    %c0_i32_1 = arith.constant 0 : i32
    return %c0_i32, %c0_i32_0 : i32, i32
  }
  func.func @transform_8(%arg0: i32) -> (i32, i32) {
    %c0_i32 = arith.constant 0 : i32
    %c0_i32_0 = arith.constant 0 : i32
    return %arg0, %c0_i32 : i32, i32
  }
  func.func @transform_9(%arg0: i32) -> (i32, i32) {
    %c0_i32 = arith.constant 0 : i32
    %c0_i32_0 = arith.constant 0 : i32
    return %arg0, %c0_i32 : i32, i32
  }
  func.func @transform_10(%arg0: i32) -> (i32, i32) {
    %c0_i32 = arith.constant 0 : i32
    %c0_i32_0 = arith.constant 0 : i32
    return %arg0, %c0_i32 : i32, i32
  }
}

module attributes {stable_mosaic.version = 14 : i64} {
  func.func @_tc_layer_body(%arg0: i32, %arg1: memref<1x2048x128xf32, #tpu.memory_space<vmem>>, %arg2: memref<1x2048x128xf32, #tpu.memory_space<vmem>>, %arg3: memref<2048x128xf32, #tpu.memory_space<vmem>>, %arg4: memref<2048x128xf32, #tpu.memory_space<vmem>>, %arg5: memref<1x2048x1xf32, #tpu.memory_space<vmem>>, %arg6: memref<1x2048x1xf32, #tpu.memory_space<vmem>>, %arg7: memref<2048x256xf32, #tpu.memory_space<vmem>>, %arg8: memref<1x256xf32, #tpu.memory_space<vmem>>, %arg9: memref<256x256xf32, #tpu.memory_space<vmem>>, %arg10: memref<2048x128xf32, #tpu.memory_space<vmem>>, %arg11: memref<2048x128xf32, #tpu.memory_space<vmem>>) attributes {dimension_semantics = [#tpu.dimension_semantics<arbitrary>], iteration_bounds = array<i64: 5>, scalar_prefetch = 0 : i64, scratch_operands = 0 : i64, tpu.core_type = #tpu.core_type<tc>, window_params = [{transform_indices = @transform_0, window_bounds = array<i64: 1, 2048, 128>}, {transform_indices = @transform_1, window_bounds = array<i64: 1, 2048, 128>}, {transform_indices = @transform_2, window_bounds = array<i64: 2048, 128>}, {transform_indices = @transform_3, window_bounds = array<i64: 2048, 128>}, {transform_indices = @transform_4, window_bounds = array<i64: 1, 2048, 1>}, {transform_indices = @transform_5, window_bounds = array<i64: 1, 2048, 1>}, {transform_indices = @transform_6, window_bounds = array<i64: 2048, 256>}, {pipeline_mode = #tpu.pipeline_mode<synchronous>, transform_indices = @transform_7, window_bounds = array<i64: 1, 256>}, {pipeline_mode = #tpu.pipeline_mode<synchronous>, transform_indices = @transform_8, window_bounds = array<i64: 256, 256>}, {transform_indices = @transform_9, window_bounds = array<i64: 2048, 128>}, {transform_indices = @transform_10, window_bounds = array<i64: 2048, 128>}]} {
    %get3A = arith.constant 0 : index
    %get3A_0 = arith.constant 0 : index
    %get3A_1 = arith.constant 0 : index
    %get3A_2 = vector.load %arg5[%get3A, %get3A_0, %get3A_1] : memref<1x2048x1xf32, #tpu.memory_space<vmem>>, vector<1x2048x1xf32>
    %get3A_3 = vector.shape_cast %get3A_2 : vector<1x2048x1xf32> to vector<2048x1xf32>
    %add3A = arith.constant 1.000000e+00 : f32
    %add3A_4 = vector.broadcast %add3A : f32 to vector<2048x1xf32>
    %add3A_5 = arith.addf %add3A_4, %get3A_3 : vector<2048x1xf32>
    %get3A_6 = arith.constant 0 : index
    %get3A_7 = arith.constant 0 : index
    %get3A_8 = arith.constant 0 : index
    %get3A_9 = vector.load %arg6[%get3A_6, %get3A_7, %get3A_8] : memref<1x2048x1xf32, #tpu.memory_space<vmem>>, vector<1x2048x1xf32>
    %get3A_10 = vector.shape_cast %get3A_9 : vector<1x2048x1xf32> to vector<2048x1xf32>
    %add3A_11 = arith.addf %add3A_5, %get3A_10 : vector<2048x1xf32>
    %rsqrt3A = math.rsqrt %add3A_11 : vector<2048x1xf32>
    %get3A_12 = arith.constant 0 : index
    %get3A_13 = arith.constant 0 : index
    %get3A_14 = arith.constant 0 : index
    %get3A_15 = vector.load %arg1[%get3A_12, %get3A_13, %get3A_14] : memref<1x2048x128xf32, #tpu.memory_space<vmem>>, vector<1x2048x128xf32>
    %get3A_16 = vector.shape_cast %get3A_15 : vector<1x2048x128xf32> to vector<2048x128xf32>
    %get3A_17 = arith.constant 0 : index
    %get3A_18 = arith.constant 0 : index
    %get3A_19 = vector.load %arg3[%get3A_17, %get3A_18] : memref<2048x128xf32, #tpu.memory_space<vmem>>, vector<2048x128xf32>
    %add3A_20 = arith.addf %get3A_16, %get3A_19 : vector<2048x128xf32>
    %get3A_21 = arith.constant 0 : index
    %get3A_22 = arith.constant 0 : index
    %get3A_23 = arith.constant 0 : index
    %get3A_24 = vector.load %arg2[%get3A_21, %get3A_22, %get3A_23] : memref<1x2048x128xf32, #tpu.memory_space<vmem>>, vector<1x2048x128xf32>
    %get3A_25 = vector.shape_cast %get3A_24 : vector<1x2048x128xf32> to vector<2048x128xf32>
    %get3A_26 = arith.constant 0 : index
    %get3A_27 = arith.constant 0 : index
    %get3A_28 = vector.load %arg4[%get3A_26, %get3A_27] : memref<2048x128xf32, #tpu.memory_space<vmem>>, vector<2048x128xf32>
    %add3A_29 = arith.addf %get3A_25, %get3A_28 : vector<2048x128xf32>
    %concatenate3A = tpu.concatenate %add3A_20, %add3A_29 in 1 : vector<2048x128xf32>, vector<2048x128xf32> -> vector<2048x256xf32>
    %mul3A = vector.broadcast %rsqrt3A : vector<2048x1xf32> to vector<2048x256xf32>
    %mul3A_30 = arith.mulf %concatenate3A, %mul3A : vector<2048x256xf32>
    %get3A_31 = arith.constant 0 : index
    %get3A_32 = arith.constant 0 : index
    %get3A_33 = vector.load %arg8[%get3A_31, %get3A_32] : memref<1x256xf32, #tpu.memory_space<vmem>>, vector<1x256xf32>
    %add3A_34 = vector.broadcast %get3A_33 : vector<1x256xf32> to vector<2048x256xf32>
    %add3A_35 = arith.addf %mul3A_30, %add3A_34 : vector<2048x256xf32>
    %max3A = arith.constant 0.000000e+00 : f32
    %max3A_36 = vector.broadcast %max3A : f32 to vector<2048x256xf32>
    %max3A_37 = arith.maximumf %add3A_35, %max3A_36 : vector<2048x256xf32>
    %get3A_38 = arith.constant 0 : index
    %get3A_39 = arith.constant 0 : index
    %get3A_40 = vector.load %arg7[%get3A_38, %get3A_39] : memref<2048x256xf32, #tpu.memory_space<vmem>>, vector<2048x256xf32>
    %add3A_41 = arith.addf %max3A_37, %get3A_40 : vector<2048x256xf32>
    %get3A_42 = arith.constant 0 : index
    %get3A_43 = arith.constant 0 : index
    %get3A_44 = vector.load %arg9[%get3A_42, %get3A_43] : memref<256x256xf32, #tpu.memory_space<vmem>>, vector<256x256xf32>
    %dot_general3A = arith.constant dense<0.000000e+00> : vector<2048x256xf32>
    %dot_general3A_45 = tpu.matmul %add3A_41, %get3A_44, %dot_general3A {dimension_numbers = #tpu.dot_dimension_numbers<[1], [0], [0], [1], [0, 0, 1, 1], [], []>, transpose_lhs_hint = false} : vector<2048x256xf32>, vector<256x256xf32>, vector<2048x256xf32> -> vector<2048x256xf32>
    %mul3A_46 = vector.broadcast %rsqrt3A : vector<2048x1xf32> to vector<2048x256xf32>
    %mul3A_47 = arith.mulf %dot_general3A_45, %mul3A_46 : vector<2048x256xf32>
    %slice3A = vector.extract_strided_slice %mul3A_47 {offsets = [0, 0], sizes = [2048, 128], strides = [1, 1]} : vector<2048x256xf32> to vector<2048x128xf32>
    %swap3A = arith.constant 0 : index
    %swap3A_48 = arith.constant 0 : index
    %swap3A_49 = vector.load %arg10[%swap3A, %swap3A_48] : memref<2048x128xf32, #tpu.memory_space<vmem>>, vector<2048x128xf32>
    tpu.vector_store %arg10[%swap3A, %swap3A_48], %slice3A {strides = array<i32>} : memref<2048x128xf32, #tpu.memory_space<vmem>>, vector<2048x128xf32>,
    %slice3A_50 = vector.extract_strided_slice %mul3A_47 {offsets = [0, 128], sizes = [2048, 128], strides = [1, 1]} : vector<2048x256xf32> to vector<2048x128xf32>
    %swap3A_51 = arith.constant 0 : index
    %swap3A_52 = arith.constant 0 : index
    %swap3A_53 = vector.load %arg11[%swap3A_51, %swap3A_52] : memref<2048x128xf32, #tpu.memory_space<vmem>>, vector<2048x128xf32>
    tpu.vector_store %arg11[%swap3A_51, %swap3A_52], %slice3A_50 {strides = array<i32>} : memref<2048x128xf32, #tpu.memory_space<vmem>>, vector<2048x128xf32>,
    return
  }
  func.func @transform_0(%arg0: i32) -> (i32, i32, i32) {
    %c0_i32 = arith.constant 0 : i32
    %c0_i32_0 = arith.constant 0 : i32
    %c0_i32_1 = arith.constant 0 : i32
    return %c0_i32, %arg0, %c0_i32_0 : i32, i32, i32
  }
  func.func @transform_1(%arg0: i32) -> (i32, i32, i32) {
    %c1_i32 = arith.constant 1 : i32
    %c0_i32 = arith.constant 0 : i32
    %c0_i32_0 = arith.constant 0 : i32
    return %c1_i32, %arg0, %c0_i32 : i32, i32, i32
  }
  func.func @transform_2(%arg0: i32) -> (i32, i32) {
    %c0_i32 = arith.constant 0 : i32
    %c0_i32_0 = arith.constant 0 : i32
    return %arg0, %c0_i32 : i32, i32
  }
  func.func @transform_3(%arg0: i32) -> (i32, i32) {
    %c0_i32 = arith.constant 0 : i32
    %c0_i32_0 = arith.constant 0 : i32
    return %arg0, %c0_i32 : i32, i32
  }
  func.func @transform_4(%arg0: i32) -> (i32, i32, i32) {
    %c0_i32 = arith.constant 0 : i32
    %c0_i32_0 = arith.constant 0 : i32
    %c0_i32_1 = arith.constant 0 : i32
    return %c0_i32, %arg0, %c0_i32_0 : i32, i32, i32
  }
  func.func @transform_5(%arg0: i32) -> (i32, i32, i32) {
    %c1_i32 = arith.constant 1 : i32
    %c0_i32 = arith.constant 0 : i32
    %c0_i32_0 = arith.constant 0 : i32
    return %c1_i32, %arg0, %c0_i32 : i32, i32, i32
  }
  func.func @transform_6(%arg0: i32) -> (i32, i32) {
    %c0_i32 = arith.constant 0 : i32
    %c0_i32_0 = arith.constant 0 : i32
    return %arg0, %c0_i32 : i32, i32
  }
  func.func @transform_7(%arg0: i32) -> (i32, i32) {
    %c0_i32 = arith.constant 0 : i32
    %c0_i32_0 = arith.constant 0 : i32
    %c0_i32_1 = arith.constant 0 : i32
    return %c0_i32, %c0_i32_0 : i32, i32
  }
  func.func @transform_8(%arg0: i32) -> (i32, i32) {
    %c0_i32 = arith.constant 0 : i32
    %c0_i32_0 = arith.constant 0 : i32
    %c0_i32_1 = arith.constant 0 : i32
    return %c0_i32, %c0_i32_0 : i32, i32
  }
  func.func @transform_9(%arg0: i32) -> (i32, i32) {
    %c0_i32 = arith.constant 0 : i32
    %c0_i32_0 = arith.constant 0 : i32
    return %arg0, %c0_i32 : i32, i32
  }
  func.func @transform_10(%arg0: i32) -> (i32, i32) {
    %c0_i32 = arith.constant 0 : i32
    %c0_i32_0 = arith.constant 0 : i32
    return %arg0, %c0_i32 : i32, i32
  }
}

module attributes {stable_mosaic.version = 14 : i64} {
  func.func @_tc_final_body(%arg0: i32, %arg1: memref<1x2048x128xf32, #tpu.memory_space<vmem>>, %arg2: memref<1x2048x128xf32, #tpu.memory_space<vmem>>, %arg3: memref<2048x128xf32, #tpu.memory_space<vmem>>, %arg4: memref<2048x128xf32, #tpu.memory_space<vmem>>, %arg5: memref<1x2048x1xf32, #tpu.memory_space<vmem>>, %arg6: memref<1x2048x1xf32, #tpu.memory_space<vmem>>, %arg7: memref<2048x256xf32, #tpu.memory_space<vmem>>, %arg8: memref<1x256xf32, #tpu.memory_space<vmem>>, %arg9: memref<2048x1xi32, #tpu.memory_space<vmem>>, %arg10: memref<256x128xf32, #tpu.memory_space<vmem>>, %arg11: memref<1x128xf32, #tpu.memory_space<vmem>>, %arg12: memref<64x128xf32, #tpu.memory_space<vmem>>, %arg13: memref<64x256xf32, #tpu.memory_space<vmem>>) attributes {dimension_semantics = [#tpu.dimension_semantics<arbitrary>], iteration_bounds = array<i64: 5>, scalar_prefetch = 0 : i64, scratch_operands = 1 : i64, tpu.core_type = #tpu.core_type<tc>, window_params = [{transform_indices = @transform_0, window_bounds = array<i64: 1, 2048, 128>}, {transform_indices = @transform_1, window_bounds = array<i64: 1, 2048, 128>}, {transform_indices = @transform_2, window_bounds = array<i64: 2048, 128>}, {transform_indices = @transform_3, window_bounds = array<i64: 2048, 128>}, {transform_indices = @transform_4, window_bounds = array<i64: 1, 2048, 1>}, {transform_indices = @transform_5, window_bounds = array<i64: 1, 2048, 1>}, {transform_indices = @transform_6, window_bounds = array<i64: 2048, 256>}, {pipeline_mode = #tpu.pipeline_mode<synchronous>, transform_indices = @transform_7, window_bounds = array<i64: 1, 256>}, {transform_indices = @transform_8, window_bounds = array<i64: 2048, 1>}, {pipeline_mode = #tpu.pipeline_mode<synchronous>, transform_indices = @transform_9, window_bounds = array<i64: 256, 128>}, {pipeline_mode = #tpu.pipeline_mode<synchronous>, transform_indices = @transform_10, window_bounds = array<i64: 1, 128>}, {pipeline_mode = #tpu.pipeline_mode<synchronous>, transform_indices = @transform_11, window_bounds = array<i64: 64, 128>}]} {
    %get3A = arith.constant 0 : index
    %get3A_0 = arith.constant 0 : index
    %get3A_1 = arith.constant 0 : index
    %get3A_2 = vector.load %arg5[%get3A, %get3A_0, %get3A_1] : memref<1x2048x1xf32, #tpu.memory_space<vmem>>, vector<1x2048x1xf32>
    %get3A_3 = vector.shape_cast %get3A_2 : vector<1x2048x1xf32> to vector<2048x1xf32>
    %add3A = arith.constant 1.000000e+00 : f32
    %add3A_4 = vector.broadcast %add3A : f32 to vector<2048x1xf32>
    %add3A_5 = arith.addf %add3A_4, %get3A_3 : vector<2048x1xf32>
    %get3A_6 = arith.constant 0 : index
    %get3A_7 = arith.constant 0 : index
    %get3A_8 = arith.constant 0 : index
    %get3A_9 = vector.load %arg6[%get3A_6, %get3A_7, %get3A_8] : memref<1x2048x1xf32, #tpu.memory_space<vmem>>, vector<1x2048x1xf32>
    %get3A_10 = vector.shape_cast %get3A_9 : vector<1x2048x1xf32> to vector<2048x1xf32>
    %add3A_11 = arith.addf %add3A_5, %get3A_10 : vector<2048x1xf32>
    %rsqrt3A = math.rsqrt %add3A_11 : vector<2048x1xf32>
    %get3A_12 = arith.constant 0 : index
    %get3A_13 = arith.constant 0 : index
    %get3A_14 = arith.constant 0 : index
    %get3A_15 = vector.load %arg1[%get3A_12, %get3A_13, %get3A_14] : memref<1x2048x128xf32, #tpu.memory_space<vmem>>, vector<1x2048x128xf32>
    %get3A_16 = vector.shape_cast %get3A_15 : vector<1x2048x128xf32> to vector<2048x128xf32>
    %get3A_17 = arith.constant 0 : index
    %get3A_18 = arith.constant 0 : index
    %get3A_19 = vector.load %arg3[%get3A_17, %get3A_18] : memref<2048x128xf32, #tpu.memory_space<vmem>>, vector<2048x128xf32>
    %add3A_20 = arith.addf %get3A_16, %get3A_19 : vector<2048x128xf32>
    %get3A_21 = arith.constant 0 : index
    %get3A_22 = arith.constant 0 : index
    %get3A_23 = arith.constant 0 : index
    %get3A_24 = vector.load %arg2[%get3A_21, %get3A_22, %get3A_23] : memref<1x2048x128xf32, #tpu.memory_space<vmem>>, vector<1x2048x128xf32>
    %get3A_25 = vector.shape_cast %get3A_24 : vector<1x2048x128xf32> to vector<2048x128xf32>
    %get3A_26 = arith.constant 0 : index
    %get3A_27 = arith.constant 0 : index
    %get3A_28 = vector.load %arg4[%get3A_26, %get3A_27] : memref<2048x128xf32, #tpu.memory_space<vmem>>, vector<2048x128xf32>
    %add3A_29 = arith.addf %get3A_25, %get3A_28 : vector<2048x128xf32>
    %concatenate3A = tpu.concatenate %add3A_20, %add3A_29 in 1 : vector<2048x128xf32>, vector<2048x128xf32> -> vector<2048x256xf32>
    %mul3A = vector.broadcast %rsqrt3A : vector<2048x1xf32> to vector<2048x256xf32>
    %mul3A_30 = arith.mulf %concatenate3A, %mul3A : vector<2048x256xf32>
    %get3A_31 = arith.constant 0 : index
    %get3A_32 = arith.constant 0 : index
    %get3A_33 = vector.load %arg8[%get3A_31, %get3A_32] : memref<1x256xf32, #tpu.memory_space<vmem>>, vector<1x256xf32>
    %add3A_34 = vector.broadcast %get3A_33 : vector<1x256xf32> to vector<2048x256xf32>
    %add3A_35 = arith.addf %mul3A_30, %add3A_34 : vector<2048x256xf32>
    %max3A = arith.constant 0.000000e+00 : f32
    %max3A_36 = vector.broadcast %max3A : f32 to vector<2048x256xf32>
    %max3A_37 = arith.maximumf %add3A_35, %max3A_36 : vector<2048x256xf32>
    %get3A_38 = arith.constant 0 : index
    %get3A_39 = arith.constant 0 : index
    %get3A_40 = vector.load %arg7[%get3A_38, %get3A_39] : memref<2048x256xf32, #tpu.memory_space<vmem>>, vector<2048x256xf32>
    %add3A_41 = arith.addf %max3A_37, %get3A_40 : vector<2048x256xf32>
    %get3A_42 = arith.constant 0 : index
    %get3A_43 = arith.constant 0 : index
    %get3A_44 = vector.load %arg9[%get3A_42, %get3A_43] : memref<2048x1xi32, #tpu.memory_space<vmem>>, vector<2048x1xi32>
    %iota3A = tpu.iota {dimensions = array<i32: 1>} : vector<1x64xi32>
    %eq3A = vector.broadcast %get3A_44 : vector<2048x1xi32> to vector<2048x64xi32>
    %eq3A_45 = vector.broadcast %iota3A : vector<1x64xi32> to vector<2048x64xi32>
    %eq3A_46 = arith.cmpi eq, %eq3A, %eq3A_45 : vector<2048x64xi32>
    %convert_element_type3A = arith.extui %eq3A_46 : vector<2048x64xi1> to vector<2048x64xi32>
    %convert_element_type3A_47 = arith.sitofp %convert_element_type3A : vector<2048x64xi32> to vector<2048x64xf32>
    %dot_general3A = arith.constant dense<0.000000e+00> : vector<64x256xf32>
    %dot_general3A_48 = tpu.matmul %convert_element_type3A_47, %add3A_41, %dot_general3A {dimension_numbers = #tpu.dot_dimension_numbers<[0], [0], [1], [1], [0, 1, 1, 1], [], []>, transpose_lhs_hint = false} : vector<2048x64xf32>, vector<2048x256xf32>, vector<64x256xf32> -> vector<64x256xf32>
    %eq3A_49 = arith.constant 0 : i32
    %eq3A_50 = arith.cmpi eq, %arg0, %eq3A_49 : i32
    %convert_element_type3A_51 = arith.extui %eq3A_50 : i1 to i32
    %cond3A = arith.constant 0 : i32
    %cond3A_52 = arith.cmpi ne, %convert_element_type3A_51, %cond3A : i32
    scf.if %cond3A_52 {
      %swap3A = arith.constant 0 : index
      %swap3A_62 = arith.constant 0 : index
      %swap3A_63 = vector.load %arg13[%swap3A, %swap3A_62] : memref<64x256xf32, #tpu.memory_space<vmem>>, vector<64x256xf32>
      tpu.vector_store %arg13[%swap3A, %swap3A_62], %dot_general3A_48 {strides = array<i32>} : memref<64x256xf32, #tpu.memory_space<vmem>>, vector<64x256xf32>,
    } else {
    }
    %gt3A = arith.constant 0 : i32
    %gt3A_53 = arith.cmpi sgt, %arg0, %gt3A : i32
    %convert_element_type3A_54 = arith.extui %gt3A_53 : i1 to i32
    %cond3A_55 = arith.constant 0 : i32
    %cond3A_56 = arith.cmpi ne, %convert_element_type3A_54, %cond3A_55 : i32
    scf.if %cond3A_56 {
      %get3A_62 = arith.constant 0 : index
      %get3A_63 = arith.constant 0 : index
      %get3A_64 = vector.load %arg13[%get3A_62, %get3A_63] : memref<64x256xf32, #tpu.memory_space<vmem>>, vector<64x256xf32>
      %add3A_65 = arith.addf %get3A_64, %dot_general3A_48 : vector<64x256xf32>
      %swap3A = arith.constant 0 : index
      %swap3A_66 = arith.constant 0 : index
      %swap3A_67 = vector.load %arg13[%swap3A, %swap3A_66] : memref<64x256xf32, #tpu.memory_space<vmem>>, vector<64x256xf32>
      tpu.vector_store %arg13[%swap3A, %swap3A_66], %add3A_65 {strides = array<i32>} : memref<64x256xf32, #tpu.memory_space<vmem>>, vector<64x256xf32>,
    } else {
    }
    %eq3A_57 = arith.constant 4 : i32
    %eq3A_58 = arith.cmpi eq, %arg0, %eq3A_57 : i32
    %convert_element_type3A_59 = arith.extui %eq3A_58 : i1 to i32
    %cond3A_60 = arith.constant 0 : i32
    %cond3A_61 = arith.cmpi ne, %convert_element_type3A_59, %cond3A_60 : i32
    scf.if %cond3A_61 {
      %get3A_62 = arith.constant 0 : index
      %get3A_63 = arith.constant 0 : index
      %get3A_64 = vector.load %arg13[%get3A_62, %get3A_63] : memref<64x256xf32, #tpu.memory_space<vmem>>, vector<64x256xf32>
      %get3A_65 = arith.constant 0 : index
      %get3A_66 = arith.constant 0 : index
      %get3A_67 = vector.load %arg10[%get3A_65, %get3A_66] : memref<256x128xf32, #tpu.memory_space<vmem>>, vector<256x128xf32>
      %dot_general3A_68 = arith.constant dense<0.000000e+00> : vector<64x128xf32>
      %dot_general3A_69 = tpu.matmul %get3A_64, %get3A_67, %dot_general3A_68 {dimension_numbers = #tpu.dot_dimension_numbers<[1], [0], [0], [1], [0, 0, 1, 1], [], []>, transpose_lhs_hint = false} : vector<64x256xf32>, vector<256x128xf32>, vector<64x128xf32> -> vector<64x128xf32>
      %get3A_70 = arith.constant 0 : index
      %get3A_71 = arith.constant 0 : index
      %get3A_72 = vector.load %arg11[%get3A_70, %get3A_71] : memref<1x128xf32, #tpu.memory_space<vmem>>, vector<1x128xf32>
      %add3A_73 = vector.broadcast %get3A_72 : vector<1x128xf32> to vector<64x128xf32>
      %add3A_74 = arith.addf %dot_general3A_69, %add3A_73 : vector<64x128xf32>
      %swap3A = arith.constant 0 : index
      %swap3A_75 = arith.constant 0 : index
      %swap3A_76 = vector.load %arg12[%swap3A, %swap3A_75] : memref<64x128xf32, #tpu.memory_space<vmem>>, vector<64x128xf32>
      tpu.vector_store %arg12[%swap3A, %swap3A_75], %add3A_74 {strides = array<i32>} : memref<64x128xf32, #tpu.memory_space<vmem>>, vector<64x128xf32>,
    } else {
    }
    return
  }
  func.func @transform_0(%arg0: i32) -> (i32, i32, i32) {
    %c0_i32 = arith.constant 0 : i32
    %c0_i32_0 = arith.constant 0 : i32
    %c0_i32_1 = arith.constant 0 : i32
    return %c0_i32, %arg0, %c0_i32_0 : i32, i32, i32
  }
  func.func @transform_1(%arg0: i32) -> (i32, i32, i32) {
    %c1_i32 = arith.constant 1 : i32
    %c0_i32 = arith.constant 0 : i32
    %c0_i32_0 = arith.constant 0 : i32
    return %c1_i32, %arg0, %c0_i32 : i32, i32, i32
  }
  func.func @transform_2(%arg0: i32) -> (i32, i32) {
    %c0_i32 = arith.constant 0 : i32
    %c0_i32_0 = arith.constant 0 : i32
    return %arg0, %c0_i32 : i32, i32
  }
  func.func @transform_3(%arg0: i32) -> (i32, i32) {
    %c0_i32 = arith.constant 0 : i32
    %c0_i32_0 = arith.constant 0 : i32
    return %arg0, %c0_i32 : i32, i32
  }
  func.func @transform_4(%arg0: i32) -> (i32, i32, i32) {
    %c0_i32 = arith.constant 0 : i32
    %c0_i32_0 = arith.constant 0 : i32
    %c0_i32_1 = arith.constant 0 : i32
    return %c0_i32, %arg0, %c0_i32_0 : i32, i32, i32
  }
  func.func @transform_5(%arg0: i32) -> (i32, i32, i32) {
    %c1_i32 = arith.constant 1 : i32
    %c0_i32 = arith.constant 0 : i32
    %c0_i32_0 = arith.constant 0 : i32
    return %c1_i32, %arg0, %c0_i32 : i32, i32, i32
  }
  func.func @transform_6(%arg0: i32) -> (i32, i32) {
    %c0_i32 = arith.constant 0 : i32
    %c0_i32_0 = arith.constant 0 : i32
    return %arg0, %c0_i32 : i32, i32
  }
  func.func @transform_7(%arg0: i32) -> (i32, i32) {
    %c0_i32 = arith.constant 0 : i32
    %c0_i32_0 = arith.constant 0 : i32
    %c0_i32_1 = arith.constant 0 : i32
    return %c0_i32, %c0_i32_0 : i32, i32
  }
  func.func @transform_8(%arg0: i32) -> (i32, i32) {
    %c0_i32 = arith.constant 0 : i32
    %c0_i32_0 = arith.constant 0 : i32
    return %arg0, %c0_i32 : i32, i32
  }
  func.func @transform_9(%arg0: i32) -> (i32, i32) {
    %c0_i32 = arith.constant 0 : i32
    %c0_i32_0 = arith.constant 0 : i32
    %c0_i32_1 = arith.constant 0 : i32
    return %c0_i32, %c0_i32_0 : i32, i32
  }
  func.func @transform_10(%arg0: i32) -> (i32, i32) {
    %c0_i32 = arith.constant 0 : i32
    %c0_i32_0 = arith.constant 0 : i32
    %c0_i32_1 = arith.constant 0 : i32
    return %c0_i32, %c0_i32_0 : i32, i32
  }
  func.func @transform_11(%arg0: i32) -> (i32, i32) {
    %c0_i32 = arith.constant 0 : i32
    %c0_i32_0 = arith.constant 0 : i32
    %c0_i32_1 = arith.constant 0 : i32
    return %c0_i32, %c0_i32_0 : i32, i32
  }
}

</mosaic_0001>

<sc_bundles>
// kernel: kernel.10.cloned.1.call-start
scs
__scs_entry_jumppad:
0x0: {  	(pc) =	sbr.rel $0x88, $3  }
0x1: {  	(tag) =	ssettag $0x0;
	lr =	simm.s32 $0x1  }
0x2: {  	[smem:$0x3F92] =	sst lr;
	_ =	strace $0xD0000000  }
0x3: {  	_ = 	snop  }
0x4: {  	_ = 	snop  }
0x5: {  	_ = 	snop  }
0x6: {  	_ = 	snop  }
0x7: {  	_ = 	snop  }
__scs_overlays_trampoline_lowered:
0x8: {  	[smem:$0x3FA1] =	sst s0  }
0x9: {  	[smem:$0x3FA2] =	sst s1  }
0xa: {  	[smem:$0x3FA3] =	sst s2  }
0xb: {  	[smem:$0x3FA4] =	sst s3  }
0xc: {  	[smem:$0x3FA5] =	sst s4  }
0xd: {  	[smem:$0x3FA6] =	sst s5  }
0xe: {  	[smem:$0x3FA7] =	sst s6  }
0xf: {  	[smem:$0x3FA8] =	sst s7  }
0x10: {  	[smem:$0x3FA9] =	sst s8  }
0x11: {  	[smem:$0x3FAA] =	sst s9;
	s0 =	simm.s32 @!p0 $0x0  }
0x12: {  	s1 =	sld [smem:$0x3F90];
	s0 =	simm.s32 @p0 $0x1  }
0x13: {  	[smem:$0x3FAB] =	sst s0;
	s0 =	simm.s32 @!p1 $0x0  }
0x14: {  	s2 =	sld [smem:$0x3F8F];
	s0 =	simm.s32 @p1 $0x1  }
0x15: {  	[smem:$0x3FAC] =	sst s0;
	s0 =	simm.s32 @!p2 $0x0  }
0x16: {  	s3 =	sld [smem:$0x3FDB];
	s0 =	simm.s32 @p2 $0x1  }
0x17: {  	s4 =	simm.s32 $0x1BF5;
	[smem:$0x3FAE] =	sst s0  }
0x18: {  	s0 =	sld [smem:$0x3F91];
	_ =	swait.ge [sflag:s4], $0x0  }
0x19: {  	s7 =	sld [smem:$0x3F92]  }
0x1a: {  	s8 =	sadd.s32 $0xFFFFE003, lr  }
0x1b: {  	s9 =	sadd.s32 $0xFFFFFEF7, lr;
	s5 =	simm.s32 $0xFFFFFFFF;
	p2 =	slt.u32 s8, $0xFFFFF086  }
0x1c: {  	p1 =	slt.u32 s9, $0xF7A;
	s5 =	simm.s32 @!p2 $0x0  }
0x1d: {  	s5 =	simm.s32 @p1 $0x1;
	p0 =	seq.s32 s7, s2  }
0x1e: {  	s7 =	smul.u32 @!p0 $0xF7A, s2;
	p2 =	seq.s32 @!p0 s5, $0x0  }
0x1f: {  	s9 =	smul.u32 $0xF7A, s1;
	s8 =	simm.s32 @!p0 $0x1BF5;
	p2 =	por !p2, p0  }
0x20: {  	[sflag:s8] =	ssyncset.s32 @!p0 $0xFFFFF086;
	s6 =	sadd.s32 @!p0 s3, s7;
	s7 =	simm.s32 @!p0 $0x108  }
0x21: {  	s3 =	sadd.s32 s3, s9;
	s6 =	sadd.s32 @!p0 $0x88, s6;
	s7 =	simm.s32 @p2 $0x1082  }
0x22: {  	[simem:s7], [sflag:s8] =	dma.local @!p0 [hbm:s6], $0xF7A  }
0x23: {  	s9 =	sor.u32 $0xD0000000, s2;
	s6 =	simm.s32 $0x108;
	_ =	swait.ge @!p0 [sflag:s8], $0x0  }
0x24: {  	s3 =	sadd.s32 $0x88, s3;
	s6 =	simm.s32 @!p1 $0x1082;
	[sflag:s4] =	ssyncset.s32 $0xFFFFF086  }
0x25: {  	[simem:s6], [sflag:s4] =	dma.local [hbm:s3], $0xF7A  }
0x26: {  	[smem:$0x3F92] =	sst s1;
	(tag) =	ssettag s2;
	_ =	strace s9  }
0x27: {  	s1 =	sld [smem:$0x3FA2]  }
0x28: {  	s2 =	sld [smem:$0x3FA3]  }
0x29: {  	s4 =	sld [smem:$0x3FA5]  }
0x2a: {  	p0 =	seq.s32 s5, $0x0;
	s5 =	sld [smem:$0x3FA6]  }
0x2b: {  	s6 =	sld [smem:$0x3FA7]  }
0x2c: {  	s7 =	sld [smem:$0x3FA8]  }
0x2d: {  	s3 =	simm.s32 $0x108;
	s8 =	sld [smem:$0x3FA9]  }
0x2e: {  	s3 =	simm.s32 @!p0 $0x1082;
	s9 =	sld [smem:$0x3FAA]  }
0x2f: {  	lr =	sadd.s32 s0, s3;
	s0 =	sld [smem:$0x3FA1]  }
0x30: {  	s3 =	sld [smem:$0x3FA4]  }
0x31: {  	[smem:$0x3FAD] =	sst s10  }
0x32: {  	s10 =	sld [smem:$0x3FAB];
	_ =	sdelay $0x3  }
0x33: {  	p0 =	seq.s32 s10, $0x1;
	s10 =	sld [smem:$0x3FAD];
	_ =	sdelay $0x3  }
0x34: {  	[smem:$0x3FAD] =	sst s10  }
0x35: {  	s10 =	sld [smem:$0x3FAC];
	_ =	sdelay $0x3  }
0x36: {  	p1 =	seq.s32 s10, $0x1;
	s10 =	sld [smem:$0x3FAD];
	_ =	sdelay $0x3  }
0x37: {  	[smem:$0x3FAD] =	sst s10  }
0x38: {  	s10 =	sld [smem:$0x3FAE]  }
0x39: {  	_ = 	snop;
	(pc) =	sbr.ind lr, $3  }
0x3a: {  	_ = 	snop  }
0x3b: {  	_ = 	snop  }
0x3c: {  	p2 =	seq.s32 s10, $0x1;
	s10 =	sld [smem:$0x3FAD]  }
0x3d: {  	_ =	shalt  }
0x3e: {  	_ =	shalt  }
0x3f: {  	_ =	shalt  }
0x40: {  	_ =	shalt  }
0x41: {  	_ =	shalt  }
0x42: {  	_ =	shalt  }
0x43: {  	_ =	shalt  }
0x44: {  	_ =	shalt  }
0x45: {  	_ =	shalt  }
0x46: {  	_ =	shalt  }
0x47: {  	_ =	shalt  }
0x48: {  	_ =	shalt  }
0x49: {  	_ =	shalt  }
0x4a: {  	_ =	shalt  }
0x4b: {  	_ =	shalt  }
0x4c: {  	_ =	shalt  }
0x4d: {  	_ =	shalt  }
0x4e: {  	_ =	shalt  }
0x4f: {  	_ =	shalt  }
0x50: {  	_ =	shalt  }
0x51: {  	_ =	shalt  }
0x52: {  	_ =	shalt  }
0x53: {  	_ =	shalt  }
0x54: {  	_ =	shalt  }
0x55: {  	_ =	shalt  }
0x56: {  	_ =	shalt  }
0x57: {  	_ =	shalt  }
0x58: {  	_ =	shalt  }
0x59: {  	_ =	shalt  }
0x5a: {  	_ =	shalt  }
0x5b: {  	_ =	shalt  }
0x5c: {  	_ =	shalt  }
0x5d: {  	_ =	shalt  }
0x5e: {  	_ =	shalt  }
0x5f: {  	_ =	shalt  }
0x60: {  	_ =	shalt  }
0x61: {  	_ =	shalt  }
0x62: {  	_ =	shalt  }
0x63: {  	_ =	shalt  }
0x64: {  	_ =	shalt  }
0x65: {  	_ =	shalt  }
0x66: {  	_ =	shalt  }
0x67: {  	_ =	shalt  }
0x68: {  	_ =	shalt  }
0x69: {  	_ =	shalt  }
0x6a: {  	_ =	shalt  }
0x6b: {  	_ =	shalt  }
0x6c: {  	_ =	shalt  }
0x6d: {  	_ =	shalt  }
0x6e: {  	_ =	shalt  }
0x6f: {  	_ =	shalt  }
0x70: {  	_ =	shalt  }
0x71: {  	_ =	shalt  }
0x72: {  	_ =	shalt  }
0x73: {  	_ =	shalt  }
0x74: {  	_ =	shalt  }
0x75: {  	_ =	shalt  }
0x76: {  	_ =	shalt  }
0x77: {  	_ =	shalt  }
0x78: {  	_ =	shalt  }
0x79: {  	_ =	shalt  }
0x7a: {  	_ =	shalt  }
0x7b: {  	_ =	shalt  }
0x7c: {  	_ =	shalt  }
0x7d: {  	_ =	shalt  }
0x7e: {  	_ =	shalt  }
0x7f: {  	_ =	shalt  }
0x80: {  	_ =	shalt  }
0x81: {  	_ =	shalt  }
0x82: {  	_ =	shalt  }
0x83: {  	_ =	shalt  }
0x84: {  	_ =	shalt  }
0x85: {  	_ =	shalt  }
0x86: {  	_ =	shalt  }
0x87: {  	_ =	shalt  }
.Lfunc_end0:
.L_simem_size_0:
called_computation_lowered:
.L_overlay_start_0:
0x88: {  	s2 =	sld [smem:$0x3FD9]  }
0x89: {  	s3 =	sld [smem:$0x3FFE];
	_ =	sdelay $0x1  }
0x8a: {  	s1 =	srdreg.scid  }
0x8b: {  	s0 =	sand.u32 $0x1, s1  }
0x8c: {  	s17 =	sshll.u32 s0, $0xA;
	s2 =	sadd.s32 s3, s2  }
0x8d: {  	s2 =	sadd.s32 s2, s17  }
0x8e: {  	[smem:$0x3FB9] =	sst s2  }
0x8f: {  	_ = 	snop  }
0x90: {  	s2 =	sld [smem:$0x3FD0];
	(tm) =	ssettm $0x1  }
0x91: {  	s18 =	sld [smem:$0x3FFB];
	_ =	sdelay $0x3  }
0x92: {  	_ =	strace s18  }
0x93: {  	s3 =	sld [smem:$0x3FFC];
	_ =	sdelay $0x3  }
0x94: {  	_ =	strace s3  }
0x95: {  	s3 =	sld [smem:$0x3FFD];
	_ =	sdelay $0x3  }
0x96: {  	_ =	strace s3  }
0x97: {  	_ =	strace $0x8FFFFFFF  }
0x98: {  	s19 =	sld [smem:$0x3FDB];
	_ =	sdelay $0x1  }
0x99: {  	s4 =	simm.s32 $_scs_section_size  }
0x9a: {  	s5 =	simm.s32 $_size__tile_overlayer_lowered;
	s6 =	simm.s32 $_tile_overlayer_lowered  }
0x9b: {  	s22 =	simm.s32 $0x1BFF;
	s21 =	sshll.u32 s6, $0x1;
	s3 =	sadd.s32 s4, s19  }
0x9c: {  	s7 =	simm.s32 $0x0;
	s20 =	sshll.u32 s5, $0x1;
	s5 =	sadd.s32 s21, s3  }
0x9d: {  	[timem:s7], [sflag:s22] =	dma.local [hbm:s5], s20  }
0x9e: {  	_ =	swait.ge [sflag:s22], s20  }
0x9f: {  	s4 =	ssub.s32 $0x0, s20;
	[sflag:s22] =	ssyncset.done $0x0  }
0xa0: {  	[sflag:s22] =	ssyncadd.s32 s4;
	_ =	sdelay $0x1  }
0xa1: {  	s23 =	simm.s32 $0x1B8B  }
0xa2: {  	_ =	swait.ge [sflag:s23], $0x1  }
0xa3: {  	[sflag:s23] =	ssyncset.done $0x0  }
0xa4: {  	s25 =	simm.s32 $0x1B8E;
	s24 =	sld [smem:$0x3FFE];
	[sflag:s23] =	ssyncadd.s32 $0xFFFFFFFF  }
0xa5: {  	s26 =	simm.s32 $execute0_lowered;
	[smem:$0x3FD2] =	sst s25  }
0xa6: {  	s5 =	sshll.u32 s26, $0x1;
	_ =	strace $0x80000046;
	[dreg:$0x1] =	wrdreg $0xFFFFFFFF  }
0xa7: {  	s28 =	simm.s32 $_size_execute0_lowered;
	s3 =	sadd.s32 s3, s5;
	[dreg:$0x0] =	wrdreg $0x0  }
0xa8: {  	s5 =	sshll.u32 s28, $0x1;
	[dreg:$0x2] =	wrdreg s3  }
0xa9: {  	[dreg:$0x3] =	wrdreg s5  }
0xaa: {  	[dreg:$0x4] =	wrdreg $0xC0  }
0xab: {  	_ =	task [dreg:s7], $0x5FFFF  }
0xac: {  	[dreg:$0x1] =	wrdreg $0xFFFFFFFF  }
0xad: {  	[dreg:$0x0] =	wrdreg $0x60  }
0xae: {  	[dreg:$0x2] =	wrdreg s24  }
0xaf: {  	[dreg:$0x3] =	wrdreg s2  }
0xb0: {  	[dreg:$0x4] =	wrdreg $0x14800  }
0xb1: {  	[dreg:$0x5] =	wrdreg $0x9  }
0xb2: {  	_ =	task.clear_ibuf [dreg:s7], $0x6FFFF;
	_ =	strace $0x90000046  }
0xb3: {  	s29 =	simm.s32 $0x9;
	_ =	strace $0x80000048  }
0xb4: {  	_ =	swait.ge [sflag:s29], $0x1  }
0xb5: {  	[sflag:s29] =	ssyncadd.s32 $0xFFFFFFFF  }
0xb6: {  	_ =	strace $0x90000048  }
0xb7: {  	_ =	sfence  }
0xb8: {  	s30 =	sld [smem:$0x0];
	_ =	sdelay $0x2  }
0xb9: {  	s31 =	sshll.u32 s1, $0xD;
	s1 =	sshrl.u32 s1, $0x2  }
0xba: {  	s3 =	sand.u32 $0x4000, s31;
	s1 =	sadd.s32 s1, s30  }
0xbb: {  	s0 =	sor.u32 s3, s0;
	s1 =	sshll.u32 s1, $0x11  }
0xbc: {  	s0 =	sor.u32 s1, s0  }
0xbd: {  	s0 =	sadd.s32 $0x8F2B, s0  }
0xbe: {  	[sflag:s0] =	ssyncadd.remote.s32 $0x1  }
0xbf: {  	_ =	sfence.sel $0xFFFF  }
0xc0: {  	[dreg:$0x0] =	wrdreg $0xFFFFFFFF;
	(pc) =	sbr.abs _section_cstart, $3  }
0xc1: {  	[dreg:$0x1] =	wrdreg $0xFFFFFFFF  }
0xc2: {  	_ =	task.clear_ibuf [dreg:s7], $0x2FFFF;
	_ =	strace $0x9FFFFFFF  }
0xc3: {  	(tm) =	ssettm $0x7FFFFFFF  }
tec
execute0_lowered:
.L_overlay_start_1:
0x0: {  	(tag) =	ssettag $0x1  }
0x1: {  	s6 =	rddreg [dreg:$0x0]  }
0x2: {  	s1 =	rddreg [dreg:$0x1]  }
0x3: {  	s0 =	srdreg.scid;
	s3 =	stileid.u32  }
0x4: {  	s2 =	rddreg [dreg:$0x2];
	s4 =	simm.s32 $0x0;
	s9 =	smul.u32 $0xA00, s3  }
0x5: {  	s15 =	simm.s32 $0x10;
	s16 =	simm.s32 $0x0;
	s12 =	smul.u32 $0x280, s3  }
0x6: {  	s7 =	sand.u32 $0x1, s0;
	s0 =	rddreg [dreg:$0x3];
	s14 =	smul.u32 $0xA0, s3  }
0x7: {  	[smem:$0x7FF] =	sst s4;
	s31 =	sshll.u32 s3, $0x6;
	s5 =	smul.u32 $0x2800, s7  }
0x8: {  	_ =	strace $0x80000047;
	s10 =	sshll.u32 s7, $0x4;
	s7 =	ssub.s32 $0x2, s7  }
0x9: {  	s10 =	sadd.s32 s10, s6;
	s30 =	sshrl.u32 s7, $0x1;
	s9 =	sshrl.u32 s9, $0x2  }
0xa: {  	s8 =	sadd.s32 s5, s6;
	s5 =	sadd.s32 $0xF000, s6;
	s7 =	ssub.s32 s7, s30  }
0xb: {  	s9 =	sadd.s32 s9, s2;
	s6 =	sor.u32 $0x1C01, s31;
	s13 =	sadd.s32 $0xF200, s10  }
0xc: {  	s10 =	simm.s32 $0x1400;
	s11 =	sadd.s32 $0x5000, s8;
	s7 =	smax.u32 s7, $0x1  }
0xd: {  	s8 =	sshrl.u32 s9, $0x3;
	s9 =	simm.s32 $0x1;
	s13 =	sadd.s32 s14, s13  }
0xe: {  	s14 =	simm.s32 $0x20;
	s11 =	sadd.s32 s12, s11;
	s12 =	simm.s32 $0x80  }
.LBB2_1:
0xf: {  	[spmem:s8], [sflag:s6] =	dma.local [hbm:s1], $0x50  }
0x10: {  	_ =	swait.ge [sflag:s9], $0x50  }
0x11: {  	[sflag:s9] =	ssyncset.done $0x0  }
0x12: {  	[sflag:s9] =	ssyncadd.s32 $0xFFFFFFB0  }
0x13: {  	[tilespmem:s10], [sflag:$0x1] =	stream.linear.gather [hbm4b:s5+s4], $0x80, $0x38;
	[tilespmem:$0x1700] =	vst v63  }
0x14: {  	_ =	swait.ge [sflag:s9], $0x80  }
0x15: {  	[sflag:s9] =	ssyncset.done $0x0  }
0x16: {  	[sflag:s9] =	ssyncadd.s32 $0xFFFFFF80  }
0x17: {  	[tilespmem:s4], [sflag:$0x1] =	stream.linear.gather [hbm4b:s11+s4], $0x1400, $0x38;
	[tilespmem:$0x1700] =	vst v63  }
0x18: {  	_ =	swait.ge [sflag:s9], $0x1400  }
0x19: {  	[sflag:s9] =	ssyncset.done $0x0  }
0x1a: {  	[sflag:s9] =	ssyncadd.s32 $0xFFFFEC00  }
0x1b: {  	s17 =	simm.s32 $0x0;
	[bflag:$0x0] =	sbarrier.arrive $0xFFFF  }
0x1c: {  	[spmem:s2] =	stream.indirect.scatter.add.f32 [tilespmem:s10], [sflag:$0x1], $0x1, s17, s12, $0xb8;
	[tilespmem:$0x1700] =	vst v63  }
0x1d: {  	_ =	swait.ge [sflag:s9], $0x80  }
0x1e: {  	s17 =	simm.s32 $0x200;
	[sflag:s9] =	ssyncset.done $0x0  }
.LBB2_2:
0x1f: {  	s18 =	sshra.s32 s17, $0x2;
	[sflag:s9] =	ssyncadd.s32 $0xFFFFFF80;
	p0 =	sne.s32 s17, $0x4E00  }
0x20: {  	[spmem:s2] =	stream.indirect.scatter.add.f32 [tilespmem:s10], [sflag:$0x1], $0x1, s18, s12, $0xb8;
	[tilespmem:$0x1700] =	vst v63  }
.Ltmp0:
0x21: {  	_ = 	snop;
	(pc) =	sbr.rel @p0 .LBB2_2-.Ltmp0, $4  }
0x22: {  	_ = 	snop  }
0x23: {  	s17 =	sadd.s32 $0x200, s17  }
0x24: {  	_ =	swait.ge [sflag:s9], $0x80  }
0x25: {  	[sflag:s9] =	ssyncset.done $0x0  }
0x26: {  	s16 =	sadd.s32 $0x1, s16  }
0x27: {  	[sflag:s9] =	ssyncadd.s32 $0xFFFFFF80;
	p0 =	sne.s32 s16, s7  }
.Ltmp1:
0x28: {  	[bflag:$0x0] =	sbarrier.arrive $0xFFFF;
	(pc) =	sbr.rel @p0 .LBB2_1-.Ltmp1, $4  }
0x29: {  	[hbm:s13@s14], [sflag:s6] =	dma.strided [spmem:s8@s15], $0x50, s9, $0x10   }
0x2a: {  	_ =	swait.ge [sflag:s9], $0x50  }
0x2b: {  	[sflag:s9] =	ssyncset.done $0x0  }
0x2c: {  	[sflag:s9] =	ssyncadd.s32 $0xFFFFFFB0  }
0x2d: {  	_ =	sfence.sel $0x180000  }
0x2e: {  	[bflag:$0x0] =	sbarrier.arrive $0xFFFF  }
0x2f: {  	p0 =	sne.s32 s3, $0x0;
	_ =	strace $0x90000047  }
0x30: {  	s0 =	sadd.s32 @!p0 $0x100000, s0;
	[bflag:$0x2] =	sbarrier.arrive $0xFFFF  }
0x31: {  	[sflag:s0] =	ssyncadd.tile.s32 @!p0 $0x1;
	_ =	shalt  }
.Lfunc_end2:
_tile_overlayer_lowered:
.L_overlay_start_2:
0x32: {  	(tag) =	ssettag $0x2  }
0x33: {  	s0 =	rddreg [dreg:$0x0];
	s2 =	stileid.u32  }
0x34: {  	s1 =	rddreg [dreg:$0x1];
	p0 =	sne.s32 s2, $0x0  }
0x35: {  	s3 =	rddreg [dreg:$0x2];
	[bflag:$0x3] =	sbarrier.arrive $0xFFFF;
	s2 =	simm.s32 @!p0 $0x1C01  }
0x36: {  	[timem:s3], [sflag:s2] =	dma.local @!p0 [hbm:s0], s1  }
0x37: {  	s0 =	simm.s32 @!p0 $0x1  }
0x38: {  	_ =	swait.ge @!p0 [sflag:s0], s1  }
0x39: {  	s1 =	ssub.s32 @!p0 $0x0, s1;
	[sflag:s0] =	ssyncset.done @!p0 $0x0  }
0x3a: {  	[sflag:s0] =	ssyncadd.s32 @!p0 s1  }
0x3b: {  	[bflag:$0x3] =	sbarrier.arrive $0xFFFF  }
0x3c: {  	_ =	shalt  }

// kernel: kernel.13.cloned.1.call-start
scs
__scs_entry_jumppad:
0x0: {  	(pc) =	sbr.rel $0x88, $3  }
0x1: {  	(tag) =	ssettag $0x0;
	lr =	simm.s32 $0x1  }
0x2: {  	[smem:$0x3F92] =	sst lr;
	_ =	strace $0xD0000000  }
0x3: {  	_ = 	snop  }
0x4: {  	_ = 	snop  }
0x5: {  	_ = 	snop  }
0x6: {  	_ = 	snop  }
0x7: {  	_ = 	snop  }
__scs_overlays_trampoline_lowered:
0x8: {  	[smem:$0x3FA1] =	sst s0  }
0x9: {  	[smem:$0x3FA2] =	sst s1  }
0xa: {  	[smem:$0x3FA3] =	sst s2  }
0xb: {  	[smem:$0x3FA4] =	sst s3  }
0xc: {  	[smem:$0x3FA5] =	sst s4  }
0xd: {  	[smem:$0x3FA6] =	sst s5  }
0xe: {  	[smem:$0x3FA7] =	sst s6  }
0xf: {  	[smem:$0x3FA8] =	sst s7  }
0x10: {  	[smem:$0x3FA9] =	sst s8  }
0x11: {  	[smem:$0x3FAA] =	sst s9;
	s0 =	simm.s32 @!p0 $0x0  }
0x12: {  	s1 =	sld [smem:$0x3F90];
	s0 =	simm.s32 @p0 $0x1  }
0x13: {  	[smem:$0x3FAB] =	sst s0;
	s0 =	simm.s32 @!p1 $0x0  }
0x14: {  	s2 =	sld [smem:$0x3F8F];
	s0 =	simm.s32 @p1 $0x1  }
0x15: {  	[smem:$0x3FAC] =	sst s0;
	s0 =	simm.s32 @!p2 $0x0  }
0x16: {  	s3 =	sld [smem:$0x3FDB];
	s0 =	simm.s32 @p2 $0x1  }
0x17: {  	s4 =	simm.s32 $0x1BF5;
	[smem:$0x3FAE] =	sst s0  }
0x18: {  	s0 =	sld [smem:$0x3F91];
	_ =	swait.ge [sflag:s4], $0x0  }
0x19: {  	s7 =	sld [smem:$0x3F92]  }
0x1a: {  	s8 =	sadd.s32 $0xFFFFE003, lr  }
0x1b: {  	s9 =	sadd.s32 $0xFFFFFEF7, lr;
	s5 =	simm.s32 $0xFFFFFFFF;
	p2 =	slt.u32 s8, $0xFFFFF086  }
0x1c: {  	p1 =	slt.u32 s9, $0xF7A;
	s5 =	simm.s32 @!p2 $0x0  }
0x1d: {  	s5 =	simm.s32 @p1 $0x1;
	p0 =	seq.s32 s7, s2  }
0x1e: {  	s7 =	smul.u32 @!p0 $0xF7A, s2;
	p2 =	seq.s32 @!p0 s5, $0x0  }
0x1f: {  	s9 =	smul.u32 $0xF7A, s1;
	s8 =	simm.s32 @!p0 $0x1BF5;
	p2 =	por !p2, p0  }
0x20: {  	[sflag:s8] =	ssyncset.s32 @!p0 $0xFFFFF086;
	s6 =	sadd.s32 @!p0 s3, s7;
	s7 =	simm.s32 @!p0 $0x108  }
0x21: {  	s3 =	sadd.s32 s3, s9;
	s6 =	sadd.s32 @!p0 $0x88, s6;
	s7 =	simm.s32 @p2 $0x1082  }
0x22: {  	[simem:s7], [sflag:s8] =	dma.local @!p0 [hbm:s6], $0xF7A  }
0x23: {  	s9 =	sor.u32 $0xD0000000, s2;
	s6 =	simm.s32 $0x108;
	_ =	swait.ge @!p0 [sflag:s8], $0x0  }
0x24: {  	s3 =	sadd.s32 $0x88, s3;
	s6 =	simm.s32 @!p1 $0x1082;
	[sflag:s4] =	ssyncset.s32 $0xFFFFF086  }
0x25: {  	[simem:s6], [sflag:s4] =	dma.local [hbm:s3], $0xF7A  }
0x26: {  	[smem:$0x3F92] =	sst s1;
	(tag) =	ssettag s2;
	_ =	strace s9  }
0x27: {  	s1 =	sld [smem:$0x3FA2]  }
0x28: {  	s2 =	sld [smem:$0x3FA3]  }
0x29: {  	s4 =	sld [smem:$0x3FA5]  }
0x2a: {  	p0 =	seq.s32 s5, $0x0;
	s5 =	sld [smem:$0x3FA6]  }
0x2b: {  	s6 =	sld [smem:$0x3FA7]  }
0x2c: {  	s7 =	sld [smem:$0x3FA8]  }
0x2d: {  	s3 =	simm.s32 $0x108;
	s8 =	sld [smem:$0x3FA9]  }
0x2e: {  	s3 =	simm.s32 @!p0 $0x1082;
	s9 =	sld [smem:$0x3FAA]  }
0x2f: {  	lr =	sadd.s32 s0, s3;
	s0 =	sld [smem:$0x3FA1]  }
0x30: {  	s3 =	sld [smem:$0x3FA4]  }
0x31: {  	[smem:$0x3FAD] =	sst s10  }
0x32: {  	s10 =	sld [smem:$0x3FAB];
	_ =	sdelay $0x3  }
0x33: {  	p0 =	seq.s32 s10, $0x1;
	s10 =	sld [smem:$0x3FAD];
	_ =	sdelay $0x3  }
0x34: {  	[smem:$0x3FAD] =	sst s10  }
0x35: {  	s10 =	sld [smem:$0x3FAC];
	_ =	sdelay $0x3  }
0x36: {  	p1 =	seq.s32 s10, $0x1;
	s10 =	sld [smem:$0x3FAD];
	_ =	sdelay $0x3  }
0x37: {  	[smem:$0x3FAD] =	sst s10  }
0x38: {  	s10 =	sld [smem:$0x3FAE]  }
0x39: {  	_ = 	snop;
	(pc) =	sbr.ind lr, $3  }
0x3a: {  	_ = 	snop  }
0x3b: {  	_ = 	snop  }
0x3c: {  	p2 =	seq.s32 s10, $0x1;
	s10 =	sld [smem:$0x3FAD]  }
0x3d: {  	_ =	shalt  }
0x3e: {  	_ =	shalt  }
0x3f: {  	_ =	shalt  }
0x40: {  	_ =	shalt  }
0x41: {  	_ =	shalt  }
0x42: {  	_ =	shalt  }
0x43: {  	_ =	shalt  }
0x44: {  	_ =	shalt  }
0x45: {  	_ =	shalt  }
0x46: {  	_ =	shalt  }
0x47: {  	_ =	shalt  }
0x48: {  	_ =	shalt  }
0x49: {  	_ =	shalt  }
0x4a: {  	_ =	shalt  }
0x4b: {  	_ =	shalt  }
0x4c: {  	_ =	shalt  }
0x4d: {  	_ =	shalt  }
0x4e: {  	_ =	shalt  }
0x4f: {  	_ =	shalt  }
0x50: {  	_ =	shalt  }
0x51: {  	_ =	shalt  }
0x52: {  	_ =	shalt  }
0x53: {  	_ =	shalt  }
0x54: {  	_ =	shalt  }
0x55: {  	_ =	shalt  }
0x56: {  	_ =	shalt  }
0x57: {  	_ =	shalt  }
0x58: {  	_ =	shalt  }
0x59: {  	_ =	shalt  }
0x5a: {  	_ =	shalt  }
0x5b: {  	_ =	shalt  }
0x5c: {  	_ =	shalt  }
0x5d: {  	_ =	shalt  }
0x5e: {  	_ =	shalt  }
0x5f: {  	_ =	shalt  }
0x60: {  	_ =	shalt  }
0x61: {  	_ =	shalt  }
0x62: {  	_ =	shalt  }
0x63: {  	_ =	shalt  }
0x64: {  	_ =	shalt  }
0x65: {  	_ =	shalt  }
0x66: {  	_ =	shalt  }
0x67: {  	_ =	shalt  }
0x68: {  	_ =	shalt  }
0x69: {  	_ =	shalt  }
0x6a: {  	_ =	shalt  }
0x6b: {  	_ =	shalt  }
0x6c: {  	_ =	shalt  }
0x6d: {  	_ =	shalt  }
0x6e: {  	_ =	shalt  }
0x6f: {  	_ =	shalt  }
0x70: {  	_ =	shalt  }
0x71: {  	_ =	shalt  }
0x72: {  	_ =	shalt  }
0x73: {  	_ =	shalt  }
0x74: {  	_ =	shalt  }
0x75: {  	_ =	shalt  }
0x76: {  	_ =	shalt  }
0x77: {  	_ =	shalt  }
0x78: {  	_ =	shalt  }
0x79: {  	_ =	shalt  }
0x7a: {  	_ =	shalt  }
0x7b: {  	_ =	shalt  }
0x7c: {  	_ =	shalt  }
0x7d: {  	_ =	shalt  }
0x7e: {  	_ =	shalt  }
0x7f: {  	_ =	shalt  }
0x80: {  	_ =	shalt  }
0x81: {  	_ =	shalt  }
0x82: {  	_ =	shalt  }
0x83: {  	_ =	shalt  }
0x84: {  	_ =	shalt  }
0x85: {  	_ =	shalt  }
0x86: {  	_ =	shalt  }
0x87: {  	_ =	shalt  }
.Lfunc_end0:
.L_simem_size_0:
called_computation.1_lowered:
.L_overlay_start_0:
0x88: {  	s2 =	sld [smem:$0x3FD9]  }
0x89: {  	s3 =	sld [smem:$0x3FFE];
	_ =	sdelay $0x1  }
0x8a: {  	s1 =	srdreg.scid  }
0x8b: {  	s0 =	sand.u32 $0x1, s1  }
0x8c: {  	s16 =	sshll.u32 s0, $0xA;
	s2 =	sadd.s32 s3, s2  }
0x8d: {  	s2 =	sadd.s32 s2, s16  }
0x8e: {  	[smem:$0x3FB9] =	sst s2  }
0x8f: {  	_ = 	snop  }
0x90: {  	(tm) =	ssettm $0x1  }
0x91: {  	s17 =	sld [smem:$0x3FFB];
	_ =	sdelay $0x3  }
0x92: {  	_ =	strace s17  }
0x93: {  	s2 =	sld [smem:$0x3FFC];
	_ =	sdelay $0x3  }
0x94: {  	_ =	strace s2  }
0x95: {  	s2 =	sld [smem:$0x3FFD];
	_ =	sdelay $0x3  }
0x96: {  	_ =	strace s2  }
0x97: {  	_ =	strace $0x8FFFFFFF  }
0x98: {  	s18 =	sld [smem:$0x3FDB];
	_ =	sdelay $0x1  }
0x99: {  	s19 =	simm.s32 $_scs_section_size  }
0x9a: {  	s4 =	simm.s32 $_size__tile_overlayer_lowered;
	s5 =	simm.s32 $_tile_overlayer_lowered  }
0x9b: {  	s22 =	simm.s32 $0x1BFF;
	s21 =	sshll.u32 s5, $0x1;
	s2 =	sadd.s32 s19, s18  }
0x9c: {  	s6 =	simm.s32 $0x0;
	s20 =	sshll.u32 s4, $0x1;
	s4 =	sadd.s32 s21, s2  }
0x9d: {  	[timem:s6], [sflag:s22] =	dma.local [hbm:s4], s20  }
0x9e: {  	_ =	swait.ge [sflag:s22], s20  }
0x9f: {  	s3 =	ssub.s32 $0x0, s20;
	[sflag:s22] =	ssyncset.done $0x0  }
0xa0: {  	[sflag:s22] =	ssyncadd.s32 s3;
	_ =	sdelay $0x1  }
0xa1: {  	s23 =	simm.s32 $0x1B8B  }
0xa2: {  	_ =	swait.ge [sflag:s23], $0x1  }
0xa3: {  	[sflag:s23] =	ssyncset.done $0x0  }
0xa4: {  	s25 =	simm.s32 $0x1B8E;
	s24 =	sld [smem:$0x3FFE];
	[sflag:s23] =	ssyncadd.s32 $0xFFFFFFFF  }
0xa5: {  	s26 =	simm.s32 $execute0_lowered;
	[smem:$0x3FD2] =	sst s25  }
0xa6: {  	s4 =	sshll.u32 s26, $0x1;
	_ =	strace $0x80000049;
	[dreg:$0x1] =	wrdreg $0xFFFFFFFF  }
0xa7: {  	s28 =	simm.s32 $_size_execute0_lowered;
	s2 =	sadd.s32 s2, s4;
	[dreg:$0x0] =	wrdreg $0x0  }
0xa8: {  	s4 =	sshll.u32 s28, $0x1;
	[dreg:$0x2] =	wrdreg s2  }
0xa9: {  	[dreg:$0x3] =	wrdreg s4  }
0xaa: {  	[dreg:$0x4] =	wrdreg $0xC0  }
0xab: {  	_ =	task [dreg:s6], $0x5FFFF  }
0xac: {  	[dreg:$0x1] =	wrdreg $0xFFFFFFFF  }
0xad: {  	[dreg:$0x0] =	wrdreg $0x60  }
0xae: {  	[dreg:$0x2] =	wrdreg s24  }
0xaf: {  	[dreg:$0x3] =	wrdreg $0xA8000  }
0xb0: {  	[dreg:$0x4] =	wrdreg $0x9  }
0xb1: {  	_ =	task.clear_ibuf [dreg:s6], $0x5FFFF;
	_ =	strace $0x90000049  }
0xb2: {  	s29 =	simm.s32 $0x9;
	_ =	strace $0x8000004B  }
0xb3: {  	_ =	swait.ge [sflag:s29], $0x1  }
0xb4: {  	[sflag:s29] =	ssyncadd.s32 $0xFFFFFFFF  }
0xb5: {  	_ =	strace $0x9000004B  }
0xb6: {  	_ =	sfence  }
0xb7: {  	s30 =	sld [smem:$0x0];
	_ =	sdelay $0x2  }
0xb8: {  	s31 =	sshll.u32 s1, $0xD;
	s1 =	sshrl.u32 s1, $0x2  }
0xb9: {  	s3 =	sand.u32 $0x4000, s31;
	s1 =	sadd.s32 s1, s30  }
0xba: {  	s0 =	sor.u32 s3, s0;
	s1 =	sshll.u32 s1, $0x11  }
0xbb: {  	s0 =	sor.u32 s1, s0  }
0xbc: {  	s0 =	sadd.s32 $0x8F2B, s0  }
0xbd: {  	[sflag:s0] =	ssyncadd.remote.s32 $0x1  }
0xbe: {  	_ =	sfence.sel $0xFFFF  }
0xbf: {  	[dreg:$0x0] =	wrdreg $0xFFFFFFFF;
	(pc) =	sbr.abs _section_cstart, $3  }
0xc0: {  	[dreg:$0x1] =	wrdreg $0xFFFFFFFF  }
0xc1: {  	_ =	task.clear_ibuf [dreg:s6], $0x2FFFF;
	_ =	strace $0x9FFFFFFF  }
0xc2: {  	(tm) =	ssettm $0x7FFFFFFF  }
0xc3: {  	_ =	shalt  }
tec
execute0_lowered:
.L_overlay_start_1:
0x0: {  	(tag) =	ssettag $0x1  }
0x1: {  	s7 =	rddreg [dreg:$0x0]  }
0x2: {  	s2 =	rddreg [dreg:$0x1]  }
0x3: {  	s0 =	rddreg [dreg:$0x2];
	s3 =	simm.s32 $0x0;
	s1 =	stileid.u32  }
0x4: {  	s4 =	srdreg.scid;
	s14 =	simm.s32 $0x80;
	s15 =	simm.s32 $0x2800  }
0x5: {  	s16 =	simm.s32 $0x1;
	s17 =	simm.s32 $0x6800;
	s18 =	simm.s32 $0x1380  }
0x6: {  	s19 =	simm.s32 $0x2700;
	s20 =	simm.s32 $0x2780;
	s6 =	smul.u32 $0x500, s1  }
0x7: {  	[smem:$0x7FF] =	sst s3;
	s8 =	sand.u32 $0x1, s4;
	s12 =	smul.u32 $0x50000, s1  }
0x8: {  	s4 =	sadd.s32 $0xF000, s7;
	s5 =	sadd.s32 $0x37000, s7;
	s24 =	smul.u32 $0x2800, s1  }
0x9: {  	s31 =	sshll.u32 s1, $0x6;
	_ =	strace $0x8000004A;
	s9 =	smul.u32 $0x28000, s8  }
0xa: {  	s11 =	ssub.s32 $0x2, s8;
	p0 =	seq.s32 s8, $0x1;
	s10 =	sadd.s32 s6, s7  }
0xb: {  	s6 =	sadd.s32 $0xFFC00, s7;
	s29 =	sshrl.u32 s11, $0x1;
	s30 =	sshrl.u32 s12, $0x2  }
.Ltmp0:
0xc: {  	s13 =	sadd.s32 s9, s7;
	s11 =	ssub.s32 s11, s29;
	(pc) =	sbr.rel .LBB2_1-.Ltmp0, $4  }
0xd: {  	s12 =	sadd.s32 s30, s2;
	s7 =	sor.u32 $0x1C02, s31;
	s8 =	sadd.s32 $0xA000, s10  }
0xe: {  	s9 =	sadd.s32 $0x5000, s10;
	s23 =	sadd.s32 $0x102400, s13;
	s10 =	smax.u32 s11, $0x1  }
0xf: {  	s11 =	sshrl.u32 s12, $0x3;
	s12 =	simm.s32 $0x2;
	s13 =	simm.s32 $0x1400  }
0x10: {  	s21 =	sadd.s32 $0x280, s8;
	s22 =	sadd.s32 $0x280, s9;
	s23 =	sadd.s32 s24, s23  }
.LBB2_11:
0x11: {  	[sflag:s12] =	ssyncadd.s32 $0xFFFFC000  }
0x12: {  	_ =	swait.ge [sflag:s16], $0x4000  }
0x13: {  	[sflag:s16] =	ssyncset.done $0x0  }
0x14: {  	[sflag:s16] =	ssyncadd.s32 $0xFFFFC000  }
0x15: {  	[tilespmem:s17], [sflag:$0x1] =	stream.indirect.gather [hbm4b:s5+s14], $0x80, s18, s14, $0xb8;
	[tilespmem:$0x1E800] =	vst v63  }
0x16: {  	_ = 	snop  }
0x17: {  	[spmem:s2] =	stream.indirect.scatter.add.f32 [tilespmem:s15], [sflag:$0x2], $0x80, s19, s14, $0xb8;
	[tilespmem:$0x1E800] =	vst v63  }
0x18: {  	_ =	swait.ge [sflag:s12], $0x4000  }
0x19: {  	[sflag:s12] =	ssyncset.done $0x0  }
0x1a: {  	[sflag:s12] =	ssyncadd.s32 $0xFFFFC000  }
0x1b: {  	_ =	swait.ge [sflag:s16], $0x4000  }
0x1c: {  	[sflag:s16] =	ssyncset.done $0x0  }
0x1d: {  	[sflag:s16] =	ssyncadd.s32 $0xFFFFC000  }
0x1e: {  	[spmem:s2] =	stream.indirect.scatter.add.f32 [tilespmem:s17], [sflag:$0x2], $0x80, s20, s14, $0xb8;
	[tilespmem:$0x1E800] =	vst v63  }
0x1f: {  	_ =	swait.ge [sflag:s12], $0x4000  }
0x20: {  	[sflag:s12] =	ssyncset.done $0x0  }
0x21: {  	[sflag:s12] =	ssyncadd.s32 $0xFFFFC000  }
.LBB2_12:
0x22: {  	s3 =	sadd.s32 $0x1, s3  }
0x23: {  	p1 =	sne.s32 s3, s10  }
.Ltmp1:
0x24: {  	[bflag:$0x0] =	sbarrier.arrive $0xFFFF;
	(pc) =	sbr.rel @!p1 .LBB2_13-.Ltmp1, $4  }
0x25: {  	[hbm:s23], [sflag:s7] =	dma.local [spmem:s11], $0x2800  }
0x26: {  	_ =	swait.ge [sflag:s12], $0x2800  }
0x27: {  	[sflag:s12] =	ssyncset.done $0x0  }
0x28: {  	[sflag:s12] =	ssyncadd.s32 $0xFFFFD800  }
.LBB2_1:
0x29: {  	[spmem:s11], [sflag:s7] =	dma.local [hbm:s6], $0x2800  }
.Ltmp2:
0x2a: {  	_ =	swait.ge [sflag:s12], $0x2800;
	(pc) =	sbr.rel @!p0 .LBB2_2-.Ltmp2, $4  }
0x2b: {  	[sflag:s12] =	ssyncset.done $0x0  }
0x2c: {  	[sflag:s12] =	ssyncadd.s32 $0xFFFFD800  }
0x2d: {  	[bflag:$0x0] =	sbarrier.arrive $0xFFFF  }
0x2e: {  	s24 =	simm.s32 $0x0  }
0x2f: {  	[tilespmem:s24], [sflag:$0x2] =	stream.linear.gather [hbm4b:s8+s24], $0x1400, $0x38;
	[tilespmem:$0x1E800] =	vst v63  }
0x30: {  	_ =	swait.ge [sflag:s12], $0x1400  }
0x31: {  	[sflag:s12] =	ssyncset.done $0x0  }
0x32: {  	[sflag:s12] =	ssyncadd.s32 $0xFFFFEC00  }
0x33: {  	[tilespmem:s13], [sflag:$0x2] =	stream.linear.gather [hbm4b:s9+s24], $0x1400, $0x38;
	[tilespmem:$0x1E800] =	vst v63  }
0x34: {  	_ =	swait.ge [sflag:s12], $0x1400  }
0x35: {  	[sflag:s12] =	ssyncset.done $0x0  }
0x36: {  	[sflag:s12] =	ssyncadd.s32 $0xFFFFEC00  }
0x37: {  	[tilespmem:s15], [sflag:$0x1] =	stream.indirect.gather [hbm4b:s5+s14], $0x80, s24, s14, $0xb8;
	[tilespmem:$0x1E800] =	vst v63  }
0x38: {  	_ =	swait.ge [sflag:s16], $0x4000  }
0x39: {  	[sflag:s16] =	ssyncset.done $0x0  }
0x3a: {  	s28 =	simm.s32 $0x80;
	[sflag:s16] =	ssyncadd.s32 $0xFFFFC000  }
0x3b: {  	[tilespmem:s17], [sflag:$0x1] =	stream.indirect.gather [hbm4b:s5+s14], $0x80, s28, s14, $0xb8;
	[tilespmem:$0x1E800] =	vst v63  }
0x3c: {  	s29 =	simm.s32 $0x1400  }
0x3d: {  	[spmem:s2] =	stream.indirect.scatter.add.f32 [tilespmem:s15], [sflag:$0x2], $0x80, s29, s14, $0xb8;
	[tilespmem:$0x1E800] =	vst v63  }
0x3e: {  	_ =	swait.ge [sflag:s12], $0x4000  }
0x3f: {  	[sflag:s12] =	ssyncset.done $0x0  }
0x40: {  	[sflag:s12] =	ssyncadd.s32 $0xFFFFC000  }
0x41: {  	_ =	swait.ge [sflag:s16], $0x4000  }
0x42: {  	[sflag:s16] =	ssyncset.done $0x0  }
0x43: {  	s30 =	simm.s32 $0x100;
	[sflag:s16] =	ssyncadd.s32 $0xFFFFC000  }
0x44: {  	[tilespmem:s15], [sflag:$0x1] =	stream.indirect.gather [hbm4b:s5+s14], $0x80, s30, s14, $0xb8;
	[tilespmem:$0x1E800] =	vst v63  }
0x45: {  	s31 =	simm.s32 $0x1480  }
0x46: {  	[spmem:s2] =	stream.indirect.scatter.add.f32 [tilespmem:s17], [sflag:$0x2], $0x80, s31, s14, $0xb8;
	[tilespmem:$0x1E800] =	vst v63  }
0x47: {  	_ =	swait.ge [sflag:s12], $0x4000  }
0x48: {  	s24 =	simm.s32 $0x400;
	[sflag:s12] =	ssyncset.done $0x0  }
.LBB2_8:
0x49: {  	p1 =	sne.s32 s24, $0x4800  }
0x4a: {  	[sflag:s12] =	ssyncadd.s32 $0xFFFFC000;
	s25 =	smov.u32 s24;
	s24 =	sadd.s32 $0x400, s24  }
0x4b: {  	_ = 	snop  }
0x4c: {  	_ =	swait.ge [sflag:s16], $0x4000  }
0x4d: {  	s25 =	sshra.s32 s25, $0x2;
	[sflag:s16] =	ssyncset.done $0x0  }
0x4e: {  	s26 =	sadd.s32 $0x80, s25;
	[sflag:s16] =	ssyncadd.s32 $0xFFFFC000  }
0x4f: {  	[tilespmem:s17], [sflag:$0x1] =	stream.indirect.gather [hbm4b:s5+s14], $0x80, s26, s14, $0xb8;
	[tilespmem:$0x1E800] =	vst v63  }
0x50: {  	s26 =	sadd.s32 $0x1400, s25  }
0x51: {  	[spmem:s2] =	stream.indirect.scatter.add.f32 [tilespmem:s15], [sflag:$0x2], $0x80, s26, s14, $0xb8;
	[tilespmem:$0x1E800] =	vst v63  }
0x52: {  	_ =	swait.ge [sflag:s12], $0x4000  }
0x53: {  	[sflag:s12] =	ssyncset.done $0x0  }
0x54: {  	[sflag:s12] =	ssyncadd.s32 $0xFFFFC000  }
0x55: {  	_ =	swait.ge [sflag:s16], $0x4000  }
0x56: {  	[sflag:s16] =	ssyncset.done $0x0  }
0x57: {  	s26 =	sadd.s32 $0x100, s25;
	[sflag:s16] =	ssyncadd.s32 $0xFFFFC000  }
0x58: {  	[tilespmem:s15], [sflag:$0x1] =	stream.indirect.gather [hbm4b:s5+s14], $0x80, s26, s14, $0xb8;
	[tilespmem:$0x1E800] =	vst v63  }
.Ltmp3:
0x59: {  	_ = 	snop;
	(pc) =	sbr.rel @p1 .LBB2_8-.Ltmp3, $4  }
0x5a: {  	s25 =	sadd.s32 $0x1480, s25  }
0x5b: {  	[spmem:s2] =	stream.indirect.scatter.add.f32 [tilespmem:s17], [sflag:$0x2], $0x80, s25, s14, $0xb8;
	[tilespmem:$0x1E800] =	vst v63  }
0x5c: {  	_ =	swait.ge [sflag:s12], $0x4000  }
0x5d: {  	[sflag:s12] =	ssyncset.done $0x0  }
0x5e: {  	[sflag:s12] =	ssyncadd.s32 $0xFFFFC000  }
0x5f: {  	_ =	swait.ge [sflag:s16], $0x4000  }
0x60: {  	[sflag:s16] =	ssyncset.done $0x0  }
0x61: {  	[sflag:s16] =	ssyncadd.s32 $0xFFFFC000  }
0x62: {  	[tilespmem:s17], [sflag:$0x1] =	stream.indirect.gather [hbm4b:s5+s14], $0x80, s18, s14, $0xb8;
	[tilespmem:$0x1E800] =	vst v63  }
0x63: {  	_ = 	snop  }
0x64: {  	[spmem:s2] =	stream.indirect.scatter.add.f32 [tilespmem:s15], [sflag:$0x2], $0x80, s19, s14, $0xb8;
	[tilespmem:$0x1E800] =	vst v63  }
0x65: {  	_ =	swait.ge [sflag:s12], $0x4000  }
0x66: {  	[sflag:s12] =	ssyncset.done $0x0  }
0x67: {  	[sflag:s12] =	ssyncadd.s32 $0xFFFFC000  }
0x68: {  	_ =	swait.ge [sflag:s16], $0x4000  }
0x69: {  	[sflag:s16] =	ssyncset.done $0x0  }
0x6a: {  	[sflag:s16] =	ssyncadd.s32 $0xFFFFC000  }
0x6b: {  	[spmem:s2] =	stream.indirect.scatter.add.f32 [tilespmem:s17], [sflag:$0x2], $0x80, s20, s14, $0xb8;
	[tilespmem:$0x1E800] =	vst v63  }
0x6c: {  	_ =	swait.ge [sflag:s12], $0x4000  }
0x6d: {  	[sflag:s12] =	ssyncset.done $0x0  }
0x6e: {  	s24 =	simm.s32 $0x0;
	[sflag:s12] =	ssyncadd.s32 $0xFFFFC000  }
0x6f: {  	[tilespmem:s24], [sflag:$0x2] =	stream.linear.gather [hbm4b:s21+s24], $0x1400, $0x38;
	[tilespmem:$0x1E800] =	vst v63  }
0x70: {  	_ =	swait.ge [sflag:s12], $0x1400  }
0x71: {  	[sflag:s12] =	ssyncset.done $0x0  }
0x72: {  	[sflag:s12] =	ssyncadd.s32 $0xFFFFEC00  }
0x73: {  	[tilespmem:s13], [sflag:$0x2] =	stream.linear.gather [hbm4b:s22+s24], $0x1400, $0x38;
	[tilespmem:$0x1E800] =	vst v63  }
0x74: {  	_ =	swait.ge [sflag:s12], $0x1400  }
0x75: {  	[sflag:s12] =	ssyncset.done $0x0  }
0x76: {  	[sflag:s12] =	ssyncadd.s32 $0xFFFFEC00  }
0x77: {  	[tilespmem:s15], [sflag:$0x1] =	stream.indirect.gather [hbm4b:s5+s14], $0x80, s24, s14, $0xb8;
	[tilespmem:$0x1E800] =	vst v63  }
0x78: {  	_ =	swait.ge [sflag:s16], $0x4000  }
0x79: {  	[sflag:s16] =	ssyncset.done $0x0  }
0x7a: {  	s28 =	simm.s32 $0x80;
	[sflag:s16] =	ssyncadd.s32 $0xFFFFC000  }
0x7b: {  	[tilespmem:s17], [sflag:$0x1] =	stream.indirect.gather [hbm4b:s5+s14], $0x80, s28, s14, $0xb8;
	[tilespmem:$0x1E800] =	vst v63  }
0x7c: {  	s29 =	simm.s32 $0x1400  }
0x7d: {  	[spmem:s2] =	stream.indirect.scatter.add.f32 [tilespmem:s15], [sflag:$0x2], $0x80, s29, s14, $0xb8;
	[tilespmem:$0x1E800] =	vst v63  }
0x7e: {  	_ =	swait.ge [sflag:s12], $0x4000  }
0x7f: {  	[sflag:s12] =	ssyncset.done $0x0  }
0x80: {  	[sflag:s12] =	ssyncadd.s32 $0xFFFFC000  }
0x81: {  	_ =	swait.ge [sflag:s16], $0x4000  }
0x82: {  	[sflag:s16] =	ssyncset.done $0x0  }
0x83: {  	s30 =	simm.s32 $0x100;
	[sflag:s16] =	ssyncadd.s32 $0xFFFFC000  }
0x84: {  	[tilespmem:s15], [sflag:$0x1] =	stream.indirect.gather [hbm4b:s5+s14], $0x80, s30, s14, $0xb8;
	[tilespmem:$0x1E800] =	vst v63  }
0x85: {  	s31 =	simm.s32 $0x1480  }
0x86: {  	[spmem:s2] =	stream.indirect.scatter.add.f32 [tilespmem:s17], [sflag:$0x2], $0x80, s31, s14, $0xb8;
	[tilespmem:$0x1E800] =	vst v63  }
0x87: {  	_ =	swait.ge [sflag:s12], $0x4000  }
0x88: {  	s24 =	simm.s32 $0x400;
	[sflag:s12] =	ssyncset.done $0x0  }
.LBB2_10:
0x89: {  	p1 =	sne.s32 s24, $0x4800  }
0x8a: {  	[sflag:s12] =	ssyncadd.s32 $0xFFFFC000;
	s25 =	smov.u32 s24;
	s24 =	sadd.s32 $0x400, s24  }
0x8b: {  	_ = 	snop  }
0x8c: {  	_ =	swait.ge [sflag:s16], $0x4000  }
0x8d: {  	s25 =	sshra.s32 s25, $0x2;
	[sflag:s16] =	ssyncset.done $0x0  }
0x8e: {  	s26 =	sadd.s32 $0x80, s25;
	[sflag:s16] =	ssyncadd.s32 $0xFFFFC000  }
0x8f: {  	[tilespmem:s17], [sflag:$0x1] =	stream.indirect.gather [hbm4b:s5+s14], $0x80, s26, s14, $0xb8;
	[tilespmem:$0x1E800] =	vst v63  }
0x90: {  	s26 =	sadd.s32 $0x1400, s25  }
0x91: {  	[spmem:s2] =	stream.indirect.scatter.add.f32 [tilespmem:s15], [sflag:$0x2], $0x80, s26, s14, $0xb8;
	[tilespmem:$0x1E800] =	vst v63  }
0x92: {  	_ =	swait.ge [sflag:s12], $0x4000  }
0x93: {  	[sflag:s12] =	ssyncset.done $0x0  }
0x94: {  	[sflag:s12] =	ssyncadd.s32 $0xFFFFC000  }
0x95: {  	_ =	swait.ge [sflag:s16], $0x4000  }
0x96: {  	[sflag:s16] =	ssyncset.done $0x0  }
0x97: {  	s26 =	sadd.s32 $0x100, s25;
	[sflag:s16] =	ssyncadd.s32 $0xFFFFC000  }
0x98: {  	[tilespmem:s15], [sflag:$0x1] =	stream.indirect.gather [hbm4b:s5+s14], $0x80, s26, s14, $0xb8;
	[tilespmem:$0x1E800] =	vst v63  }
.Ltmp4:
0x99: {  	_ = 	snop;
	(pc) =	sbr.rel @p1 .LBB2_10-.Ltmp4, $4  }
0x9a: {  	s25 =	sadd.s32 $0x1480, s25  }
0x9b: {  	[spmem:s2] =	stream.indirect.scatter.add.f32 [tilespmem:s17], [sflag:$0x2], $0x80, s25, s14, $0xb8;
	[tilespmem:$0x1E800] =	vst v63  }
0x9c: {  	_ =	swait.ge [sflag:s12], $0x4000  }
0x9d: {  	[sflag:s12] =	ssyncset.done $0x0  }
.Ltmp5:
0x9e: {  	_ = 	snop;
	(pc) =	sbr.rel .LBB2_11-.Ltmp5, $1  }
0x9f: {  	_ =	sdelay $0x3  }
.LBB2_2:
0xa0: {  	[tilespmem:s24], [sflag:$0x2] =	stream.linear.gather [hbm4b:s8+s24], $0x1400, $0x38;
	[tilespmem:$0x1E800] =	vst v63  }
0xa1: {  	_ =	swait.ge [sflag:s12], $0x1400  }
0xa2: {  	[sflag:s12] =	ssyncset.done $0x0  }
0xa3: {  	[sflag:s12] =	ssyncadd.s32 $0xFFFFEC00  }
0xa4: {  	[tilespmem:s13], [sflag:$0x2] =	stream.linear.gather [hbm4b:s9+s24], $0x1400, $0x38;
	[tilespmem:$0x1E800] =	vst v63  }
0xa5: {  	_ =	swait.ge [sflag:s12], $0x1400  }
0xa6: {  	[sflag:s12] =	ssyncset.done $0x0  }
0xa7: {  	[sflag:s12] =	ssyncadd.s32 $0xFFFFEC00  }
0xa8: {  	[tilespmem:s15], [sflag:$0x1] =	stream.indirect.gather [hbm4b:s4+s14], $0x80, s24, s14, $0xb8;
	[tilespmem:$0x1E800] =	vst v63  }
0xa9: {  	_ =	swait.ge [sflag:s16], $0x4000  }
0xaa: {  	[sflag:s16] =	ssyncset.done $0x0  }
0xab: {  	s28 =	simm.s32 $0x80;
	[sflag:s16] =	ssyncadd.s32 $0xFFFFC000  }
0xac: {  	[tilespmem:s17], [sflag:$0x1] =	stream.indirect.gather [hbm4b:s4+s14], $0x80, s28, s14, $0xb8;
	[tilespmem:$0x1E800] =	vst v63  }
0xad: {  	s29 =	simm.s32 $0x1400  }
0xae: {  	[spmem:s2] =	stream.indirect.scatter.add.f32 [tilespmem:s15], [sflag:$0x2], $0x80, s29, s14, $0xb8;
	[tilespmem:$0x1E800] =	vst v63  }
0xaf: {  	_ =	swait.ge [sflag:s12], $0x4000  }
0xb0: {  	[sflag:s12] =	ssyncset.done $0x0  }
0xb1: {  	[sflag:s12] =	ssyncadd.s32 $0xFFFFC000  }
0xb2: {  	_ =	swait.ge [sflag:s16], $0x4000  }
0xb3: {  	[sflag:s16] =	ssyncset.done $0x0  }
0xb4: {  	s30 =	simm.s32 $0x100;
	[sflag:s16] =	ssyncadd.s32 $0xFFFFC000  }
0xb5: {  	[tilespmem:s15], [sflag:$0x1] =	stream.indirect.gather [hbm4b:s4+s14], $0x80, s30, s14, $0xb8;
	[tilespmem:$0x1E800] =	vst v63  }
0xb6: {  	s31 =	simm.s32 $0x1480  }
0xb7: {  	[spmem:s2] =	stream.indirect.scatter.add.f32 [tilespmem:s17], [sflag:$0x2], $0x80, s31, s14, $0xb8;
	[tilespmem:$0x1E800] =	vst v63  }
0xb8: {  	_ =	swait.ge [sflag:s12], $0x4000  }
0xb9: {  	s24 =	simm.s32 $0x400;
	[sflag:s12] =	ssyncset.done $0x0  }
.LBB2_3:
0xba: {  	p1 =	sne.s32 s24, $0x4800  }
0xbb: {  	[sflag:s12] =	ssyncadd.s32 $0xFFFFC000;
	s25 =	smov.u32 s24;
	s24 =	sadd.s32 $0x400, s24  }
0xbc: {  	_ = 	snop  }
0xbd: {  	_ =	swait.ge [sflag:s16], $0x4000  }
0xbe: {  	s25 =	sshra.s32 s25, $0x2;
	[sflag:s16] =	ssyncset.done $0x0  }
0xbf: {  	s26 =	sadd.s32 $0x80, s25;
	[sflag:s16] =	ssyncadd.s32 $0xFFFFC000  }
0xc0: {  	[tilespmem:s17], [sflag:$0x1] =	stream.indirect.gather [hbm4b:s4+s14], $0x80, s26, s14, $0xb8;
	[tilespmem:$0x1E800] =	vst v63  }
0xc1: {  	s26 =	sadd.s32 $0x1400, s25  }
0xc2: {  	[spmem:s2] =	stream.indirect.scatter.add.f32 [tilespmem:s15], [sflag:$0x2], $0x80, s26, s14, $0xb8;
	[tilespmem:$0x1E800] =	vst v63  }
0xc3: {  	_ =	swait.ge [sflag:s12], $0x4000  }
0xc4: {  	[sflag:s12] =	ssyncset.done $0x0  }
0xc5: {  	[sflag:s12] =	ssyncadd.s32 $0xFFFFC000  }
0xc6: {  	_ =	swait.ge [sflag:s16], $0x4000  }
0xc7: {  	[sflag:s16] =	ssyncset.done $0x0  }
0xc8: {  	s26 =	sadd.s32 $0x100, s25;
	[sflag:s16] =	ssyncadd.s32 $0xFFFFC000  }
0xc9: {  	[tilespmem:s15], [sflag:$0x1] =	stream.indirect.gather [hbm4b:s4+s14], $0x80, s26, s14, $0xb8;
	[tilespmem:$0x1E800] =	vst v63  }
.Ltmp6:
0xca: {  	_ = 	snop;
	(pc) =	sbr.rel @p1 .LBB2_3-.Ltmp6, $4  }
0xcb: {  	s25 =	sadd.s32 $0x1480, s25  }
0xcc: {  	[spmem:s2] =	stream.indirect.scatter.add.f32 [tilespmem:s17], [sflag:$0x2], $0x80, s25, s14, $0xb8;
	[tilespmem:$0x1E800] =	vst v63  }
0xcd: {  	_ =	swait.ge [sflag:s12], $0x4000  }
0xce: {  	[sflag:s12] =	ssyncset.done $0x0  }
0xcf: {  	[sflag:s12] =	ssyncadd.s32 $0xFFFFC000  }
0xd0: {  	_ =	swait.ge [sflag:s16], $0x4000  }
0xd1: {  	[sflag:s16] =	ssyncset.done $0x0  }
0xd2: {  	[sflag:s16] =	ssyncadd.s32 $0xFFFFC000  }
0xd3: {  	[tilespmem:s17], [sflag:$0x1] =	stream.indirect.gather [hbm4b:s4+s14], $0x80, s18, s14, $0xb8;
	[tilespmem:$0x1E800] =	vst v63  }
0xd4: {  	_ = 	snop  }
0xd5: {  	[spmem:s2] =	stream.indirect.scatter.add.f32 [tilespmem:s15], [sflag:$0x2], $0x80, s19, s14, $0xb8;
	[tilespmem:$0x1E800] =	vst v63  }
0xd6: {  	_ =	swait.ge [sflag:s12], $0x4000  }
0xd7: {  	[sflag:s12] =	ssyncset.done $0x0  }
0xd8: {  	[sflag:s12] =	ssyncadd.s32 $0xFFFFC000  }
0xd9: {  	_ =	swait.ge [sflag:s16], $0x4000  }
0xda: {  	[sflag:s16] =	ssyncset.done $0x0  }
0xdb: {  	[sflag:s16] =	ssyncadd.s32 $0xFFFFC000  }
0xdc: {  	[spmem:s2] =	stream.indirect.scatter.add.f32 [tilespmem:s17], [sflag:$0x2], $0x80, s20, s14, $0xb8;
	[tilespmem:$0x1E800] =	vst v63  }
0xdd: {  	_ =	swait.ge [sflag:s12], $0x4000  }
0xde: {  	[sflag:s12] =	ssyncset.done $0x0  }
0xdf: {  	s24 =	simm.s32 $0x0;
	[sflag:s12] =	ssyncadd.s32 $0xFFFFC000  }
0xe0: {  	[tilespmem:s24], [sflag:$0x2] =	stream.linear.gather [hbm4b:s21+s24], $0x1400, $0x38;
	[tilespmem:$0x1E800] =	vst v63  }
0xe1: {  	_ =	swait.ge [sflag:s12], $0x1400  }
0xe2: {  	[sflag:s12] =	ssyncset.done $0x0  }
0xe3: {  	[sflag:s12] =	ssyncadd.s32 $0xFFFFEC00  }
0xe4: {  	[tilespmem:s13], [sflag:$0x2] =	stream.linear.gather [hbm4b:s22+s24], $0x1400, $0x38;
	[tilespmem:$0x1E800] =	vst v63  }
0xe5: {  	_ =	swait.ge [sflag:s12], $0x1400  }
0xe6: {  	[sflag:s12] =	ssyncset.done $0x0  }
0xe7: {  	[sflag:s12] =	ssyncadd.s32 $0xFFFFEC00  }
0xe8: {  	[tilespmem:s15], [sflag:$0x1] =	stream.indirect.gather [hbm4b:s4+s14], $0x80, s24, s14, $0xb8;
	[tilespmem:$0x1E800] =	vst v63  }
0xe9: {  	_ =	swait.ge [sflag:s16], $0x4000  }
0xea: {  	[sflag:s16] =	ssyncset.done $0x0  }
0xeb: {  	s28 =	simm.s32 $0x80;
	[sflag:s16] =	ssyncadd.s32 $0xFFFFC000  }
0xec: {  	[tilespmem:s17], [sflag:$0x1] =	stream.indirect.gather [hbm4b:s4+s14], $0x80, s28, s14, $0xb8;
	[tilespmem:$0x1E800] =	vst v63  }
0xed: {  	s29 =	simm.s32 $0x1400  }
0xee: {  	[spmem:s2] =	stream.indirect.scatter.add.f32 [tilespmem:s15], [sflag:$0x2], $0x80, s29, s14, $0xb8;
	[tilespmem:$0x1E800] =	vst v63  }
0xef: {  	_ =	swait.ge [sflag:s12], $0x4000  }
0xf0: {  	[sflag:s12] =	ssyncset.done $0x0  }
0xf1: {  	[sflag:s12] =	ssyncadd.s32 $0xFFFFC000  }
0xf2: {  	_ =	swait.ge [sflag:s16], $0x4000  }
0xf3: {  	[sflag:s16] =	ssyncset.done $0x0  }
0xf4: {  	s30 =	simm.s32 $0x100;
	[sflag:s16] =	ssyncadd.s32 $0xFFFFC000  }
0xf5: {  	[tilespmem:s15], [sflag:$0x1] =	stream.indirect.gather [hbm4b:s4+s14], $0x80, s30, s14, $0xb8;
	[tilespmem:$0x1E800] =	vst v63  }
0xf6: {  	s31 =	simm.s32 $0x1480  }
0xf7: {  	[spmem:s2] =	stream.indirect.scatter.add.f32 [tilespmem:s17], [sflag:$0x2], $0x80, s31, s14, $0xb8;
	[tilespmem:$0x1E800] =	vst v63  }
0xf8: {  	_ =	swait.ge [sflag:s12], $0x4000  }
0xf9: {  	s24 =	simm.s32 $0x400;
	[sflag:s12] =	ssyncset.done $0x0  }
.LBB2_5:
0xfa: {  	p1 =	sne.s32 s24, $0x4800  }
0xfb: {  	[sflag:s12] =	ssyncadd.s32 $0xFFFFC000;
	s25 =	smov.u32 s24;
	s24 =	sadd.s32 $0x400, s24  }
0xfc: {  	_ = 	snop  }
0xfd: {  	_ =	swait.ge [sflag:s16], $0x4000  }
0xfe: {  	s25 =	sshra.s32 s25, $0x2;
	[sflag:s16] =	ssyncset.done $0x0  }
0xff: {  	s26 =	sadd.s32 $0x80, s25;
	[sflag:s16] =	ssyncadd.s32 $0xFFFFC000  }
0x100: {  	[tilespmem:s17], [sflag:$0x1] =	stream.indirect.gather [hbm4b:s4+s14], $0x80, s26, s14, $0xb8;
	[tilespmem:$0x1E800] =	vst v63  }
0x101: {  	s26 =	sadd.s32 $0x1400, s25  }
0x102: {  	[spmem:s2] =	stream.indirect.scatter.add.f32 [tilespmem:s15], [sflag:$0x2], $0x80, s26, s14, $0xb8;
	[tilespmem:$0x1E800] =	vst v63  }
0x103: {  	_ =	swait.ge [sflag:s12], $0x4000  }
0x104: {  	[sflag:s12] =	ssyncset.done $0x0  }
0x105: {  	[sflag:s12] =	ssyncadd.s32 $0xFFFFC000  }
0x106: {  	_ =	swait.ge [sflag:s16], $0x4000  }
0x107: {  	[sflag:s16] =	ssyncset.done $0x0  }
0x108: {  	s26 =	sadd.s32 $0x100, s25;
	[sflag:s16] =	ssyncadd.s32 $0xFFFFC000  }
0x109: {  	[tilespmem:s15], [sflag:$0x1] =	stream.indirect.gather [hbm4b:s4+s14], $0x80, s26, s14, $0xb8;
	[tilespmem:$0x1E800] =	vst v63  }
.Ltmp7:
0x10a: {  	_ = 	snop;
	(pc) =	sbr.rel @p1 .LBB2_5-.Ltmp7, $4  }
0x10b: {  	s25 =	sadd.s32 $0x1480, s25  }
0x10c: {  	[spmem:s2] =	stream.indirect.scatter.add.f32 [tilespmem:s17], [sflag:$0x2], $0x80, s25, s14, $0xb8;
	[tilespmem:$0x1E800] =	vst v63  }
0x10d: {  	_ =	swait.ge [sflag:s12], $0x4000  }
0x10e: {  	[sflag:s12] =	ssyncset.done $0x0  }
0x10f: {  	[sflag:s12] =	ssyncadd.s32 $0xFFFFC000  }
0x110: {  	_ =	swait.ge [sflag:s16], $0x4000  }
0x111: {  	[sflag:s16] =	ssyncset.done $0x0  }
0x112: {  	[sflag:s16] =	ssyncadd.s32 $0xFFFFC000  }
0x113: {  	[tilespmem:s17], [sflag:$0x1] =	stream.indirect.gather [hbm4b:s4+s14], $0x80, s18, s14, $0xb8;
	[tilespmem:$0x1E800] =	vst v63  }
0x114: {  	_ = 	snop  }
0x115: {  	[spmem:s2] =	stream.indirect.scatter.add.f32 [tilespmem:s15], [sflag:$0x2], $0x80, s19, s14, $0xb8;
	[tilespmem:$0x1E800] =	vst v63  }
0x116: {  	_ =	swait.ge [sflag:s12], $0x4000  }
0x117: {  	[sflag:s12] =	ssyncset.done $0x0  }
0x118: {  	[sflag:s12] =	ssyncadd.s32 $0xFFFFC000  }
0x119: {  	_ =	swait.ge [sflag:s16], $0x4000  }
0x11a: {  	[sflag:s16] =	ssyncset.done $0x0  }
.Ltmp8:
0x11b: {  	[sflag:s16] =	ssyncadd.s32 $0xFFFFC000;
	(pc) =	sbr.rel .LBB2_12-.Ltmp8, $4  }
0x11c: {  	[spmem:s2] =	stream.indirect.scatter.add.f32 [tilespmem:s17], [sflag:$0x2], $0x80, s20, s14, $0xb8;
	[tilespmem:$0x1E800] =	vst v63  }
0x11d: {  	_ =	swait.ge [sflag:s12], $0x4000  }
0x11e: {  	[sflag:s12] =	ssyncset.done $0x0  }
0x11f: {  	[sflag:s12] =	ssyncadd.s32 $0xFFFFC000  }
.LBB2_13:
0x120: {  	_ =	sfence.sel $0x180000  }
0x121: {  	[bflag:$0x0] =	sbarrier.arrive $0xFFFF  }
0x122: {  	p0 =	sne.s32 s1, $0x0;
	_ =	strace $0x9000004A  }
0x123: {  	s0 =	sadd.s32 @!p0 $0x100000, s0;
	[bflag:$0x2] =	sbarrier.arrive $0xFFFF  }
0x124: {  	[sflag:s0] =	ssyncadd.tile.s32 @!p0 $0x1;
	_ =	shalt  }
.Lfunc_end2:
_tile_overlayer_lowered:
.L_overlay_start_2:
0x125: {  	(tag) =	ssettag $0x2  }
0x126: {  	s0 =	rddreg [dreg:$0x0];
	s2 =	stileid.u32  }
0x127: {  	s1 =	rddreg [dreg:$0x1];
	p0 =	sne.s32 s2, $0x0  }
0x128: {  	s3 =	rddreg [dreg:$0x2];
	[bflag:$0x3] =	sbarrier.arrive $0xFFFF;
	s2 =	simm.s32 @!p0 $0x1C02  }
0x129: {  	[timem:s3], [sflag:s2] =	dma.local @!p0 [hbm:s0], s1  }
0x12a: {  	s0 =	simm.s32 @!p0 $0x2  }
0x12b: {  	_ =	swait.ge @!p0 [sflag:s0], s1  }
0x12c: {  	s1 =	ssub.s32 @!p0 $0x0, s1;
	[sflag:s0] =	ssyncset.done @!p0 $0x0  }
0x12d: {  	[sflag:s0] =	ssyncadd.s32 @!p0 s1  }
0x12e: {  	[bflag:$0x3] =	sbarrier.arrive $0xFFFF  }
0x12f: {  	_ =	shalt  }

// kernel: kernel.16.cloned.1.call-start
scs
__scs_entry_jumppad:
0x0: {  	(pc) =	sbr.rel $0x88, $3  }
0x1: {  	(tag) =	ssettag $0x0;
	lr =	simm.s32 $0x1  }
0x2: {  	[smem:$0x3F92] =	sst lr;
	_ =	strace $0xD0000000  }
0x3: {  	_ = 	snop  }
0x4: {  	_ = 	snop  }
0x5: {  	_ = 	snop  }
0x6: {  	_ = 	snop  }
0x7: {  	_ = 	snop  }
__scs_overlays_trampoline_lowered:
0x8: {  	[smem:$0x3FA1] =	sst s0  }
0x9: {  	[smem:$0x3FA2] =	sst s1  }
0xa: {  	[smem:$0x3FA3] =	sst s2  }
0xb: {  	[smem:$0x3FA4] =	sst s3  }
0xc: {  	[smem:$0x3FA5] =	sst s4  }
0xd: {  	[smem:$0x3FA6] =	sst s5  }
0xe: {  	[smem:$0x3FA7] =	sst s6  }
0xf: {  	[smem:$0x3FA8] =	sst s7  }
0x10: {  	[smem:$0x3FA9] =	sst s8  }
0x11: {  	[smem:$0x3FAA] =	sst s9;
	s0 =	simm.s32 @!p0 $0x0  }
0x12: {  	s1 =	sld [smem:$0x3F90];
	s0 =	simm.s32 @p0 $0x1  }
0x13: {  	[smem:$0x3FAB] =	sst s0;
	s0 =	simm.s32 @!p1 $0x0  }
0x14: {  	s2 =	sld [smem:$0x3F8F];
	s0 =	simm.s32 @p1 $0x1  }
0x15: {  	[smem:$0x3FAC] =	sst s0;
	s0 =	simm.s32 @!p2 $0x0  }
0x16: {  	s3 =	sld [smem:$0x3FDB];
	s0 =	simm.s32 @p2 $0x1  }
0x17: {  	s4 =	simm.s32 $0x1BF5;
	[smem:$0x3FAE] =	sst s0  }
0x18: {  	s0 =	sld [smem:$0x3F91];
	_ =	swait.ge [sflag:s4], $0x0  }
0x19: {  	s7 =	sld [smem:$0x3F92]  }
0x1a: {  	s8 =	sadd.s32 $0xFFFFE003, lr  }
0x1b: {  	s9 =	sadd.s32 $0xFFFFFEF7, lr;
	s5 =	simm.s32 $0xFFFFFFFF;
	p2 =	slt.u32 s8, $0xFFFFF086  }
0x1c: {  	p1 =	slt.u32 s9, $0xF7A;
	s5 =	simm.s32 @!p2 $0x0  }
0x1d: {  	s5 =	simm.s32 @p1 $0x1;
	p0 =	seq.s32 s7, s2  }
0x1e: {  	s7 =	smul.u32 @!p0 $0xF7A, s2;
	p2 =	seq.s32 @!p0 s5, $0x0  }
0x1f: {  	s9 =	smul.u32 $0xF7A, s1;
	s8 =	simm.s32 @!p0 $0x1BF5;
	p2 =	por !p2, p0  }
0x20: {  	[sflag:s8] =	ssyncset.s32 @!p0 $0xFFFFF086;
	s6 =	sadd.s32 @!p0 s3, s7;
	s7 =	simm.s32 @!p0 $0x108  }
0x21: {  	s3 =	sadd.s32 s3, s9;
	s6 =	sadd.s32 @!p0 $0x88, s6;
	s7 =	simm.s32 @p2 $0x1082  }
0x22: {  	[simem:s7], [sflag:s8] =	dma.local @!p0 [hbm:s6], $0xF7A  }
0x23: {  	s9 =	sor.u32 $0xD0000000, s2;
	s6 =	simm.s32 $0x108;
	_ =	swait.ge @!p0 [sflag:s8], $0x0  }
0x24: {  	s3 =	sadd.s32 $0x88, s3;
	s6 =	simm.s32 @!p1 $0x1082;
	[sflag:s4] =	ssyncset.s32 $0xFFFFF086  }
0x25: {  	[simem:s6], [sflag:s4] =	dma.local [hbm:s3], $0xF7A  }
0x26: {  	[smem:$0x3F92] =	sst s1;
	(tag) =	ssettag s2;
	_ =	strace s9  }
0x27: {  	s1 =	sld [smem:$0x3FA2]  }
0x28: {  	s2 =	sld [smem:$0x3FA3]  }
0x29: {  	s4 =	sld [smem:$0x3FA5]  }
0x2a: {  	p0 =	seq.s32 s5, $0x0;
	s5 =	sld [smem:$0x3FA6]  }
0x2b: {  	s6 =	sld [smem:$0x3FA7]  }
0x2c: {  	s7 =	sld [smem:$0x3FA8]  }
0x2d: {  	s3 =	simm.s32 $0x108;
	s8 =	sld [smem:$0x3FA9]  }
0x2e: {  	s3 =	simm.s32 @!p0 $0x1082;
	s9 =	sld [smem:$0x3FAA]  }
0x2f: {  	lr =	sadd.s32 s0, s3;
	s0 =	sld [smem:$0x3FA1]  }
0x30: {  	s3 =	sld [smem:$0x3FA4]  }
0x31: {  	[smem:$0x3FAD] =	sst s10  }
0x32: {  	s10 =	sld [smem:$0x3FAB];
	_ =	sdelay $0x3  }
0x33: {  	p0 =	seq.s32 s10, $0x1;
	s10 =	sld [smem:$0x3FAD];
	_ =	sdelay $0x3  }
0x34: {  	[smem:$0x3FAD] =	sst s10  }
0x35: {  	s10 =	sld [smem:$0x3FAC];
	_ =	sdelay $0x3  }
0x36: {  	p1 =	seq.s32 s10, $0x1;
	s10 =	sld [smem:$0x3FAD];
	_ =	sdelay $0x3  }
0x37: {  	[smem:$0x3FAD] =	sst s10  }
0x38: {  	s10 =	sld [smem:$0x3FAE]  }
0x39: {  	_ = 	snop;
	(pc) =	sbr.ind lr, $3  }
0x3a: {  	_ = 	snop  }
0x3b: {  	_ = 	snop  }
0x3c: {  	p2 =	seq.s32 s10, $0x1;
	s10 =	sld [smem:$0x3FAD]  }
0x3d: {  	_ =	shalt  }
0x3e: {  	_ =	shalt  }
0x3f: {  	_ =	shalt  }
0x40: {  	_ =	shalt  }
0x41: {  	_ =	shalt  }
0x42: {  	_ =	shalt  }
0x43: {  	_ =	shalt  }
0x44: {  	_ =	shalt  }
0x45: {  	_ =	shalt  }
0x46: {  	_ =	shalt  }
0x47: {  	_ =	shalt  }
0x48: {  	_ =	shalt  }
0x49: {  	_ =	shalt  }
0x4a: {  	_ =	shalt  }
0x4b: {  	_ =	shalt  }
0x4c: {  	_ =	shalt  }
0x4d: {  	_ =	shalt  }
0x4e: {  	_ =	shalt  }
0x4f: {  	_ =	shalt  }
0x50: {  	_ =	shalt  }
0x51: {  	_ =	shalt  }
0x52: {  	_ =	shalt  }
0x53: {  	_ =	shalt  }
0x54: {  	_ =	shalt  }
0x55: {  	_ =	shalt  }
0x56: {  	_ =	shalt  }
0x57: {  	_ =	shalt  }
0x58: {  	_ =	shalt  }
0x59: {  	_ =	shalt  }
0x5a: {  	_ =	shalt  }
0x5b: {  	_ =	shalt  }
0x5c: {  	_ =	shalt  }
0x5d: {  	_ =	shalt  }
0x5e: {  	_ =	shalt  }
0x5f: {  	_ =	shalt  }
0x60: {  	_ =	shalt  }
0x61: {  	_ =	shalt  }
0x62: {  	_ =	shalt  }
0x63: {  	_ =	shalt  }
0x64: {  	_ =	shalt  }
0x65: {  	_ =	shalt  }
0x66: {  	_ =	shalt  }
0x67: {  	_ =	shalt  }
0x68: {  	_ =	shalt  }
0x69: {  	_ =	shalt  }
0x6a: {  	_ =	shalt  }
0x6b: {  	_ =	shalt  }
0x6c: {  	_ =	shalt  }
0x6d: {  	_ =	shalt  }
0x6e: {  	_ =	shalt  }
0x6f: {  	_ =	shalt  }
0x70: {  	_ =	shalt  }
0x71: {  	_ =	shalt  }
0x72: {  	_ =	shalt  }
0x73: {  	_ =	shalt  }
0x74: {  	_ =	shalt  }
0x75: {  	_ =	shalt  }
0x76: {  	_ =	shalt  }
0x77: {  	_ =	shalt  }
0x78: {  	_ =	shalt  }
0x79: {  	_ =	shalt  }
0x7a: {  	_ =	shalt  }
0x7b: {  	_ =	shalt  }
0x7c: {  	_ =	shalt  }
0x7d: {  	_ =	shalt  }
0x7e: {  	_ =	shalt  }
0x7f: {  	_ =	shalt  }
0x80: {  	_ =	shalt  }
0x81: {  	_ =	shalt  }
0x82: {  	_ =	shalt  }
0x83: {  	_ =	shalt  }
0x84: {  	_ =	shalt  }
0x85: {  	_ =	shalt  }
0x86: {  	_ =	shalt  }
0x87: {  	_ =	shalt  }
.Lfunc_end0:
.L_simem_size_0:
called_computation.2_lowered:
.L_overlay_start_0:
0x88: {  	s2 =	sld [smem:$0x3FD9]  }
0x89: {  	s3 =	sld [smem:$0x3FFE];
	_ =	sdelay $0x1  }
0x8a: {  	s1 =	srdreg.scid  }
0x8b: {  	s0 =	sand.u32 $0x1, s1  }
0x8c: {  	s16 =	sshll.u32 s0, $0xA;
	s2 =	sadd.s32 s3, s2  }
0x8d: {  	s2 =	sadd.s32 s2, s16  }
0x8e: {  	[smem:$0x3FB9] =	sst s2  }
0x8f: {  	_ = 	snop  }
0x90: {  	(tm) =	ssettm $0x1  }
0x91: {  	s17 =	sld [smem:$0x3FFB];
	_ =	sdelay $0x3  }
0x92: {  	_ =	strace s17  }
0x93: {  	s2 =	sld [smem:$0x3FFC];
	_ =	sdelay $0x3  }
0x94: {  	_ =	strace s2  }
0x95: {  	s2 =	sld [smem:$0x3FFD];
	_ =	sdelay $0x3  }
0x96: {  	_ =	strace s2  }
0x97: {  	_ =	strace $0x8FFFFFFF  }
0x98: {  	s18 =	sld [smem:$0x3FDB];
	_ =	sdelay $0x1  }
0x99: {  	s19 =	simm.s32 $_scs_section_size  }
0x9a: {  	s4 =	simm.s32 $_size__tile_overlayer_lowered;
	s5 =	simm.s32 $_tile_overlayer_lowered  }
0x9b: {  	s22 =	simm.s32 $0x1BFF;
	s21 =	sshll.u32 s5, $0x1;
	s2 =	sadd.s32 s19, s18  }
0x9c: {  	s6 =	simm.s32 $0x0;
	s20 =	sshll.u32 s4, $0x1;
	s4 =	sadd.s32 s21, s2  }
0x9d: {  	[timem:s6], [sflag:s22] =	dma.local [hbm:s4], s20  }
0x9e: {  	_ =	swait.ge [sflag:s22], s20  }
0x9f: {  	s3 =	ssub.s32 $0x0, s20;
	[sflag:s22] =	ssyncset.done $0x0  }
0xa0: {  	[sflag:s22] =	ssyncadd.s32 s3;
	_ =	sdelay $0x1  }
0xa1: {  	s23 =	simm.s32 $0x1B8B  }
0xa2: {  	_ =	swait.ge [sflag:s23], $0x1  }
0xa3: {  	[sflag:s23] =	ssyncset.done $0x0  }
0xa4: {  	s25 =	simm.s32 $0x1B8E;
	s24 =	sld [smem:$0x3FFE];
	[sflag:s23] =	ssyncadd.s32 $0xFFFFFFFF  }
0xa5: {  	s26 =	simm.s32 $execute0_lowered;
	[smem:$0x3FD2] =	sst s25  }
0xa6: {  	s4 =	sshll.u32 s26, $0x1;
	_ =	strace $0x8000004C;
	[dreg:$0x1] =	wrdreg $0xFFFFFFFF  }
0xa7: {  	s28 =	simm.s32 $_size_execute0_lowered;
	s2 =	sadd.s32 s2, s4;
	[dreg:$0x0] =	wrdreg $0x0  }
0xa8: {  	s4 =	sshll.u32 s28, $0x1;
	[dreg:$0x2] =	wrdreg s2  }
0xa9: {  	[dreg:$0x3] =	wrdreg s4  }
0xaa: {  	[dreg:$0x4] =	wrdreg $0xC0  }
0xab: {  	_ =	task [dreg:s6], $0x5FFFF  }
0xac: {  	[dreg:$0x1] =	wrdreg $0xFFFFFFFF  }
0xad: {  	[dreg:$0x0] =	wrdreg $0x60  }
0xae: {  	[dreg:$0x2] =	wrdreg s24  }
0xaf: {  	[dreg:$0x3] =	wrdreg $0xA8000  }
0xb0: {  	[dreg:$0x4] =	wrdreg $0x9  }
0xb1: {  	_ =	task.clear_ibuf [dreg:s6], $0x5FFFF;
	_ =	strace $0x9000004C  }
0xb2: {  	s29 =	simm.s32 $0x9;
	_ =	strace $0x8000004E  }
0xb3: {  	_ =	swait.ge [sflag:s29], $0x1  }
0xb4: {  	[sflag:s29] =	ssyncadd.s32 $0xFFFFFFFF  }
0xb5: {  	_ =	strace $0x9000004E  }
0xb6: {  	_ =	sfence  }
0xb7: {  	s30 =	sld [smem:$0x0];
	_ =	sdelay $0x2  }
0xb8: {  	s31 =	sshll.u32 s1, $0xD;
	s1 =	sshrl.u32 s1, $0x2  }
0xb9: {  	s3 =	sand.u32 $0x4000, s31;
	s1 =	sadd.s32 s1, s30  }
0xba: {  	s0 =	sor.u32 s3, s0;
	s1 =	sshll.u32 s1, $0x11  }
0xbb: {  	s0 =	sor.u32 s1, s0  }
0xbc: {  	s0 =	sadd.s32 $0x8F2B, s0  }
0xbd: {  	[sflag:s0] =	ssyncadd.remote.s32 $0x1  }
0xbe: {  	_ =	sfence.sel $0xFFFF  }
0xbf: {  	[dreg:$0x0] =	wrdreg $0xFFFFFFFF;
	(pc) =	sbr.abs _section_cstart, $3  }
0xc0: {  	[dreg:$0x1] =	wrdreg $0xFFFFFFFF  }
0xc1: {  	_ =	task.clear_ibuf [dreg:s6], $0x2FFFF;
	_ =	strace $0x9FFFFFFF  }
0xc2: {  	(tm) =	ssettm $0x7FFFFFFF  }
0xc3: {  	_ =	shalt  }
tec
execute0_lowered:
.L_overlay_start_1:
0x0: {  	(tag) =	ssettag $0x1  }
0x1: {  	s7 =	rddreg [dreg:$0x0]  }
0x2: {  	s2 =	rddreg [dreg:$0x1]  }
0x3: {  	s0 =	rddreg [dreg:$0x2];
	s3 =	simm.s32 $0x0;
	s1 =	stileid.u32  }
0x4: {  	s4 =	srdreg.scid;
	s14 =	simm.s32 $0x80;
	s15 =	simm.s32 $0x2800  }
0x5: {  	s16 =	simm.s32 $0x1;
	s17 =	simm.s32 $0x6800;
	s18 =	simm.s32 $0x1380  }
0x6: {  	s19 =	simm.s32 $0x2700;
	s20 =	simm.s32 $0x2780;
	s6 =	smul.u32 $0x500, s1  }
0x7: {  	[smem:$0x7FF] =	sst s3;
	s8 =	sand.u32 $0x1, s4;
	s12 =	smul.u32 $0x50000, s1  }
0x8: {  	s4 =	sadd.s32 $0xF000, s7;
	s5 =	sadd.s32 $0x37000, s7;
	s24 =	smul.u32 $0x2800, s1  }
0x9: {  	s31 =	sshll.u32 s1, $0x6;
	_ =	strace $0x8000004D;
	s9 =	smul.u32 $0x28000, s8  }
0xa: {  	s11 =	ssub.s32 $0x2, s8;
	p0 =	seq.s32 s8, $0x1;
	s10 =	sadd.s32 s6, s7  }
0xb: {  	s6 =	sadd.s32 $0xFFC00, s7;
	s29 =	sshrl.u32 s11, $0x1;
	s30 =	sshrl.u32 s12, $0x2  }
.Ltmp0:
0xc: {  	s13 =	sadd.s32 s9, s7;
	s11 =	ssub.s32 s11, s29;
	(pc) =	sbr.rel .LBB2_1-.Ltmp0, $4  }
0xd: {  	s12 =	sadd.s32 s30, s2;
	s7 =	sor.u32 $0x1C02, s31;
	s8 =	sadd.s32 $0xA000, s10  }
0xe: {  	s9 =	sadd.s32 $0x5000, s10;
	s23 =	sadd.s32 $0x102400, s13;
	s10 =	smax.u32 s11, $0x1  }
0xf: {  	s11 =	sshrl.u32 s12, $0x3;
	s12 =	simm.s32 $0x2;
	s13 =	simm.s32 $0x1400  }
0x10: {  	s21 =	sadd.s32 $0x280, s8;
	s22 =	sadd.s32 $0x280, s9;
	s23 =	sadd.s32 s24, s23  }
.LBB2_11:
0x11: {  	[sflag:s12] =	ssyncadd.s32 $0xFFFFC000  }
0x12: {  	_ =	swait.ge [sflag:s16], $0x4000  }
0x13: {  	[sflag:s16] =	ssyncset.done $0x0  }
0x14: {  	[sflag:s16] =	ssyncadd.s32 $0xFFFFC000  }
0x15: {  	[tilespmem:s17], [sflag:$0x1] =	stream.indirect.gather [hbm4b:s5+s14], $0x80, s18, s14, $0xb8;
	[tilespmem:$0x1E800] =	vst v63  }
0x16: {  	_ = 	snop  }
0x17: {  	[spmem:s2] =	stream.indirect.scatter.add.f32 [tilespmem:s15], [sflag:$0x2], $0x80, s19, s14, $0xb8;
	[tilespmem:$0x1E800] =	vst v63  }
0x18: {  	_ =	swait.ge [sflag:s12], $0x4000  }
0x19: {  	[sflag:s12] =	ssyncset.done $0x0  }
0x1a: {  	[sflag:s12] =	ssyncadd.s32 $0xFFFFC000  }
0x1b: {  	_ =	swait.ge [sflag:s16], $0x4000  }
0x1c: {  	[sflag:s16] =	ssyncset.done $0x0  }
0x1d: {  	[sflag:s16] =	ssyncadd.s32 $0xFFFFC000  }
0x1e: {  	[spmem:s2] =	stream.indirect.scatter.add.f32 [tilespmem:s17], [sflag:$0x2], $0x80, s20, s14, $0xb8;
	[tilespmem:$0x1E800] =	vst v63  }
0x1f: {  	_ =	swait.ge [sflag:s12], $0x4000  }
0x20: {  	[sflag:s12] =	ssyncset.done $0x0  }
0x21: {  	[sflag:s12] =	ssyncadd.s32 $0xFFFFC000  }
.LBB2_12:
0x22: {  	s3 =	sadd.s32 $0x1, s3  }
0x23: {  	p1 =	sne.s32 s3, s10  }
.Ltmp1:
0x24: {  	[bflag:$0x0] =	sbarrier.arrive $0xFFFF;
	(pc) =	sbr.rel @!p1 .LBB2_13-.Ltmp1, $4  }
0x25: {  	[hbm:s23], [sflag:s7] =	dma.local [spmem:s11], $0x2800  }
0x26: {  	_ =	swait.ge [sflag:s12], $0x2800  }
0x27: {  	[sflag:s12] =	ssyncset.done $0x0  }
0x28: {  	[sflag:s12] =	ssyncadd.s32 $0xFFFFD800  }
.LBB2_1:
0x29: {  	[spmem:s11], [sflag:s7] =	dma.local [hbm:s6], $0x2800  }
.Ltmp2:
0x2a: {  	_ =	swait.ge [sflag:s12], $0x2800;
	(pc) =	sbr.rel @!p0 .LBB2_2-.Ltmp2, $4  }
0x2b: {  	[sflag:s12] =	ssyncset.done $0x0  }
0x2c: {  	[sflag:s12] =	ssyncadd.s32 $0xFFFFD800  }
0x2d: {  	[bflag:$0x0] =	sbarrier.arrive $0xFFFF  }
0x2e: {  	s24 =	simm.s32 $0x0  }
0x2f: {  	[tilespmem:s24], [sflag:$0x2] =	stream.linear.gather [hbm4b:s8+s24], $0x1400, $0x38;
	[tilespmem:$0x1E800] =	vst v63  }
0x30: {  	_ =	swait.ge [sflag:s12], $0x1400  }
0x31: {  	[sflag:s12] =	ssyncset.done $0x0  }
0x32: {  	[sflag:s12] =	ssyncadd.s32 $0xFFFFEC00  }
0x33: {  	[tilespmem:s13], [sflag:$0x2] =	stream.linear.gather [hbm4b:s9+s24], $0x1400, $0x38;
	[tilespmem:$0x1E800] =	vst v63  }
0x34: {  	_ =	swait.ge [sflag:s12], $0x1400  }
0x35: {  	[sflag:s12] =	ssyncset.done $0x0  }
0x36: {  	[sflag:s12] =	ssyncadd.s32 $0xFFFFEC00  }
0x37: {  	[tilespmem:s15], [sflag:$0x1] =	stream.indirect.gather [hbm4b:s5+s14], $0x80, s24, s14, $0xb8;
	[tilespmem:$0x1E800] =	vst v63  }
0x38: {  	_ =	swait.ge [sflag:s16], $0x4000  }
0x39: {  	[sflag:s16] =	ssyncset.done $0x0  }
0x3a: {  	s28 =	simm.s32 $0x80;
	[sflag:s16] =	ssyncadd.s32 $0xFFFFC000  }
0x3b: {  	[tilespmem:s17], [sflag:$0x1] =	stream.indirect.gather [hbm4b:s5+s14], $0x80, s28, s14, $0xb8;
	[tilespmem:$0x1E800] =	vst v63  }
0x3c: {  	s29 =	simm.s32 $0x1400  }
0x3d: {  	[spmem:s2] =	stream.indirect.scatter.add.f32 [tilespmem:s15], [sflag:$0x2], $0x80, s29, s14, $0xb8;
	[tilespmem:$0x1E800] =	vst v63  }
0x3e: {  	_ =	swait.ge [sflag:s12], $0x4000  }
0x3f: {  	[sflag:s12] =	ssyncset.done $0x0  }
0x40: {  	[sflag:s12] =	ssyncadd.s32 $0xFFFFC000  }
0x41: {  	_ =	swait.ge [sflag:s16], $0x4000  }
0x42: {  	[sflag:s16] =	ssyncset.done $0x0  }
0x43: {  	s30 =	simm.s32 $0x100;
	[sflag:s16] =	ssyncadd.s32 $0xFFFFC000  }
0x44: {  	[tilespmem:s15], [sflag:$0x1] =	stream.indirect.gather [hbm4b:s5+s14], $0x80, s30, s14, $0xb8;
	[tilespmem:$0x1E800] =	vst v63  }
0x45: {  	s31 =	simm.s32 $0x1480  }
0x46: {  	[spmem:s2] =	stream.indirect.scatter.add.f32 [tilespmem:s17], [sflag:$0x2], $0x80, s31, s14, $0xb8;
	[tilespmem:$0x1E800] =	vst v63  }
0x47: {  	_ =	swait.ge [sflag:s12], $0x4000  }
0x48: {  	s24 =	simm.s32 $0x400;
	[sflag:s12] =	ssyncset.done $0x0  }
.LBB2_8:
0x49: {  	p1 =	sne.s32 s24, $0x4800  }
0x4a: {  	[sflag:s12] =	ssyncadd.s32 $0xFFFFC000;
	s25 =	smov.u32 s24;
	s24 =	sadd.s32 $0x400, s24  }
0x4b: {  	_ = 	snop  }
0x4c: {  	_ =	swait.ge [sflag:s16], $0x4000  }
0x4d: {  	s25 =	sshra.s32 s25, $0x2;
	[sflag:s16] =	ssyncset.done $0x0  }
0x4e: {  	s26 =	sadd.s32 $0x80, s25;
	[sflag:s16] =	ssyncadd.s32 $0xFFFFC000  }
0x4f: {  	[tilespmem:s17], [sflag:$0x1] =	stream.indirect.gather [hbm4b:s5+s14], $0x80, s26, s14, $0xb8;
	[tilespmem:$0x1E800] =	vst v63  }
0x50: {  	s26 =	sadd.s32 $0x1400, s25  }
0x51: {  	[spmem:s2] =	stream.indirect.scatter.add.f32 [tilespmem:s15], [sflag:$0x2], $0x80, s26, s14, $0xb8;
	[tilespmem:$0x1E800] =	vst v63  }
0x52: {  	_ =	swait.ge [sflag:s12], $0x4000  }
0x53: {  	[sflag:s12] =	ssyncset.done $0x0  }
0x54: {  	[sflag:s12] =	ssyncadd.s32 $0xFFFFC000  }
0x55: {  	_ =	swait.ge [sflag:s16], $0x4000  }
0x56: {  	[sflag:s16] =	ssyncset.done $0x0  }
0x57: {  	s26 =	sadd.s32 $0x100, s25;
	[sflag:s16] =	ssyncadd.s32 $0xFFFFC000  }
0x58: {  	[tilespmem:s15], [sflag:$0x1] =	stream.indirect.gather [hbm4b:s5+s14], $0x80, s26, s14, $0xb8;
	[tilespmem:$0x1E800] =	vst v63  }
.Ltmp3:
0x59: {  	_ = 	snop;
	(pc) =	sbr.rel @p1 .LBB2_8-.Ltmp3, $4  }
0x5a: {  	s25 =	sadd.s32 $0x1480, s25  }
0x5b: {  	[spmem:s2] =	stream.indirect.scatter.add.f32 [tilespmem:s17], [sflag:$0x2], $0x80, s25, s14, $0xb8;
	[tilespmem:$0x1E800] =	vst v63  }
0x5c: {  	_ =	swait.ge [sflag:s12], $0x4000  }
0x5d: {  	[sflag:s12] =	ssyncset.done $0x0  }
0x5e: {  	[sflag:s12] =	ssyncadd.s32 $0xFFFFC000  }
0x5f: {  	_ =	swait.ge [sflag:s16], $0x4000  }
0x60: {  	[sflag:s16] =	ssyncset.done $0x0  }
0x61: {  	[sflag:s16] =	ssyncadd.s32 $0xFFFFC000  }
0x62: {  	[tilespmem:s17], [sflag:$0x1] =	stream.indirect.gather [hbm4b:s5+s14], $0x80, s18, s14, $0xb8;
	[tilespmem:$0x1E800] =	vst v63  }
0x63: {  	_ = 	snop  }
0x64: {  	[spmem:s2] =	stream.indirect.scatter.add.f32 [tilespmem:s15], [sflag:$0x2], $0x80, s19, s14, $0xb8;
	[tilespmem:$0x1E800] =	vst v63  }
0x65: {  	_ =	swait.ge [sflag:s12], $0x4000  }
0x66: {  	[sflag:s12] =	ssyncset.done $0x0  }
0x67: {  	[sflag:s12] =	ssyncadd.s32 $0xFFFFC000  }
0x68: {  	_ =	swait.ge [sflag:s16], $0x4000  }
0x69: {  	[sflag:s16] =	ssyncset.done $0x0  }
0x6a: {  	[sflag:s16] =	ssyncadd.s32 $0xFFFFC000  }
0x6b: {  	[spmem:s2] =	stream.indirect.scatter.add.f32 [tilespmem:s17], [sflag:$0x2], $0x80, s20, s14, $0xb8;
	[tilespmem:$0x1E800] =	vst v63  }
0x6c: {  	_ =	swait.ge [sflag:s12], $0x4000  }
0x6d: {  	[sflag:s12] =	ssyncset.done $0x0  }
0x6e: {  	s24 =	simm.s32 $0x0;
	[sflag:s12] =	ssyncadd.s32 $0xFFFFC000  }
0x6f: {  	[tilespmem:s24], [sflag:$0x2] =	stream.linear.gather [hbm4b:s21+s24], $0x1400, $0x38;
	[tilespmem:$0x1E800] =	vst v63  }
0x70: {  	_ =	swait.ge [sflag:s12], $0x1400  }
0x71: {  	[sflag:s12] =	ssyncset.done $0x0  }
0x72: {  	[sflag:s12] =	ssyncadd.s32 $0xFFFFEC00  }
0x73: {  	[tilespmem:s13], [sflag:$0x2] =	stream.linear.gather [hbm4b:s22+s24], $0x1400, $0x38;
	[tilespmem:$0x1E800] =	vst v63  }
0x74: {  	_ =	swait.ge [sflag:s12], $0x1400  }
0x75: {  	[sflag:s12] =	ssyncset.done $0x0  }
0x76: {  	[sflag:s12] =	ssyncadd.s32 $0xFFFFEC00  }
0x77: {  	[tilespmem:s15], [sflag:$0x1] =	stream.indirect.gather [hbm4b:s5+s14], $0x80, s24, s14, $0xb8;
	[tilespmem:$0x1E800] =	vst v63  }
0x78: {  	_ =	swait.ge [sflag:s16], $0x4000  }
0x79: {  	[sflag:s16] =	ssyncset.done $0x0  }
0x7a: {  	s28 =	simm.s32 $0x80;
	[sflag:s16] =	ssyncadd.s32 $0xFFFFC000  }
0x7b: {  	[tilespmem:s17], [sflag:$0x1] =	stream.indirect.gather [hbm4b:s5+s14], $0x80, s28, s14, $0xb8;
	[tilespmem:$0x1E800] =	vst v63  }
0x7c: {  	s29 =	simm.s32 $0x1400  }
0x7d: {  	[spmem:s2] =	stream.indirect.scatter.add.f32 [tilespmem:s15], [sflag:$0x2], $0x80, s29, s14, $0xb8;
	[tilespmem:$0x1E800] =	vst v63  }
0x7e: {  	_ =	swait.ge [sflag:s12], $0x4000  }
0x7f: {  	[sflag:s12] =	ssyncset.done $0x0  }
0x80: {  	[sflag:s12] =	ssyncadd.s32 $0xFFFFC000  }
0x81: {  	_ =	swait.ge [sflag:s16], $0x4000  }
0x82: {  	[sflag:s16] =	ssyncset.done $0x0  }
0x83: {  	s30 =	simm.s32 $0x100;
	[sflag:s16] =	ssyncadd.s32 $0xFFFFC000  }
0x84: {  	[tilespmem:s15], [sflag:$0x1] =	stream.indirect.gather [hbm4b:s5+s14], $0x80, s30, s14, $0xb8;
	[tilespmem:$0x1E800] =	vst v63  }
0x85: {  	s31 =	simm.s32 $0x1480  }
0x86: {  	[spmem:s2] =	stream.indirect.scatter.add.f32 [tilespmem:s17], [sflag:$0x2], $0x80, s31, s14, $0xb8;
	[tilespmem:$0x1E800] =	vst v63  }
0x87: {  	_ =	swait.ge [sflag:s12], $0x4000  }
0x88: {  	s24 =	simm.s32 $0x400;
	[sflag:s12] =	ssyncset.done $0x0  }
.LBB2_10:
0x89: {  	p1 =	sne.s32 s24, $0x4800  }
0x8a: {  	[sflag:s12] =	ssyncadd.s32 $0xFFFFC000;
	s25 =	smov.u32 s24;
	s24 =	sadd.s32 $0x400, s24  }
0x8b: {  	_ = 	snop  }
0x8c: {  	_ =	swait.ge [sflag:s16], $0x4000  }
0x8d: {  	s25 =	sshra.s32 s25, $0x2;
	[sflag:s16] =	ssyncset.done $0x0  }
0x8e: {  	s26 =	sadd.s32 $0x80, s25;
	[sflag:s16] =	ssyncadd.s32 $0xFFFFC000  }
0x8f: {  	[tilespmem:s17], [sflag:$0x1] =	stream.indirect.gather [hbm4b:s5+s14], $0x80, s26, s14, $0xb8;
	[tilespmem:$0x1E800] =	vst v63  }
0x90: {  	s26 =	sadd.s32 $0x1400, s25  }
0x91: {  	[spmem:s2] =	stream.indirect.scatter.add.f32 [tilespmem:s15], [sflag:$0x2], $0x80, s26, s14, $0xb8;
	[tilespmem:$0x1E800] =	vst v63  }
0x92: {  	_ =	swait.ge [sflag:s12], $0x4000  }
0x93: {  	[sflag:s12] =	ssyncset.done $0x0  }
0x94: {  	[sflag:s12] =	ssyncadd.s32 $0xFFFFC000  }
0x95: {  	_ =	swait.ge [sflag:s16], $0x4000  }
0x96: {  	[sflag:s16] =	ssyncset.done $0x0  }
0x97: {  	s26 =	sadd.s32 $0x100, s25;
	[sflag:s16] =	ssyncadd.s32 $0xFFFFC000  }
0x98: {  	[tilespmem:s15], [sflag:$0x1] =	stream.indirect.gather [hbm4b:s5+s14], $0x80, s26, s14, $0xb8;
	[tilespmem:$0x1E800] =	vst v63  }
.Ltmp4:
0x99: {  	_ = 	snop;
	(pc) =	sbr.rel @p1 .LBB2_10-.Ltmp4, $4  }
0x9a: {  	s25 =	sadd.s32 $0x1480, s25  }
0x9b: {  	[spmem:s2] =	stream.indirect.scatter.add.f32 [tilespmem:s17], [sflag:$0x2], $0x80, s25, s14, $0xb8;
	[tilespmem:$0x1E800] =	vst v63  }
0x9c: {  	_ =	swait.ge [sflag:s12], $0x4000  }
0x9d: {  	[sflag:s12] =	ssyncset.done $0x0  }
.Ltmp5:
0x9e: {  	_ = 	snop;
	(pc) =	sbr.rel .LBB2_11-.Ltmp5, $1  }
0x9f: {  	_ =	sdelay $0x3  }
.LBB2_2:
0xa0: {  	[tilespmem:s24], [sflag:$0x2] =	stream.linear.gather [hbm4b:s8+s24], $0x1400, $0x38;
	[tilespmem:$0x1E800] =	vst v63  }
0xa1: {  	_ =	swait.ge [sflag:s12], $0x1400  }
0xa2: {  	[sflag:s12] =	ssyncset.done $0x0  }
0xa3: {  	[sflag:s12] =	ssyncadd.s32 $0xFFFFEC00  }
0xa4: {  	[tilespmem:s13], [sflag:$0x2] =	stream.linear.gather [hbm4b:s9+s24], $0x1400, $0x38;
	[tilespmem:$0x1E800] =	vst v63  }
0xa5: {  	_ =	swait.ge [sflag:s12], $0x1400  }
0xa6: {  	[sflag:s12] =	ssyncset.done $0x0  }
0xa7: {  	[sflag:s12] =	ssyncadd.s32 $0xFFFFEC00  }
0xa8: {  	[tilespmem:s15], [sflag:$0x1] =	stream.indirect.gather [hbm4b:s4+s14], $0x80, s24, s14, $0xb8;
	[tilespmem:$0x1E800] =	vst v63  }
0xa9: {  	_ =	swait.ge [sflag:s16], $0x4000  }
0xaa: {  	[sflag:s16] =	ssyncset.done $0x0  }
0xab: {  	s28 =	simm.s32 $0x80;
	[sflag:s16] =	ssyncadd.s32 $0xFFFFC000  }
0xac: {  	[tilespmem:s17], [sflag:$0x1] =	stream.indirect.gather [hbm4b:s4+s14], $0x80, s28, s14, $0xb8;
	[tilespmem:$0x1E800] =	vst v63  }
0xad: {  	s29 =	simm.s32 $0x1400  }
0xae: {  	[spmem:s2] =	stream.indirect.scatter.add.f32 [tilespmem:s15], [sflag:$0x2], $0x80, s29, s14, $0xb8;
	[tilespmem:$0x1E800] =	vst v63  }
0xaf: {  	_ =	swait.ge [sflag:s12], $0x4000  }
0xb0: {  	[sflag:s12] =	ssyncset.done $0x0  }
0xb1: {  	[sflag:s12] =	ssyncadd.s32 $0xFFFFC000  }
0xb2: {  	_ =	swait.ge [sflag:s16], $0x4000  }
0xb3: {  	[sflag:s16] =	ssyncset.done $0x0  }
0xb4: {  	s30 =	simm.s32 $0x100;
	[sflag:s16] =	ssyncadd.s32 $0xFFFFC000  }
0xb5: {  	[tilespmem:s15], [sflag:$0x1] =	stream.indirect.gather [hbm4b:s4+s14], $0x80, s30, s14, $0xb8;
	[tilespmem:$0x1E800] =	vst v63  }
0xb6: {  	s31 =	simm.s32 $0x1480  }
0xb7: {  	[spmem:s2] =	stream.indirect.scatter.add.f32 [tilespmem:s17], [sflag:$0x2], $0x80, s31, s14, $0xb8;
	[tilespmem:$0x1E800] =	vst v63  }
0xb8: {  	_ =	swait.ge [sflag:s12], $0x4000  }
0xb9: {  	s24 =	simm.s32 $0x400;
	[sflag:s12] =	ssyncset.done $0x0  }
.LBB2_3:
0xba: {  	p1 =	sne.s32 s24, $0x4800  }
0xbb: {  	[sflag:s12] =	ssyncadd.s32 $0xFFFFC000;
	s25 =	smov.u32 s24;
	s24 =	sadd.s32 $0x400, s24  }
0xbc: {  	_ = 	snop  }
0xbd: {  	_ =	swait.ge [sflag:s16], $0x4000  }
0xbe: {  	s25 =	sshra.s32 s25, $0x2;
	[sflag:s16] =	ssyncset.done $0x0  }
0xbf: {  	s26 =	sadd.s32 $0x80, s25;
	[sflag:s16] =	ssyncadd.s32 $0xFFFFC000  }
0xc0: {  	[tilespmem:s17], [sflag:$0x1] =	stream.indirect.gather [hbm4b:s4+s14], $0x80, s26, s14, $0xb8;
	[tilespmem:$0x1E800] =	vst v63  }
0xc1: {  	s26 =	sadd.s32 $0x1400, s25  }
0xc2: {  	[spmem:s2] =	stream.indirect.scatter.add.f32 [tilespmem:s15], [sflag:$0x2], $0x80, s26, s14, $0xb8;
	[tilespmem:$0x1E800] =	vst v63  }
0xc3: {  	_ =	swait.ge [sflag:s12], $0x4000  }
0xc4: {  	[sflag:s12] =	ssyncset.done $0x0  }
0xc5: {  	[sflag:s12] =	ssyncadd.s32 $0xFFFFC000  }
0xc6: {  	_ =	swait.ge [sflag:s16], $0x4000  }
0xc7: {  	[sflag:s16] =	ssyncset.done $0x0  }
0xc8: {  	s26 =	sadd.s32 $0x100, s25;
	[sflag:s16] =	ssyncadd.s32 $0xFFFFC000  }
0xc9: {  	[tilespmem:s15], [sflag:$0x1] =	stream.indirect.gather [hbm4b:s4+s14], $0x80, s26, s14, $0xb8;
	[tilespmem:$0x1E800] =	vst v63  }
.Ltmp6:
0xca: {  	_ = 	snop;
	(pc) =	sbr.rel @p1 .LBB2_3-.Ltmp6, $4  }
0xcb: {  	s25 =	sadd.s32 $0x1480, s25  }
0xcc: {  	[spmem:s2] =	stream.indirect.scatter.add.f32 [tilespmem:s17], [sflag:$0x2], $0x80, s25, s14, $0xb8;
	[tilespmem:$0x1E800] =	vst v63  }
0xcd: {  	_ =	swait.ge [sflag:s12], $0x4000  }
0xce: {  	[sflag:s12] =	ssyncset.done $0x0  }
0xcf: {  	[sflag:s12] =	ssyncadd.s32 $0xFFFFC000  }
0xd0: {  	_ =	swait.ge [sflag:s16], $0x4000  }
0xd1: {  	[sflag:s16] =	ssyncset.done $0x0  }
0xd2: {  	[sflag:s16] =	ssyncadd.s32 $0xFFFFC000  }
0xd3: {  	[tilespmem:s17], [sflag:$0x1] =	stream.indirect.gather [hbm4b:s4+s14], $0x80, s18, s14, $0xb8;
	[tilespmem:$0x1E800] =	vst v63  }
0xd4: {  	_ = 	snop  }
0xd5: {  	[spmem:s2] =	stream.indirect.scatter.add.f32 [tilespmem:s15], [sflag:$0x2], $0x80, s19, s14, $0xb8;
	[tilespmem:$0x1E800] =	vst v63  }
0xd6: {  	_ =	swait.ge [sflag:s12], $0x4000  }
0xd7: {  	[sflag:s12] =	ssyncset.done $0x0  }
0xd8: {  	[sflag:s12] =	ssyncadd.s32 $0xFFFFC000  }
0xd9: {  	_ =	swait.ge [sflag:s16], $0x4000  }
0xda: {  	[sflag:s16] =	ssyncset.done $0x0  }
0xdb: {  	[sflag:s16] =	ssyncadd.s32 $0xFFFFC000  }
0xdc: {  	[spmem:s2] =	stream.indirect.scatter.add.f32 [tilespmem:s17], [sflag:$0x2], $0x80, s20, s14, $0xb8;
	[tilespmem:$0x1E800] =	vst v63  }
0xdd: {  	_ =	swait.ge [sflag:s12], $0x4000  }
0xde: {  	[sflag:s12] =	ssyncset.done $0x0  }
0xdf: {  	s24 =	simm.s32 $0x0;
	[sflag:s12] =	ssyncadd.s32 $0xFFFFC000  }
0xe0: {  	[tilespmem:s24], [sflag:$0x2] =	stream.linear.gather [hbm4b:s21+s24], $0x1400, $0x38;
	[tilespmem:$0x1E800] =	vst v63  }
0xe1: {  	_ =	swait.ge [sflag:s12], $0x1400  }
0xe2: {  	[sflag:s12] =	ssyncset.done $0x0  }
0xe3: {  	[sflag:s12] =	ssyncadd.s32 $0xFFFFEC00  }
0xe4: {  	[tilespmem:s13], [sflag:$0x2] =	stream.linear.gather [hbm4b:s22+s24], $0x1400, $0x38;
	[tilespmem:$0x1E800] =	vst v63  }
0xe5: {  	_ =	swait.ge [sflag:s12], $0x1400  }
0xe6: {  	[sflag:s12] =	ssyncset.done $0x0  }
0xe7: {  	[sflag:s12] =	ssyncadd.s32 $0xFFFFEC00  }
0xe8: {  	[tilespmem:s15], [sflag:$0x1] =	stream.indirect.gather [hbm4b:s4+s14], $0x80, s24, s14, $0xb8;
	[tilespmem:$0x1E800] =	vst v63  }
0xe9: {  	_ =	swait.ge [sflag:s16], $0x4000  }
0xea: {  	[sflag:s16] =	ssyncset.done $0x0  }
0xeb: {  	s28 =	simm.s32 $0x80;
	[sflag:s16] =	ssyncadd.s32 $0xFFFFC000  }
0xec: {  	[tilespmem:s17], [sflag:$0x1] =	stream.indirect.gather [hbm4b:s4+s14], $0x80, s28, s14, $0xb8;
	[tilespmem:$0x1E800] =	vst v63  }
0xed: {  	s29 =	simm.s32 $0x1400  }
0xee: {  	[spmem:s2] =	stream.indirect.scatter.add.f32 [tilespmem:s15], [sflag:$0x2], $0x80, s29, s14, $0xb8;
	[tilespmem:$0x1E800] =	vst v63  }
0xef: {  	_ =	swait.ge [sflag:s12], $0x4000  }
0xf0: {  	[sflag:s12] =	ssyncset.done $0x0  }
0xf1: {  	[sflag:s12] =	ssyncadd.s32 $0xFFFFC000  }
0xf2: {  	_ =	swait.ge [sflag:s16], $0x4000  }
0xf3: {  	[sflag:s16] =	ssyncset.done $0x0  }
0xf4: {  	s30 =	simm.s32 $0x100;
	[sflag:s16] =	ssyncadd.s32 $0xFFFFC000  }
0xf5: {  	[tilespmem:s15], [sflag:$0x1] =	stream.indirect.gather [hbm4b:s4+s14], $0x80, s30, s14, $0xb8;
	[tilespmem:$0x1E800] =	vst v63  }
0xf6: {  	s31 =	simm.s32 $0x1480  }
0xf7: {  	[spmem:s2] =	stream.indirect.scatter.add.f32 [tilespmem:s17], [sflag:$0x2], $0x80, s31, s14, $0xb8;
	[tilespmem:$0x1E800] =	vst v63  }
0xf8: {  	_ =	swait.ge [sflag:s12], $0x4000  }
0xf9: {  	s24 =	simm.s32 $0x400;
	[sflag:s12] =	ssyncset.done $0x0  }
.LBB2_5:
0xfa: {  	p1 =	sne.s32 s24, $0x4800  }
0xfb: {  	[sflag:s12] =	ssyncadd.s32 $0xFFFFC000;
	s25 =	smov.u32 s24;
	s24 =	sadd.s32 $0x400, s24  }
0xfc: {  	_ = 	snop  }
0xfd: {  	_ =	swait.ge [sflag:s16], $0x4000  }
0xfe: {  	s25 =	sshra.s32 s25, $0x2;
	[sflag:s16] =	ssyncset.done $0x0  }
0xff: {  	s26 =	sadd.s32 $0x80, s25;
	[sflag:s16] =	ssyncadd.s32 $0xFFFFC000  }
0x100: {  	[tilespmem:s17], [sflag:$0x1] =	stream.indirect.gather [hbm4b:s4+s14], $0x80, s26, s14, $0xb8;
	[tilespmem:$0x1E800] =	vst v63  }
0x101: {  	s26 =	sadd.s32 $0x1400, s25  }
0x102: {  	[spmem:s2] =	stream.indirect.scatter.add.f32 [tilespmem:s15], [sflag:$0x2], $0x80, s26, s14, $0xb8;
	[tilespmem:$0x1E800] =	vst v63  }
0x103: {  	_ =	swait.ge [sflag:s12], $0x4000  }
0x104: {  	[sflag:s12] =	ssyncset.done $0x0  }
0x105: {  	[sflag:s12] =	ssyncadd.s32 $0xFFFFC000  }
0x106: {  	_ =	swait.ge [sflag:s16], $0x4000  }
0x107: {  	[sflag:s16] =	ssyncset.done $0x0  }
0x108: {  	s26 =	sadd.s32 $0x100, s25;
	[sflag:s16] =	ssyncadd.s32 $0xFFFFC000  }
0x109: {  	[tilespmem:s15], [sflag:$0x1] =	stream.indirect.gather [hbm4b:s4+s14], $0x80, s26, s14, $0xb8;
	[tilespmem:$0x1E800] =	vst v63  }
.Ltmp7:
0x10a: {  	_ = 	snop;
	(pc) =	sbr.rel @p1 .LBB2_5-.Ltmp7, $4  }
0x10b: {  	s25 =	sadd.s32 $0x1480, s25  }
0x10c: {  	[spmem:s2] =	stream.indirect.scatter.add.f32 [tilespmem:s17], [sflag:$0x2], $0x80, s25, s14, $0xb8;
	[tilespmem:$0x1E800] =	vst v63  }
0x10d: {  	_ =	swait.ge [sflag:s12], $0x4000  }
0x10e: {  	[sflag:s12] =	ssyncset.done $0x0  }
0x10f: {  	[sflag:s12] =	ssyncadd.s32 $0xFFFFC000  }
0x110: {  	_ =	swait.ge [sflag:s16], $0x4000  }
0x111: {  	[sflag:s16] =	ssyncset.done $0x0  }
0x112: {  	[sflag:s16] =	ssyncadd.s32 $0xFFFFC000  }
0x113: {  	[tilespmem:s17], [sflag:$0x1] =	stream.indirect.gather [hbm4b:s4+s14], $0x80, s18, s14, $0xb8;
	[tilespmem:$0x1E800] =	vst v63  }
0x114: {  	_ = 	snop  }
0x115: {  	[spmem:s2] =	stream.indirect.scatter.add.f32 [tilespmem:s15], [sflag:$0x2], $0x80, s19, s14, $0xb8;
	[tilespmem:$0x1E800] =	vst v63  }
0x116: {  	_ =	swait.ge [sflag:s12], $0x4000  }
0x117: {  	[sflag:s12] =	ssyncset.done $0x0  }
0x118: {  	[sflag:s12] =	ssyncadd.s32 $0xFFFFC000  }
0x119: {  	_ =	swait.ge [sflag:s16], $0x4000  }
0x11a: {  	[sflag:s16] =	ssyncset.done $0x0  }
.Ltmp8:
0x11b: {  	[sflag:s16] =	ssyncadd.s32 $0xFFFFC000;
	(pc) =	sbr.rel .LBB2_12-.Ltmp8, $4  }
0x11c: {  	[spmem:s2] =	stream.indirect.scatter.add.f32 [tilespmem:s17], [sflag:$0x2], $0x80, s20, s14, $0xb8;
	[tilespmem:$0x1E800] =	vst v63  }
0x11d: {  	_ =	swait.ge [sflag:s12], $0x4000  }
0x11e: {  	[sflag:s12] =	ssyncset.done $0x0  }
0x11f: {  	[sflag:s12] =	ssyncadd.s32 $0xFFFFC000  }
.LBB2_13:
0x120: {  	_ =	sfence.sel $0x180000  }
0x121: {  	[bflag:$0x0] =	sbarrier.arrive $0xFFFF  }
0x122: {  	p0 =	sne.s32 s1, $0x0;
	_ =	strace $0x9000004D  }
0x123: {  	s0 =	sadd.s32 @!p0 $0x100000, s0;
	[bflag:$0x2] =	sbarrier.arrive $0xFFFF  }
0x124: {  	[sflag:s0] =	ssyncadd.tile.s32 @!p0 $0x1;
	_ =	shalt  }
.Lfunc_end2:
_tile_overlayer_lowered:
.L_overlay_start_2:
0x125: {  	(tag) =	ssettag $0x2  }
0x126: {  	s0 =	rddreg [dreg:$0x0];
	s2 =	stileid.u32  }
0x127: {  	s1 =	rddreg [dreg:$0x1];
	p0 =	sne.s32 s2, $0x0  }
0x128: {  	s3 =	rddreg [dreg:$0x2];
	[bflag:$0x3] =	sbarrier.arrive $0xFFFF;
	s2 =	simm.s32 @!p0 $0x1C02  }
0x129: {  	[timem:s3], [sflag:s2] =	dma.local @!p0 [hbm:s0], s1  }
0x12a: {  	s0 =	simm.s32 @!p0 $0x2  }
0x12b: {  	_ =	swait.ge @!p0 [sflag:s0], s1  }
0x12c: {  	s1 =	ssub.s32 @!p0 $0x0, s1;
	[sflag:s0] =	ssyncset.done @!p0 $0x0  }
0x12d: {  	[sflag:s0] =	ssyncadd.s32 @!p0 s1  }
0x12e: {  	[bflag:$0x3] =	sbarrier.arrive $0xFFFF  }
0x12f: {  	_ =	shalt  }

// kernel: kernel.19.cloned.1.call-start
scs
__scs_entry_jumppad:
0x0: {  	(pc) =	sbr.rel $0x88, $3  }
0x1: {  	(tag) =	ssettag $0x0;
	lr =	simm.s32 $0x1  }
0x2: {  	[smem:$0x3F92] =	sst lr;
	_ =	strace $0xD0000000  }
0x3: {  	_ = 	snop  }
0x4: {  	_ = 	snop  }
0x5: {  	_ = 	snop  }
0x6: {  	_ = 	snop  }
0x7: {  	_ = 	snop  }
__scs_overlays_trampoline_lowered:
0x8: {  	[smem:$0x3FA1] =	sst s0  }
0x9: {  	[smem:$0x3FA2] =	sst s1  }
0xa: {  	[smem:$0x3FA3] =	sst s2  }
0xb: {  	[smem:$0x3FA4] =	sst s3  }
0xc: {  	[smem:$0x3FA5] =	sst s4  }
0xd: {  	[smem:$0x3FA6] =	sst s5  }
0xe: {  	[smem:$0x3FA7] =	sst s6  }
0xf: {  	[smem:$0x3FA8] =	sst s7  }
0x10: {  	[smem:$0x3FA9] =	sst s8  }
0x11: {  	[smem:$0x3FAA] =	sst s9;
	s0 =	simm.s32 @!p0 $0x0  }
0x12: {  	s1 =	sld [smem:$0x3F90];
	s0 =	simm.s32 @p0 $0x1  }
0x13: {  	[smem:$0x3FAB] =	sst s0;
	s0 =	simm.s32 @!p1 $0x0  }
0x14: {  	s2 =	sld [smem:$0x3F8F];
	s0 =	simm.s32 @p1 $0x1  }
0x15: {  	[smem:$0x3FAC] =	sst s0;
	s0 =	simm.s32 @!p2 $0x0  }
0x16: {  	s3 =	sld [smem:$0x3FDB];
	s0 =	simm.s32 @p2 $0x1  }
0x17: {  	s4 =	simm.s32 $0x1BF5;
	[smem:$0x3FAE] =	sst s0  }
0x18: {  	s0 =	sld [smem:$0x3F91];
	_ =	swait.ge [sflag:s4], $0x0  }
0x19: {  	s7 =	sld [smem:$0x3F92]  }
0x1a: {  	s8 =	sadd.s32 $0xFFFFE003, lr  }
0x1b: {  	s9 =	sadd.s32 $0xFFFFFEF7, lr;
	s5 =	simm.s32 $0xFFFFFFFF;
	p2 =	slt.u32 s8, $0xFFFFF086  }
0x1c: {  	p1 =	slt.u32 s9, $0xF7A;
	s5 =	simm.s32 @!p2 $0x0  }
0x1d: {  	s5 =	simm.s32 @p1 $0x1;
	p0 =	seq.s32 s7, s2  }
0x1e: {  	s7 =	smul.u32 @!p0 $0xF7A, s2;
	p2 =	seq.s32 @!p0 s5, $0x0  }
0x1f: {  	s9 =	smul.u32 $0xF7A, s1;
	s8 =	simm.s32 @!p0 $0x1BF5;
	p2 =	por !p2, p0  }
0x20: {  	[sflag:s8] =	ssyncset.s32 @!p0 $0xFFFFF086;
	s6 =	sadd.s32 @!p0 s3, s7;
	s7 =	simm.s32 @!p0 $0x108  }
0x21: {  	s3 =	sadd.s32 s3, s9;
	s6 =	sadd.s32 @!p0 $0x88, s6;
	s7 =	simm.s32 @p2 $0x1082  }
0x22: {  	[simem:s7], [sflag:s8] =	dma.local @!p0 [hbm:s6], $0xF7A  }
0x23: {  	s9 =	sor.u32 $0xD0000000, s2;
	s6 =	simm.s32 $0x108;
	_ =	swait.ge @!p0 [sflag:s8], $0x0  }
0x24: {  	s3 =	sadd.s32 $0x88, s3;
	s6 =	simm.s32 @!p1 $0x1082;
	[sflag:s4] =	ssyncset.s32 $0xFFFFF086  }
0x25: {  	[simem:s6], [sflag:s4] =	dma.local [hbm:s3], $0xF7A  }
0x26: {  	[smem:$0x3F92] =	sst s1;
	(tag) =	ssettag s2;
	_ =	strace s9  }
0x27: {  	s1 =	sld [smem:$0x3FA2]  }
0x28: {  	s2 =	sld [smem:$0x3FA3]  }
0x29: {  	s4 =	sld [smem:$0x3FA5]  }
0x2a: {  	p0 =	seq.s32 s5, $0x0;
	s5 =	sld [smem:$0x3FA6]  }
0x2b: {  	s6 =	sld [smem:$0x3FA7]  }
0x2c: {  	s7 =	sld [smem:$0x3FA8]  }
0x2d: {  	s3 =	simm.s32 $0x108;
	s8 =	sld [smem:$0x3FA9]  }
0x2e: {  	s3 =	simm.s32 @!p0 $0x1082;
	s9 =	sld [smem:$0x3FAA]  }
0x2f: {  	lr =	sadd.s32 s0, s3;
	s0 =	sld [smem:$0x3FA1]  }
0x30: {  	s3 =	sld [smem:$0x3FA4]  }
0x31: {  	[smem:$0x3FAD] =	sst s10  }
0x32: {  	s10 =	sld [smem:$0x3FAB];
	_ =	sdelay $0x3  }
0x33: {  	p0 =	seq.s32 s10, $0x1;
	s10 =	sld [smem:$0x3FAD];
	_ =	sdelay $0x3  }
0x34: {  	[smem:$0x3FAD] =	sst s10  }
0x35: {  	s10 =	sld [smem:$0x3FAC];
	_ =	sdelay $0x3  }
0x36: {  	p1 =	seq.s32 s10, $0x1;
	s10 =	sld [smem:$0x3FAD];
	_ =	sdelay $0x3  }
0x37: {  	[smem:$0x3FAD] =	sst s10  }
0x38: {  	s10 =	sld [smem:$0x3FAE]  }
0x39: {  	_ = 	snop;
	(pc) =	sbr.ind lr, $3  }
0x3a: {  	_ = 	snop  }
0x3b: {  	_ = 	snop  }
0x3c: {  	p2 =	seq.s32 s10, $0x1;
	s10 =	sld [smem:$0x3FAD]  }
0x3d: {  	_ =	shalt  }
0x3e: {  	_ =	shalt  }
0x3f: {  	_ =	shalt  }
0x40: {  	_ =	shalt  }
0x41: {  	_ =	shalt  }
0x42: {  	_ =	shalt  }
0x43: {  	_ =	shalt  }
0x44: {  	_ =	shalt  }
0x45: {  	_ =	shalt  }
0x46: {  	_ =	shalt  }
0x47: {  	_ =	shalt  }
0x48: {  	_ =	shalt  }
0x49: {  	_ =	shalt  }
0x4a: {  	_ =	shalt  }
0x4b: {  	_ =	shalt  }
0x4c: {  	_ =	shalt  }
0x4d: {  	_ =	shalt  }
0x4e: {  	_ =	shalt  }
0x4f: {  	_ =	shalt  }
0x50: {  	_ =	shalt  }
0x51: {  	_ =	shalt  }
0x52: {  	_ =	shalt  }
0x53: {  	_ =	shalt  }
0x54: {  	_ =	shalt  }
0x55: {  	_ =	shalt  }
0x56: {  	_ =	shalt  }
0x57: {  	_ =	shalt  }
0x58: {  	_ =	shalt  }
0x59: {  	_ =	shalt  }
0x5a: {  	_ =	shalt  }
0x5b: {  	_ =	shalt  }
0x5c: {  	_ =	shalt  }
0x5d: {  	_ =	shalt  }
0x5e: {  	_ =	shalt  }
0x5f: {  	_ =	shalt  }
0x60: {  	_ =	shalt  }
0x61: {  	_ =	shalt  }
0x62: {  	_ =	shalt  }
0x63: {  	_ =	shalt  }
0x64: {  	_ =	shalt  }
0x65: {  	_ =	shalt  }
0x66: {  	_ =	shalt  }
0x67: {  	_ =	shalt  }
0x68: {  	_ =	shalt  }
0x69: {  	_ =	shalt  }
0x6a: {  	_ =	shalt  }
0x6b: {  	_ =	shalt  }
0x6c: {  	_ =	shalt  }
0x6d: {  	_ =	shalt  }
0x6e: {  	_ =	shalt  }
0x6f: {  	_ =	shalt  }
0x70: {  	_ =	shalt  }
0x71: {  	_ =	shalt  }
0x72: {  	_ =	shalt  }
0x73: {  	_ =	shalt  }
0x74: {  	_ =	shalt  }
0x75: {  	_ =	shalt  }
0x76: {  	_ =	shalt  }
0x77: {  	_ =	shalt  }
0x78: {  	_ =	shalt  }
0x79: {  	_ =	shalt  }
0x7a: {  	_ =	shalt  }
0x7b: {  	_ =	shalt  }
0x7c: {  	_ =	shalt  }
0x7d: {  	_ =	shalt  }
0x7e: {  	_ =	shalt  }
0x7f: {  	_ =	shalt  }
0x80: {  	_ =	shalt  }
0x81: {  	_ =	shalt  }
0x82: {  	_ =	shalt  }
0x83: {  	_ =	shalt  }
0x84: {  	_ =	shalt  }
0x85: {  	_ =	shalt  }
0x86: {  	_ =	shalt  }
0x87: {  	_ =	shalt  }
.Lfunc_end0:
.L_simem_size_0:
called_computation.3_lowered:
.L_overlay_start_0:
0x88: {  	s2 =	sld [smem:$0x3FD9]  }
0x89: {  	s3 =	sld [smem:$0x3FFE];
	_ =	sdelay $0x1  }
0x8a: {  	s1 =	srdreg.scid  }
0x8b: {  	s0 =	sand.u32 $0x1, s1  }
0x8c: {  	s16 =	sshll.u32 s0, $0xA;
	s2 =	sadd.s32 s3, s2  }
0x8d: {  	s2 =	sadd.s32 s2, s16  }
0x8e: {  	[smem:$0x3FB9] =	sst s2  }
0x8f: {  	_ = 	snop  }
0x90: {  	(tm) =	ssettm $0x1  }
0x91: {  	s17 =	sld [smem:$0x3FFB];
	_ =	sdelay $0x3  }
0x92: {  	_ =	strace s17  }
0x93: {  	s2 =	sld [smem:$0x3FFC];
	_ =	sdelay $0x3  }
0x94: {  	_ =	strace s2  }
0x95: {  	s2 =	sld [smem:$0x3FFD];
	_ =	sdelay $0x3  }
0x96: {  	_ =	strace s2  }
0x97: {  	_ =	strace $0x8FFFFFFF  }
0x98: {  	s18 =	sld [smem:$0x3FDB];
	_ =	sdelay $0x1  }
0x99: {  	s19 =	simm.s32 $_scs_section_size  }
0x9a: {  	s4 =	simm.s32 $_size__tile_overlayer_lowered;
	s5 =	simm.s32 $_tile_overlayer_lowered  }
0x9b: {  	s22 =	simm.s32 $0x1BFF;
	s21 =	sshll.u32 s5, $0x1;
	s2 =	sadd.s32 s19, s18  }
0x9c: {  	s6 =	simm.s32 $0x0;
	s20 =	sshll.u32 s4, $0x1;
	s4 =	sadd.s32 s21, s2  }
0x9d: {  	[timem:s6], [sflag:s22] =	dma.local [hbm:s4], s20  }
0x9e: {  	_ =	swait.ge [sflag:s22], s20  }
0x9f: {  	s3 =	ssub.s32 $0x0, s20;
	[sflag:s22] =	ssyncset.done $0x0  }
0xa0: {  	[sflag:s22] =	ssyncadd.s32 s3;
	_ =	sdelay $0x1  }
0xa1: {  	s23 =	simm.s32 $0x1B8B  }
0xa2: {  	_ =	swait.ge [sflag:s23], $0x1  }
0xa3: {  	[sflag:s23] =	ssyncset.done $0x0  }
0xa4: {  	s25 =	simm.s32 $0x1B8E;
	s24 =	sld [smem:$0x3FFE];
	[sflag:s23] =	ssyncadd.s32 $0xFFFFFFFF  }
0xa5: {  	s26 =	simm.s32 $execute0_lowered;
	[smem:$0x3FD2] =	sst s25  }
0xa6: {  	s4 =	sshll.u32 s26, $0x1;
	_ =	strace $0x8000004F;
	[dreg:$0x1] =	wrdreg $0xFFFFFFFF  }
0xa7: {  	s28 =	simm.s32 $_size_execute0_lowered;
	s2 =	sadd.s32 s2, s4;
	[dreg:$0x0] =	wrdreg $0x0  }
0xa8: {  	s4 =	sshll.u32 s28, $0x1;
	[dreg:$0x2] =	wrdreg s2  }
0xa9: {  	[dreg:$0x3] =	wrdreg s4  }
0xaa: {  	[dreg:$0x4] =	wrdreg $0xC0  }
0xab: {  	_ =	task [dreg:s6], $0x5FFFF  }
0xac: {  	[dreg:$0x1] =	wrdreg $0xFFFFFFFF  }
0xad: {  	[dreg:$0x0] =	wrdreg $0x60  }
0xae: {  	[dreg:$0x2] =	wrdreg s24  }
0xaf: {  	[dreg:$0x3] =	wrdreg $0xA8000  }
0xb0: {  	[dreg:$0x4] =	wrdreg $0x9  }
0xb1: {  	_ =	task.clear_ibuf [dreg:s6], $0x5FFFF;
	_ =	strace $0x9000004F  }
0xb2: {  	s29 =	simm.s32 $0x9;
	_ =	strace $0x80000051  }
0xb3: {  	_ =	swait.ge [sflag:s29], $0x1  }
0xb4: {  	[sflag:s29] =	ssyncadd.s32 $0xFFFFFFFF  }
0xb5: {  	_ =	strace $0x90000051  }
0xb6: {  	_ =	sfence  }
0xb7: {  	s30 =	sld [smem:$0x0];
	_ =	sdelay $0x2  }
0xb8: {  	s31 =	sshll.u32 s1, $0xD;
	s1 =	sshrl.u32 s1, $0x2  }
0xb9: {  	s3 =	sand.u32 $0x4000, s31;
	s1 =	sadd.s32 s1, s30  }
0xba: {  	s0 =	sor.u32 s3, s0;
	s1 =	sshll.u32 s1, $0x11  }
0xbb: {  	s0 =	sor.u32 s1, s0  }
0xbc: {  	s0 =	sadd.s32 $0x8F2B, s0  }
0xbd: {  	[sflag:s0] =	ssyncadd.remote.s32 $0x1  }
0xbe: {  	_ =	sfence.sel $0xFFFF  }
0xbf: {  	[dreg:$0x0] =	wrdreg $0xFFFFFFFF;
	(pc) =	sbr.abs _section_cstart, $3  }
0xc0: {  	[dreg:$0x1] =	wrdreg $0xFFFFFFFF  }
0xc1: {  	_ =	task.clear_ibuf [dreg:s6], $0x2FFFF;
	_ =	strace $0x9FFFFFFF  }
0xc2: {  	(tm) =	ssettm $0x7FFFFFFF  }
0xc3: {  	_ =	shalt  }
tec
execute0_lowered:
.L_overlay_start_1:
0x0: {  	(tag) =	ssettag $0x1  }
0x1: {  	s7 =	rddreg [dreg:$0x0]  }
0x2: {  	s2 =	rddreg [dreg:$0x1]  }
0x3: {  	s0 =	rddreg [dreg:$0x2];
	s3 =	simm.s32 $0x0;
	s1 =	stileid.u32  }
0x4: {  	s4 =	srdreg.scid;
	s14 =	simm.s32 $0x80;
	s15 =	simm.s32 $0x2800  }
0x5: {  	s16 =	simm.s32 $0x1;
	s17 =	simm.s32 $0x6800;
	s18 =	simm.s32 $0x1380  }
0x6: {  	s19 =	simm.s32 $0x2700;
	s20 =	simm.s32 $0x2780;
	s6 =	smul.u32 $0x500, s1  }
0x7: {  	[smem:$0x7FF] =	sst s3;
	s8 =	sand.u32 $0x1, s4;
	s12 =	smul.u32 $0x50000, s1  }
0x8: {  	s4 =	sadd.s32 $0xF000, s7;
	s5 =	sadd.s32 $0x37000, s7;
	s24 =	smul.u32 $0x2800, s1  }
0x9: {  	s31 =	sshll.u32 s1, $0x6;
	_ =	strace $0x80000050;
	s9 =	smul.u32 $0x28000, s8  }
0xa: {  	s11 =	ssub.s32 $0x2, s8;
	p0 =	seq.s32 s8, $0x1;
	s10 =	sadd.s32 s6, s7  }
0xb: {  	s6 =	sadd.s32 $0xFFC00, s7;
	s29 =	sshrl.u32 s11, $0x1;
	s30 =	sshrl.u32 s12, $0x2  }
.Ltmp0:
0xc: {  	s13 =	sadd.s32 s9, s7;
	s11 =	ssub.s32 s11, s29;
	(pc) =	sbr.rel .LBB2_1-.Ltmp0, $4  }
0xd: {  	s12 =	sadd.s32 s30, s2;
	s7 =	sor.u32 $0x1C02, s31;
	s8 =	sadd.s32 $0xA000, s10  }
0xe: {  	s9 =	sadd.s32 $0x5000, s10;
	s23 =	sadd.s32 $0x102400, s13;
	s10 =	smax.u32 s11, $0x1  }
0xf: {  	s11 =	sshrl.u32 s12, $0x3;
	s12 =	simm.s32 $0x2;
	s13 =	simm.s32 $0x1400  }
0x10: {  	s21 =	sadd.s32 $0x280, s8;
	s22 =	sadd.s32 $0x280, s9;
	s23 =	sadd.s32 s24, s23  }
.LBB2_11:
0x11: {  	[sflag:s12] =	ssyncadd.s32 $0xFFFFC000  }
0x12: {  	_ =	swait.ge [sflag:s16], $0x4000  }
0x13: {  	[sflag:s16] =	ssyncset.done $0x0  }
0x14: {  	[sflag:s16] =	ssyncadd.s32 $0xFFFFC000  }
0x15: {  	[tilespmem:s17], [sflag:$0x1] =	stream.indirect.gather [hbm4b:s5+s14], $0x80, s18, s14, $0xb8;
	[tilespmem:$0x1E800] =	vst v63  }
0x16: {  	_ = 	snop  }
0x17: {  	[spmem:s2] =	stream.indirect.scatter.add.f32 [tilespmem:s15], [sflag:$0x2], $0x80, s19, s14, $0xb8;
	[tilespmem:$0x1E800] =	vst v63  }
0x18: {  	_ =	swait.ge [sflag:s12], $0x4000  }
0x19: {  	[sflag:s12] =	ssyncset.done $0x0  }
0x1a: {  	[sflag:s12] =	ssyncadd.s32 $0xFFFFC000  }
0x1b: {  	_ =	swait.ge [sflag:s16], $0x4000  }
0x1c: {  	[sflag:s16] =	ssyncset.done $0x0  }
0x1d: {  	[sflag:s16] =	ssyncadd.s32 $0xFFFFC000  }
0x1e: {  	[spmem:s2] =	stream.indirect.scatter.add.f32 [tilespmem:s17], [sflag:$0x2], $0x80, s20, s14, $0xb8;
	[tilespmem:$0x1E800] =	vst v63  }
0x1f: {  	_ =	swait.ge [sflag:s12], $0x4000  }
0x20: {  	[sflag:s12] =	ssyncset.done $0x0  }
0x21: {  	[sflag:s12] =	ssyncadd.s32 $0xFFFFC000  }
.LBB2_12:
0x22: {  	s3 =	sadd.s32 $0x1, s3  }
0x23: {  	p1 =	sne.s32 s3, s10  }
.Ltmp1:
0x24: {  	[bflag:$0x0] =	sbarrier.arrive $0xFFFF;
	(pc) =	sbr.rel @!p1 .LBB2_13-.Ltmp1, $4  }
0x25: {  	[hbm:s23], [sflag:s7] =	dma.local [spmem:s11], $0x2800  }
0x26: {  	_ =	swait.ge [sflag:s12], $0x2800  }
0x27: {  	[sflag:s12] =	ssyncset.done $0x0  }
0x28: {  	[sflag:s12] =	ssyncadd.s32 $0xFFFFD800  }
.LBB2_1:
0x29: {  	[spmem:s11], [sflag:s7] =	dma.local [hbm:s6], $0x2800  }
.Ltmp2:
0x2a: {  	_ =	swait.ge [sflag:s12], $0x2800;
	(pc) =	sbr.rel @!p0 .LBB2_2-.Ltmp2, $4  }
0x2b: {  	[sflag:s12] =	ssyncset.done $0x0  }
0x2c: {  	[sflag:s12] =	ssyncadd.s32 $0xFFFFD800  }
0x2d: {  	[bflag:$0x0] =	sbarrier.arrive $0xFFFF  }
0x2e: {  	s24 =	simm.s32 $0x0  }
0x2f: {  	[tilespmem:s24], [sflag:$0x2] =	stream.linear.gather [hbm4b:s8+s24], $0x1400, $0x38;
	[tilespmem:$0x1E800] =	vst v63  }
0x30: {  	_ =	swait.ge [sflag:s12], $0x1400  }
0x31: {  	[sflag:s12] =	ssyncset.done $0x0  }
0x32: {  	[sflag:s12] =	ssyncadd.s32 $0xFFFFEC00  }
0x33: {  	[tilespmem:s13], [sflag:$0x2] =	stream.linear.gather [hbm4b:s9+s24], $0x1400, $0x38;
	[tilespmem:$0x1E800] =	vst v63  }
0x34: {  	_ =	swait.ge [sflag:s12], $0x1400  }
0x35: {  	[sflag:s12] =	ssyncset.done $0x0  }
0x36: {  	[sflag:s12] =	ssyncadd.s32 $0xFFFFEC00  }
0x37: {  	[tilespmem:s15], [sflag:$0x1] =	stream.indirect.gather [hbm4b:s5+s14], $0x80, s24, s14, $0xb8;
	[tilespmem:$0x1E800] =	vst v63  }
0x38: {  	_ =	swait.ge [sflag:s16], $0x4000  }
0x39: {  	[sflag:s16] =	ssyncset.done $0x0  }
0x3a: {  	s28 =	simm.s32 $0x80;
	[sflag:s16] =	ssyncadd.s32 $0xFFFFC000  }
0x3b: {  	[tilespmem:s17], [sflag:$0x1] =	stream.indirect.gather [hbm4b:s5+s14], $0x80, s28, s14, $0xb8;
	[tilespmem:$0x1E800] =	vst v63  }
0x3c: {  	s29 =	simm.s32 $0x1400  }
0x3d: {  	[spmem:s2] =	stream.indirect.scatter.add.f32 [tilespmem:s15], [sflag:$0x2], $0x80, s29, s14, $0xb8;
	[tilespmem:$0x1E800] =	vst v63  }
0x3e: {  	_ =	swait.ge [sflag:s12], $0x4000  }
0x3f: {  	[sflag:s12] =	ssyncset.done $0x0  }
0x40: {  	[sflag:s12] =	ssyncadd.s32 $0xFFFFC000  }
0x41: {  	_ =	swait.ge [sflag:s16], $0x4000  }
0x42: {  	[sflag:s16] =	ssyncset.done $0x0  }
0x43: {  	s30 =	simm.s32 $0x100;
	[sflag:s16] =	ssyncadd.s32 $0xFFFFC000  }
0x44: {  	[tilespmem:s15], [sflag:$0x1] =	stream.indirect.gather [hbm4b:s5+s14], $0x80, s30, s14, $0xb8;
	[tilespmem:$0x1E800] =	vst v63  }
0x45: {  	s31 =	simm.s32 $0x1480  }
0x46: {  	[spmem:s2] =	stream.indirect.scatter.add.f32 [tilespmem:s17], [sflag:$0x2], $0x80, s31, s14, $0xb8;
	[tilespmem:$0x1E800] =	vst v63  }
0x47: {  	_ =	swait.ge [sflag:s12], $0x4000  }
0x48: {  	s24 =	simm.s32 $0x400;
	[sflag:s12] =	ssyncset.done $0x0  }
.LBB2_8:
0x49: {  	p1 =	sne.s32 s24, $0x4800  }
0x4a: {  	[sflag:s12] =	ssyncadd.s32 $0xFFFFC000;
	s25 =	smov.u32 s24;
	s24 =	sadd.s32 $0x400, s24  }
0x4b: {  	_ = 	snop  }
0x4c: {  	_ =	swait.ge [sflag:s16], $0x4000  }
0x4d: {  	s25 =	sshra.s32 s25, $0x2;
	[sflag:s16] =	ssyncset.done $0x0  }
0x4e: {  	s26 =	sadd.s32 $0x80, s25;
	[sflag:s16] =	ssyncadd.s32 $0xFFFFC000  }
0x4f: {  	[tilespmem:s17], [sflag:$0x1] =	stream.indirect.gather [hbm4b:s5+s14], $0x80, s26, s14, $0xb8;
	[tilespmem:$0x1E800] =	vst v63  }
0x50: {  	s26 =	sadd.s32 $0x1400, s25  }
0x51: {  	[spmem:s2] =	stream.indirect.scatter.add.f32 [tilespmem:s15], [sflag:$0x2], $0x80, s26, s14, $0xb8;
	[tilespmem:$0x1E800] =	vst v63  }
0x52: {  	_ =	swait.ge [sflag:s12], $0x4000  }
0x53: {  	[sflag:s12] =	ssyncset.done $0x0  }
0x54: {  	[sflag:s12] =	ssyncadd.s32 $0xFFFFC000  }
0x55: {  	_ =	swait.ge [sflag:s16], $0x4000  }
0x56: {  	[sflag:s16] =	ssyncset.done $0x0  }
0x57: {  	s26 =	sadd.s32 $0x100, s25;
	[sflag:s16] =	ssyncadd.s32 $0xFFFFC000  }
0x58: {  	[tilespmem:s15], [sflag:$0x1] =	stream.indirect.gather [hbm4b:s5+s14], $0x80, s26, s14, $0xb8;
	[tilespmem:$0x1E800] =	vst v63  }
.Ltmp3:
0x59: {  	_ = 	snop;
	(pc) =	sbr.rel @p1 .LBB2_8-.Ltmp3, $4  }
0x5a: {  	s25 =	sadd.s32 $0x1480, s25  }
0x5b: {  	[spmem:s2] =	stream.indirect.scatter.add.f32 [tilespmem:s17], [sflag:$0x2], $0x80, s25, s14, $0xb8;
	[tilespmem:$0x1E800] =	vst v63  }
0x5c: {  	_ =	swait.ge [sflag:s12], $0x4000  }
0x5d: {  	[sflag:s12] =	ssyncset.done $0x0  }
0x5e: {  	[sflag:s12] =	ssyncadd.s32 $0xFFFFC000  }
0x5f: {  	_ =	swait.ge [sflag:s16], $0x4000  }
0x60: {  	[sflag:s16] =	ssyncset.done $0x0  }
0x61: {  	[sflag:s16] =	ssyncadd.s32 $0xFFFFC000  }
0x62: {  	[tilespmem:s17], [sflag:$0x1] =	stream.indirect.gather [hbm4b:s5+s14], $0x80, s18, s14, $0xb8;
	[tilespmem:$0x1E800] =	vst v63  }
0x63: {  	_ = 	snop  }
0x64: {  	[spmem:s2] =	stream.indirect.scatter.add.f32 [tilespmem:s15], [sflag:$0x2], $0x80, s19, s14, $0xb8;
	[tilespmem:$0x1E800] =	vst v63  }
0x65: {  	_ =	swait.ge [sflag:s12], $0x4000  }
0x66: {  	[sflag:s12] =	ssyncset.done $0x0  }
0x67: {  	[sflag:s12] =	ssyncadd.s32 $0xFFFFC000  }
0x68: {  	_ =	swait.ge [sflag:s16], $0x4000  }
0x69: {  	[sflag:s16] =	ssyncset.done $0x0  }
0x6a: {  	[sflag:s16] =	ssyncadd.s32 $0xFFFFC000  }
0x6b: {  	[spmem:s2] =	stream.indirect.scatter.add.f32 [tilespmem:s17], [sflag:$0x2], $0x80, s20, s14, $0xb8;
	[tilespmem:$0x1E800] =	vst v63  }
0x6c: {  	_ =	swait.ge [sflag:s12], $0x4000  }
0x6d: {  	[sflag:s12] =	ssyncset.done $0x0  }
0x6e: {  	s24 =	simm.s32 $0x0;
	[sflag:s12] =	ssyncadd.s32 $0xFFFFC000  }
0x6f: {  	[tilespmem:s24], [sflag:$0x2] =	stream.linear.gather [hbm4b:s21+s24], $0x1400, $0x38;
	[tilespmem:$0x1E800] =	vst v63  }
0x70: {  	_ =	swait.ge [sflag:s12], $0x1400  }
0x71: {  	[sflag:s12] =	ssyncset.done $0x0  }
0x72: {  	[sflag:s12] =	ssyncadd.s32 $0xFFFFEC00  }
0x73: {  	[tilespmem:s13], [sflag:$0x2] =	stream.linear.gather [hbm4b:s22+s24], $0x1400, $0x38;
	[tilespmem:$0x1E800] =	vst v63  }
0x74: {  	_ =	swait.ge [sflag:s12], $0x1400  }
0x75: {  	[sflag:s12] =	ssyncset.done $0x0  }
0x76: {  	[sflag:s12] =	ssyncadd.s32 $0xFFFFEC00  }
0x77: {  	[tilespmem:s15], [sflag:$0x1] =	stream.indirect.gather [hbm4b:s5+s14], $0x80, s24, s14, $0xb8;
	[tilespmem:$0x1E800] =	vst v63  }
0x78: {  	_ =	swait.ge [sflag:s16], $0x4000  }
0x79: {  	[sflag:s16] =	ssyncset.done $0x0  }
0x7a: {  	s28 =	simm.s32 $0x80;
	[sflag:s16] =	ssyncadd.s32 $0xFFFFC000  }
0x7b: {  	[tilespmem:s17], [sflag:$0x1] =	stream.indirect.gather [hbm4b:s5+s14], $0x80, s28, s14, $0xb8;
	[tilespmem:$0x1E800] =	vst v63  }
0x7c: {  	s29 =	simm.s32 $0x1400  }
0x7d: {  	[spmem:s2] =	stream.indirect.scatter.add.f32 [tilespmem:s15], [sflag:$0x2], $0x80, s29, s14, $0xb8;
	[tilespmem:$0x1E800] =	vst v63  }
0x7e: {  	_ =	swait.ge [sflag:s12], $0x4000  }
0x7f: {  	[sflag:s12] =	ssyncset.done $0x0  }
0x80: {  	[sflag:s12] =	ssyncadd.s32 $0xFFFFC000  }
0x81: {  	_ =	swait.ge [sflag:s16], $0x4000  }
0x82: {  	[sflag:s16] =	ssyncset.done $0x0  }
0x83: {  	s30 =	simm.s32 $0x100;
	[sflag:s16] =	ssyncadd.s32 $0xFFFFC000  }
0x84: {  	[tilespmem:s15], [sflag:$0x1] =	stream.indirect.gather [hbm4b:s5+s14], $0x80, s30, s14, $0xb8;
	[tilespmem:$0x1E800] =	vst v63  }
0x85: {  	s31 =	simm.s32 $0x1480  }
0x86: {  	[spmem:s2] =	stream.indirect.scatter.add.f32 [tilespmem:s17], [sflag:$0x2], $0x80, s31, s14, $0xb8;
	[tilespmem:$0x1E800] =	vst v63  }
0x87: {  	_ =	swait.ge [sflag:s12], $0x4000  }
0x88: {  	s24 =	simm.s32 $0x400;
	[sflag:s12] =	ssyncset.done $0x0  }
.LBB2_10:
0x89: {  	p1 =	sne.s32 s24, $0x4800  }
0x8a: {  	[sflag:s12] =	ssyncadd.s32 $0xFFFFC000;
	s25 =	smov.u32 s24;
	s24 =	sadd.s32 $0x400, s24  }
0x8b: {  	_ = 	snop  }
0x8c: {  	_ =	swait.ge [sflag:s16], $0x4000  }
0x8d: {  	s25 =	sshra.s32 s25, $0x2;
	[sflag:s16] =	ssyncset.done $0x0  }
0x8e: {  	s26 =	sadd.s32 $0x80, s25;
	[sflag:s16] =	ssyncadd.s32 $0xFFFFC000  }
0x8f: {  	[tilespmem:s17], [sflag:$0x1] =	stream.indirect.gather [hbm4b:s5+s14], $0x80, s26, s14, $0xb8;
	[tilespmem:$0x1E800] =	vst v63  }
0x90: {  	s26 =	sadd.s32 $0x1400, s25  }
0x91: {  	[spmem:s2] =	stream.indirect.scatter.add.f32 [tilespmem:s15], [sflag:$0x2], $0x80, s26, s14, $0xb8;
	[tilespmem:$0x1E800] =	vst v63  }
0x92: {  	_ =	swait.ge [sflag:s12], $0x4000  }
0x93: {  	[sflag:s12] =	ssyncset.done $0x0  }
0x94: {  	[sflag:s12] =	ssyncadd.s32 $0xFFFFC000  }
0x95: {  	_ =	swait.ge [sflag:s16], $0x4000  }
0x96: {  	[sflag:s16] =	ssyncset.done $0x0  }
0x97: {  	s26 =	sadd.s32 $0x100, s25;
	[sflag:s16] =	ssyncadd.s32 $0xFFFFC000  }
0x98: {  	[tilespmem:s15], [sflag:$0x1] =	stream.indirect.gather [hbm4b:s5+s14], $0x80, s26, s14, $0xb8;
	[tilespmem:$0x1E800] =	vst v63  }
.Ltmp4:
0x99: {  	_ = 	snop;
	(pc) =	sbr.rel @p1 .LBB2_10-.Ltmp4, $4  }
0x9a: {  	s25 =	sadd.s32 $0x1480, s25  }
0x9b: {  	[spmem:s2] =	stream.indirect.scatter.add.f32 [tilespmem:s17], [sflag:$0x2], $0x80, s25, s14, $0xb8;
	[tilespmem:$0x1E800] =	vst v63  }
0x9c: {  	_ =	swait.ge [sflag:s12], $0x4000  }
0x9d: {  	[sflag:s12] =	ssyncset.done $0x0  }
.Ltmp5:
0x9e: {  	_ = 	snop;
	(pc) =	sbr.rel .LBB2_11-.Ltmp5, $1  }
0x9f: {  	_ =	sdelay $0x3  }
.LBB2_2:
0xa0: {  	[tilespmem:s24], [sflag:$0x2] =	stream.linear.gather [hbm4b:s8+s24], $0x1400, $0x38;
	[tilespmem:$0x1E800] =	vst v63  }
0xa1: {  	_ =	swait.ge [sflag:s12], $0x1400  }
0xa2: {  	[sflag:s12] =	ssyncset.done $0x0  }
0xa3: {  	[sflag:s12] =	ssyncadd.s32 $0xFFFFEC00  }
0xa4: {  	[tilespmem:s13], [sflag:$0x2] =	stream.linear.gather [hbm4b:s9+s24], $0x1400, $0x38;
	[tilespmem:$0x1E800] =	vst v63  }
0xa5: {  	_ =	swait.ge [sflag:s12], $0x1400  }
0xa6: {  	[sflag:s12] =	ssyncset.done $0x0  }
0xa7: {  	[sflag:s12] =	ssyncadd.s32 $0xFFFFEC00  }
0xa8: {  	[tilespmem:s15], [sflag:$0x1] =	stream.indirect.gather [hbm4b:s4+s14], $0x80, s24, s14, $0xb8;
	[tilespmem:$0x1E800] =	vst v63  }
0xa9: {  	_ =	swait.ge [sflag:s16], $0x4000  }
0xaa: {  	[sflag:s16] =	ssyncset.done $0x0  }
0xab: {  	s28 =	simm.s32 $0x80;
	[sflag:s16] =	ssyncadd.s32 $0xFFFFC000  }
0xac: {  	[tilespmem:s17], [sflag:$0x1] =	stream.indirect.gather [hbm4b:s4+s14], $0x80, s28, s14, $0xb8;
	[tilespmem:$0x1E800] =	vst v63  }
0xad: {  	s29 =	simm.s32 $0x1400  }
0xae: {  	[spmem:s2] =	stream.indirect.scatter.add.f32 [tilespmem:s15], [sflag:$0x2], $0x80, s29, s14, $0xb8;
	[tilespmem:$0x1E800] =	vst v63  }
0xaf: {  	_ =	swait.ge [sflag:s12], $0x4000  }
0xb0: {  	[sflag:s12] =	ssyncset.done $0x0  }
0xb1: {  	[sflag:s12] =	ssyncadd.s32 $0xFFFFC000  }
0xb2: {  	_ =	swait.ge [sflag:s16], $0x4000  }
0xb3: {  	[sflag:s16] =	ssyncset.done $0x0  }
0xb4: {  	s30 =	simm.s32 $0x100;
	[sflag:s16] =	ssyncadd.s32 $0xFFFFC000  }
0xb5: {  	[tilespmem:s15], [sflag:$0x1] =	stream.indirect.gather [hbm4b:s4+s14], $0x80, s30, s14, $0xb8;
	[tilespmem:$0x1E800] =	vst v63  }
0xb6: {  	s31 =	simm.s32 $0x1480  }
0xb7: {  	[spmem:s2] =	stream.indirect.scatter.add.f32 [tilespmem:s17], [sflag:$0x2], $0x80, s31, s14, $0xb8;
	[tilespmem:$0x1E800] =	vst v63  }
0xb8: {  	_ =	swait.ge [sflag:s12], $0x4000  }
0xb9: {  	s24 =	simm.s32 $0x400;
	[sflag:s12] =	ssyncset.done $0x0  }
.LBB2_3:
0xba: {  	p1 =	sne.s32 s24, $0x4800  }
0xbb: {  	[sflag:s12] =	ssyncadd.s32 $0xFFFFC000;
	s25 =	smov.u32 s24;
	s24 =	sadd.s32 $0x400, s24  }
0xbc: {  	_ = 	snop  }
0xbd: {  	_ =	swait.ge [sflag:s16], $0x4000  }
0xbe: {  	s25 =	sshra.s32 s25, $0x2;
	[sflag:s16] =	ssyncset.done $0x0  }
0xbf: {  	s26 =	sadd.s32 $0x80, s25;
	[sflag:s16] =	ssyncadd.s32 $0xFFFFC000  }
0xc0: {  	[tilespmem:s17], [sflag:$0x1] =	stream.indirect.gather [hbm4b:s4+s14], $0x80, s26, s14, $0xb8;
	[tilespmem:$0x1E800] =	vst v63  }
0xc1: {  	s26 =	sadd.s32 $0x1400, s25  }
0xc2: {  	[spmem:s2] =	stream.indirect.scatter.add.f32 [tilespmem:s15], [sflag:$0x2], $0x80, s26, s14, $0xb8;
	[tilespmem:$0x1E800] =	vst v63  }
0xc3: {  	_ =	swait.ge [sflag:s12], $0x4000  }
0xc4: {  	[sflag:s12] =	ssyncset.done $0x0  }
0xc5: {  	[sflag:s12] =	ssyncadd.s32 $0xFFFFC000  }
0xc6: {  	_ =	swait.ge [sflag:s16], $0x4000  }
0xc7: {  	[sflag:s16] =	ssyncset.done $0x0  }
0xc8: {  	s26 =	sadd.s32 $0x100, s25;
	[sflag:s16] =	ssyncadd.s32 $0xFFFFC000  }
0xc9: {  	[tilespmem:s15], [sflag:$0x1] =	stream.indirect.gather [hbm4b:s4+s14], $0x80, s26, s14, $0xb8;
	[tilespmem:$0x1E800] =	vst v63  }
.Ltmp6:
0xca: {  	_ = 	snop;
	(pc) =	sbr.rel @p1 .LBB2_3-.Ltmp6, $4  }
0xcb: {  	s25 =	sadd.s32 $0x1480, s25  }
0xcc: {  	[spmem:s2] =	stream.indirect.scatter.add.f32 [tilespmem:s17], [sflag:$0x2], $0x80, s25, s14, $0xb8;
	[tilespmem:$0x1E800] =	vst v63  }
0xcd: {  	_ =	swait.ge [sflag:s12], $0x4000  }
0xce: {  	[sflag:s12] =	ssyncset.done $0x0  }
0xcf: {  	[sflag:s12] =	ssyncadd.s32 $0xFFFFC000  }
0xd0: {  	_ =	swait.ge [sflag:s16], $0x4000  }
0xd1: {  	[sflag:s16] =	ssyncset.done $0x0  }
0xd2: {  	[sflag:s16] =	ssyncadd.s32 $0xFFFFC000  }
0xd3: {  	[tilespmem:s17], [sflag:$0x1] =	stream.indirect.gather [hbm4b:s4+s14], $0x80, s18, s14, $0xb8;
	[tilespmem:$0x1E800] =	vst v63  }
0xd4: {  	_ = 	snop  }
0xd5: {  	[spmem:s2] =	stream.indirect.scatter.add.f32 [tilespmem:s15], [sflag:$0x2], $0x80, s19, s14, $0xb8;
	[tilespmem:$0x1E800] =	vst v63  }
0xd6: {  	_ =	swait.ge [sflag:s12], $0x4000  }
0xd7: {  	[sflag:s12] =	ssyncset.done $0x0  }
0xd8: {  	[sflag:s12] =	ssyncadd.s32 $0xFFFFC000  }
0xd9: {  	_ =	swait.ge [sflag:s16], $0x4000  }
0xda: {  	[sflag:s16] =	ssyncset.done $0x0  }
0xdb: {  	[sflag:s16] =	ssyncadd.s32 $0xFFFFC000  }
0xdc: {  	[spmem:s2] =	stream.indirect.scatter.add.f32 [tilespmem:s17], [sflag:$0x2], $0x80, s20, s14, $0xb8;
	[tilespmem:$0x1E800] =	vst v63  }
0xdd: {  	_ =	swait.ge [sflag:s12], $0x4000  }
0xde: {  	[sflag:s12] =	ssyncset.done $0x0  }
0xdf: {  	s24 =	simm.s32 $0x0;
	[sflag:s12] =	ssyncadd.s32 $0xFFFFC000  }
0xe0: {  	[tilespmem:s24], [sflag:$0x2] =	stream.linear.gather [hbm4b:s21+s24], $0x1400, $0x38;
	[tilespmem:$0x1E800] =	vst v63  }
0xe1: {  	_ =	swait.ge [sflag:s12], $0x1400  }
0xe2: {  	[sflag:s12] =	ssyncset.done $0x0  }
0xe3: {  	[sflag:s12] =	ssyncadd.s32 $0xFFFFEC00  }
0xe4: {  	[tilespmem:s13], [sflag:$0x2] =	stream.linear.gather [hbm4b:s22+s24], $0x1400, $0x38;
	[tilespmem:$0x1E800] =	vst v63  }
0xe5: {  	_ =	swait.ge [sflag:s12], $0x1400  }
0xe6: {  	[sflag:s12] =	ssyncset.done $0x0  }
0xe7: {  	[sflag:s12] =	ssyncadd.s32 $0xFFFFEC00  }
0xe8: {  	[tilespmem:s15], [sflag:$0x1] =	stream.indirect.gather [hbm4b:s4+s14], $0x80, s24, s14, $0xb8;
	[tilespmem:$0x1E800] =	vst v63  }
0xe9: {  	_ =	swait.ge [sflag:s16], $0x4000  }
0xea: {  	[sflag:s16] =	ssyncset.done $0x0  }
0xeb: {  	s28 =	simm.s32 $0x80;
	[sflag:s16] =	ssyncadd.s32 $0xFFFFC000  }
0xec: {  	[tilespmem:s17], [sflag:$0x1] =	stream.indirect.gather [hbm4b:s4+s14], $0x80, s28, s14, $0xb8;
	[tilespmem:$0x1E800] =	vst v63  }
0xed: {  	s29 =	simm.s32 $0x1400  }
0xee: {  	[spmem:s2] =	stream.indirect.scatter.add.f32 [tilespmem:s15], [sflag:$0x2], $0x80, s29, s14, $0xb8;
	[tilespmem:$0x1E800] =	vst v63  }
0xef: {  	_ =	swait.ge [sflag:s12], $0x4000  }
0xf0: {  	[sflag:s12] =	ssyncset.done $0x0  }
0xf1: {  	[sflag:s12] =	ssyncadd.s32 $0xFFFFC000  }
0xf2: {  	_ =	swait.ge [sflag:s16], $0x4000  }
0xf3: {  	[sflag:s16] =	ssyncset.done $0x0  }
0xf4: {  	s30 =	simm.s32 $0x100;
	[sflag:s16] =	ssyncadd.s32 $0xFFFFC000  }
0xf5: {  	[tilespmem:s15], [sflag:$0x1] =	stream.indirect.gather [hbm4b:s4+s14], $0x80, s30, s14, $0xb8;
	[tilespmem:$0x1E800] =	vst v63  }
0xf6: {  	s31 =	simm.s32 $0x1480  }
0xf7: {  	[spmem:s2] =	stream.indirect.scatter.add.f32 [tilespmem:s17], [sflag:$0x2], $0x80, s31, s14, $0xb8;
	[tilespmem:$0x1E800] =	vst v63  }
0xf8: {  	_ =	swait.ge [sflag:s12], $0x4000  }
0xf9: {  	s24 =	simm.s32 $0x400;
	[sflag:s12] =	ssyncset.done $0x0  }
.LBB2_5:
0xfa: {  	p1 =	sne.s32 s24, $0x4800  }
0xfb: {  	[sflag:s12] =	ssyncadd.s32 $0xFFFFC000;
	s25 =	smov.u32 s24;
	s24 =	sadd.s32 $0x400, s24  }
0xfc: {  	_ = 	snop  }
0xfd: {  	_ =	swait.ge [sflag:s16], $0x4000  }
0xfe: {  	s25 =	sshra.s32 s25, $0x2;
	[sflag:s16] =	ssyncset.done $0x0  }
0xff: {  	s26 =	sadd.s32 $0x80, s25;
	[sflag:s16] =	ssyncadd.s32 $0xFFFFC000  }
0x100: {  	[tilespmem:s17], [sflag:$0x1] =	stream.indirect.gather [hbm4b:s4+s14], $0x80, s26, s14, $0xb8;
	[tilespmem:$0x1E800] =	vst v63  }
0x101: {  	s26 =	sadd.s32 $0x1400, s25  }
0x102: {  	[spmem:s2] =	stream.indirect.scatter.add.f32 [tilespmem:s15], [sflag:$0x2], $0x80, s26, s14, $0xb8;
	[tilespmem:$0x1E800] =	vst v63  }
0x103: {  	_ =	swait.ge [sflag:s12], $0x4000  }
0x104: {  	[sflag:s12] =	ssyncset.done $0x0  }
0x105: {  	[sflag:s12] =	ssyncadd.s32 $0xFFFFC000  }
0x106: {  	_ =	swait.ge [sflag:s16], $0x4000  }
0x107: {  	[sflag:s16] =	ssyncset.done $0x0  }
0x108: {  	s26 =	sadd.s32 $0x100, s25;
	[sflag:s16] =	ssyncadd.s32 $0xFFFFC000  }
0x109: {  	[tilespmem:s15], [sflag:$0x1] =	stream.indirect.gather [hbm4b:s4+s14], $0x80, s26, s14, $0xb8;
	[tilespmem:$0x1E800] =	vst v63  }
.Ltmp7:
0x10a: {  	_ = 	snop;
	(pc) =	sbr.rel @p1 .LBB2_5-.Ltmp7, $4  }
0x10b: {  	s25 =	sadd.s32 $0x1480, s25  }
0x10c: {  	[spmem:s2] =	stream.indirect.scatter.add.f32 [tilespmem:s17], [sflag:$0x2], $0x80, s25, s14, $0xb8;
	[tilespmem:$0x1E800] =	vst v63  }
0x10d: {  	_ =	swait.ge [sflag:s12], $0x4000  }
0x10e: {  	[sflag:s12] =	ssyncset.done $0x0  }
0x10f: {  	[sflag:s12] =	ssyncadd.s32 $0xFFFFC000  }
0x110: {  	_ =	swait.ge [sflag:s16], $0x4000  }
0x111: {  	[sflag:s16] =	ssyncset.done $0x0  }
0x112: {  	[sflag:s16] =	ssyncadd.s32 $0xFFFFC000  }
0x113: {  	[tilespmem:s17], [sflag:$0x1] =	stream.indirect.gather [hbm4b:s4+s14], $0x80, s18, s14, $0xb8;
	[tilespmem:$0x1E800] =	vst v63  }
0x114: {  	_ = 	snop  }
0x115: {  	[spmem:s2] =	stream.indirect.scatter.add.f32 [tilespmem:s15], [sflag:$0x2], $0x80, s19, s14, $0xb8;
	[tilespmem:$0x1E800] =	vst v63  }
0x116: {  	_ =	swait.ge [sflag:s12], $0x4000  }
0x117: {  	[sflag:s12] =	ssyncset.done $0x0  }
0x118: {  	[sflag:s12] =	ssyncadd.s32 $0xFFFFC000  }
0x119: {  	_ =	swait.ge [sflag:s16], $0x4000  }
0x11a: {  	[sflag:s16] =	ssyncset.done $0x0  }
.Ltmp8:
0x11b: {  	[sflag:s16] =	ssyncadd.s32 $0xFFFFC000;
	(pc) =	sbr.rel .LBB2_12-.Ltmp8, $4  }
0x11c: {  	[spmem:s2] =	stream.indirect.scatter.add.f32 [tilespmem:s17], [sflag:$0x2], $0x80, s20, s14, $0xb8;
	[tilespmem:$0x1E800] =	vst v63  }
0x11d: {  	_ =	swait.ge [sflag:s12], $0x4000  }
0x11e: {  	[sflag:s12] =	ssyncset.done $0x0  }
0x11f: {  	[sflag:s12] =	ssyncadd.s32 $0xFFFFC000  }
.LBB2_13:
0x120: {  	_ =	sfence.sel $0x180000  }
0x121: {  	[bflag:$0x0] =	sbarrier.arrive $0xFFFF  }
0x122: {  	p0 =	sne.s32 s1, $0x0;
	_ =	strace $0x90000050  }
0x123: {  	s0 =	sadd.s32 @!p0 $0x100000, s0;
	[bflag:$0x2] =	sbarrier.arrive $0xFFFF  }
0x124: {  	[sflag:s0] =	ssyncadd.tile.s32 @!p0 $0x1;
	_ =	shalt  }
.Lfunc_end2:
_tile_overlayer_lowered:
.L_overlay_start_2:
0x125: {  	(tag) =	ssettag $0x2  }
0x126: {  	s0 =	rddreg [dreg:$0x0];
	s2 =	stileid.u32  }
0x127: {  	s1 =	rddreg [dreg:$0x1];
	p0 =	sne.s32 s2, $0x0  }
0x128: {  	s3 =	rddreg [dreg:$0x2];
	[bflag:$0x3] =	sbarrier.arrive $0xFFFF;
	s2 =	simm.s32 @!p0 $0x1C02  }
0x129: {  	[timem:s3], [sflag:s2] =	dma.local @!p0 [hbm:s0], s1  }
0x12a: {  	s0 =	simm.s32 @!p0 $0x2  }
0x12b: {  	_ =	swait.ge @!p0 [sflag:s0], s1  }
0x12c: {  	s1 =	ssub.s32 @!p0 $0x0, s1;
	[sflag:s0] =	ssyncset.done @!p0 $0x0  }
0x12d: {  	[sflag:s0] =	ssyncadd.s32 @!p0 s1  }
0x12e: {  	[bflag:$0x3] =	sbarrier.arrive $0xFFFF  }
0x12f: {  	_ =	shalt  }

</sc_bundles>
